<compile_context>
chip_gen: v7x
topology: tpu7x:2x2x1
jax: 0.10.2.dev20260603
libtpu: 0.0.44.dev20260713+nightly
codegen_flags: <defaults>
</compile_context>

<pallas_src>
import functools

import jax
import jax.numpy as jnp
from jax import lax
from jax.experimental import pallas as pl
from jax.experimental.pallas import tpu as pltpu
from jax.experimental.pallas import tpu_sc as plsc

N = 10000
NP = 10240
D = 128
G = 64
E = 320000
ET = E + N
NTILES = 32
K = 128
NBLK = 81
NBLK0 = 95
NBLK1 = 67
NBLKMX = 95
SCH = 8
NCH = 12
EPAD = NTILES * NBLK * K
RPT = NP // 16
R = 1024
DDEG = 128

def _sc_deg_body(dst_hbm, ones_hbm, zeros_hbm, out_hbm, dst_idx, ones_v, acc,
                 dsem):
    c = lax.axis_index("c")
    s = lax.axis_index("s")
    wid = c * 16 + s
    pltpu.sync_copy(zeros_hbm.at[pl.ds(s * RPT, RPT)], acc.at[pl.ds(s * RPT, RPT)])
    pltpu.sync_copy(dst_hbm.at[wid], dst_idx)
    pltpu.sync_copy(ones_hbm, ones_v)
    plsc.subcore_barrier()

    def drain_one():
        pltpu.make_async_copy(ones_v, acc.at[dst_idx.at[0]], dsem).wait()

    def body(j, carry):
        pltpu.async_copy(ones_v, acc.at[dst_idx.at[j]], dsem, add=True)

        @pl.when(j >= 8)
        def _():
            drain_one()

        return carry

    lax.fori_loop(0, NBLK, body, 0)
    for _ in range(8):
        drain_one()
    plsc.subcore_barrier()
    pltpu.sync_copy(acc.at[pl.ds(s * RPT, RPT)], out_hbm.at[c, pl.ds(s * RPT, RPT)])


@functools.lru_cache(maxsize=None)
def _get_sc_deg():
    mesh = plsc.VectorSubcoreMesh(core_axis_name="c", subcore_axis_name="s")
    return pl.kernel(
        _sc_deg_body,
        out_type=jax.ShapeDtypeStruct((2, NP, DDEG), jnp.float32),
        mesh=mesh,
        scratch_types=[
            pltpu.VMEM((NBLK, K), jnp.int32),
            pltpu.VMEM((K, DDEG), jnp.float32),
            pltpu.VMEM_SHARED((NP, DDEG), jnp.float32),
            pltpu.SemaphoreType.DMA,
        ],
    )


NBUF = 2
LOOKAHEAD = 1


def _sc_agg_body(hp_hbm, src_hbm, dst_hbm, zeros_hbm, out_hbm,
                 srcch, dst_idx, rows, acc, gsem, ssem):
    c = lax.axis_index("c")
    s = lax.axis_index("s")
    wid = c * 16 + s
    nblk = jnp.where(c == 0, NBLK0, NBLK1)
    pltpu.sync_copy(zeros_hbm.at[pl.ds(s * RPT, RPT)], acc.at[pl.ds(s * RPT, RPT)])
    pltpu.sync_copy(dst_hbm.at[wid], dst_idx)
    pltpu.sync_copy(src_hbm.at[wid, pl.ds(0, SCH)], srcch.at[0])

    def load_chunk(ci):
        pltpu.sync_copy(src_hbm.at[wid, pl.ds(ci * SCH, SCH)],
                        srcch.at[lax.rem(ci, 2)])

    def start_gather(j, b):
        ci = lax.div(j, SCH)
        pltpu.async_copy(
            hp_hbm.at[srcch.at[lax.rem(ci, 2), lax.rem(j, SCH)]],
            rows.at[b], gsem)

    def wait_gather_one():
        pltpu.make_async_copy(hp_hbm.at[srcch.at[0, 0]], rows.at[0],
                              gsem).wait()

    def start_scatter(j, b):
        pltpu.async_copy(rows.at[b], acc.at[dst_idx.at[j]], ssem, add=True)

    def wait_scatter_one():
        pltpu.make_async_copy(rows.at[0], acc.at[dst_idx.at[0]], ssem).wait()

    plsc.subcore_barrier()

    for j in range(LOOKAHEAD):
        start_gather(j, j % NBUF)

    def body(j, carry):
        jg = j + LOOKAHEAD

        @pl.when(jg < nblk)
        def _():
            @pl.when(jg >= NBUF)
            def _():
                wait_scatter_one()

            @pl.when(lax.rem(jg, SCH) == 0)
            def _():
                load_chunk(lax.div(jg, SCH))

            start_gather(jg, lax.rem(jg, NBUF))

        wait_gather_one()
        start_scatter(j, lax.rem(j, NBUF))
        return carry

    lax.fori_loop(0, nblk, body, 0)
    for _ in range(NBUF):
        wait_scatter_one()
    plsc.subcore_barrier()
    pltpu.sync_copy(acc.at[pl.ds(s * RPT, RPT)], out_hbm.at[c, pl.ds(s * RPT, RPT)])


@functools.lru_cache(maxsize=None)
def _get_sc_agg():
    mesh = plsc.VectorSubcoreMesh(core_axis_name="c", subcore_axis_name="s")
    return pl.kernel(
        _sc_agg_body,
        out_type=jax.ShapeDtypeStruct((2, NP, D), jnp.float32),
        mesh=mesh,
        scratch_types=[
            pltpu.VMEM((2, SCH, K), jnp.int32),
            pltpu.VMEM((NBLKMX, K), jnp.int32),
            pltpu.VMEM((NBUF, K, D), jnp.float32),
            pltpu.VMEM_SHARED((NP, D), jnp.float32),
            pltpu.SemaphoreType.DMA,
            pltpu.SemaphoreType.DMA,
        ],
    )


def _tc_in_body(x_ref, w_ref, degp_ref, hp_ref, dinv_ref):
    a = jnp.dot(x_ref[...], w_ref[...], preferred_element_type=jnp.float32)
    d = degp_ref[0, :, 0:1] + degp_ref[1, :, 0:1]
    dinv = jnp.where(d > 0, 1.0 / jnp.sqrt(d), 0.0)
    hp_ref[...] = a * dinv
    dinv_ref[...] = dinv


_tc_in = pl.pallas_call(
    _tc_in_body,
    grid=(NP // R,),
    in_specs=[
        pl.BlockSpec((R, D), lambda i: (i, 0)),
        pl.BlockSpec((D, D), lambda i: (0, 0)),
        pl.BlockSpec((2, R, DDEG), lambda i: (0, i, 0)),
    ],
    out_specs=[
        pl.BlockSpec((R, D), lambda i: (i, 0)),
        pl.BlockSpec((R, 1), lambda i: (i, 0)),
    ],
    out_shape=[
        jax.ShapeDtypeStruct((NP, D), jnp.float32),
        jax.ShapeDtypeStruct((NP, 1), jnp.float32),
    ],
)


def _tc_mid_body(p_ref, dinv_ref, b_ref, w_ref, hp_ref):
    dinv = dinv_ref[...]
    h = jnp.maximum((p_ref[0] + p_ref[1]) * dinv + b_ref[...], 0.0)
    hp_ref[...] = jnp.dot(h, w_ref[...], preferred_element_type=jnp.float32) * dinv


_tc_mid = pl.pallas_call(
    _tc_mid_body,
    grid=(NP // R,),
    in_specs=[
        pl.BlockSpec((2, R, D), lambda i: (0, i, 0)),
        pl.BlockSpec((R, 1), lambda i: (i, 0)),
        pl.BlockSpec((1, D), lambda i: (0, 0)),
        pl.BlockSpec((D, D), lambda i: (0, 0)),
    ],
    out_specs=pl.BlockSpec((R, D), lambda i: (i, 0)),
    out_shape=jax.ShapeDtypeStruct((NP, D), jnp.float32),
)


def _tc_fin_body(p_ref, dinv_ref, b_ref, batch_ref, sums_ref, cnts_ref):
    h = jnp.maximum((p_ref[0] + p_ref[1]) * dinv_ref[...] + b_ref[...], 0.0)
    gid = lax.broadcasted_iota(jnp.int32, (R, G), 1)
    oh = (batch_ref[...] == gid).astype(jnp.float32)
    s = lax.dot_general(oh, h, (((0,), (0,)), ((), ())),
                        preferred_element_type=jnp.float32,
                        precision=lax.Precision.HIGHEST)
    cn = lax.dot_general(oh, jnp.ones((R, D), jnp.float32),
                         (((0,), (0,)), ((), ())),
                         preferred_element_type=jnp.float32,
                         precision=lax.Precision.HIGHEST)
    i = pl.program_id(0)

    @pl.when(i == 0)
    def _():
        sums_ref[...] = s
        cnts_ref[...] = cn

    @pl.when(i != 0)
    def _():
        sums_ref[...] += s
        cnts_ref[...] += cn


_tc_fin = pl.pallas_call(
    _tc_fin_body,
    grid=(NP // R,),
    in_specs=[
        pl.BlockSpec((2, R, D), lambda i: (0, i, 0)),
        pl.BlockSpec((R, 1), lambda i: (i, 0)),
        pl.BlockSpec((1, D), lambda i: (0, 0)),
        pl.BlockSpec((R, 1), lambda i: (i, 0)),
    ],
    out_specs=[
        pl.BlockSpec((G, D), lambda i: (0, 0)),
        pl.BlockSpec((G, D), lambda i: (0, 0)),
    ],
    out_shape=[
        jax.ShapeDtypeStruct((G, D), jnp.float32),
        jax.ShapeDtypeStruct((G, D), jnp.float32),
    ],
)


def _tc_head_body(sums_ref, cnts_ref, w0, b0, w1, b1, w2, b2, w3, b3, w4, b4,
                  w5, b5, out_ref):
    h = sums_ref[...] / jnp.maximum(cnts_ref[...], 1.0)
    layers = ((w0, b0), (w1, b1), (w2, b2), (w3, b3), (w4, b4), (w5, b5))
    for li, (w, b) in enumerate(layers):
        h = jnp.dot(h, w[...], preferred_element_type=jnp.float32) + b[...]
        if li < len(layers) - 1:
            h = jnp.maximum(h, 0.0)
    out_ref[...] = h


def _make_tc_head():
    fc_dims = [(128, 128), (128, 256), (256, 128), (128, 64), (64, 32), (32, 1)]
    in_specs = [
        pl.BlockSpec((G, D), lambda i: (0, 0)),
        pl.BlockSpec((G, D), lambda i: (0, 0)),
    ]
    for din, dout in fc_dims:
        in_specs.append(pl.BlockSpec((din, dout), lambda i: (0, 0)))
        in_specs.append(pl.BlockSpec((1, dout), lambda i: (0, 0)))
    return pl.pallas_call(
        _tc_head_body,
        grid=(1,),
        in_specs=in_specs,
        out_specs=pl.BlockSpec((G, 1), lambda i: (0, 0)),
        out_shape=jax.ShapeDtypeStruct((G, 1), jnp.float32),
    )


_tc_head = _make_tc_head()


def kernel(x, edge_index, batch, W_g0, b_g0, W_g1, b_g1, W_g2, b_g2,
           W_f0, b_f0, W_f1, b_f1, W_f2, b_f2, W_f3, b_f3, W_f4, b_f4,
           W_f5, b_f5):
    f32 = jnp.float32
    loop = jnp.arange(N, dtype=jnp.int32)
    src = jnp.concatenate([edge_index[0].astype(jnp.int32), loop,
                           jnp.zeros((EPAD - ET,), jnp.int32)])
    dst = jnp.concatenate([edge_index[1].astype(jnp.int32), loop,
                           jnp.full((EPAD - ET,), N, jnp.int32)])
    dst3 = dst.reshape(NTILES, NBLK, K)
    cut = 16 * NBLK0 * K

    def _split(e, nb_pad):
        a = e[:cut].reshape(16, NBLK0, K)
        b = e[cut:].reshape(16, NBLK1, K)
        a = jnp.pad(a, ((0, 0), (0, nb_pad - NBLK0), (0, 0)))
        b = jnp.pad(b, ((0, 0), (0, nb_pad - NBLK1), (0, 0)))
        return jnp.concatenate([a, b], axis=0)

    src3b = _split(src, NCH * SCH)
    dst3b = _split(dst, NBLKMX)

    x_pad = jnp.concatenate([x, jnp.zeros((NP - N, D), f32)])
    batch_pad = jnp.concatenate(
        [batch.astype(jnp.int32), jnp.full((NP - N,), G, jnp.int32)]
    ).reshape(NP, 1)
    zeros_nd = jnp.zeros((NP, D), f32)
    zeros_n1 = jnp.zeros((NP, DDEG), f32)
    ones_k1 = jnp.ones((K, DDEG), f32)

    sc_deg, sc_agg = _get_sc_deg(), _get_sc_agg()
    degp = sc_deg(dst3, ones_k1, zeros_n1)
    hp, dinv = _tc_in(x_pad, W_g0, degp)

    p = sc_agg(hp, src3b, dst3b, zeros_nd)
    hp = _tc_mid(p, dinv, b_g0.reshape(1, D), W_g1)
    p = sc_agg(hp, src3b, dst3b, zeros_nd)
    hp = _tc_mid(p, dinv, b_g1.reshape(1, D), W_g2)
    p = sc_agg(hp, src3b, dst3b, zeros_nd)

    sums, cnts = _tc_fin(p, dinv, b_g2.reshape(1, D), batch_pad)
    out = _tc_head(sums, cnts,
                   W_f0, b_f0.reshape(1, -1), W_f1, b_f1.reshape(1, -1),
                   W_f2, b_f2.reshape(1, -1), W_f3, b_f3.reshape(1, -1),
                   W_f4, b_f4.reshape(1, -1), W_f5, b_f5.reshape(1, -1))
    return out.reshape(G)

# --- scband reference (transcript-rebuilt; emitter-appended) ---
"""Pipeline reference for scband-gcn-42528766165301 (READ-ONLY COPY).

The authoritative reference and input builder live on the scoring server;
editing this copy changes nothing except your own understanding.
"""

import jax, jax.numpy as jnp
import numpy as np

N = 10000
E = 320000
G = 64
D = 128
GCN_DIMS = [(128, 128), (128, 128), (128, 128)]
FC_DIMS = [(128, 128), (128, 256), (256, 128), (128, 64), (64, 32), (32, 1)]


def setup_inputs(seed: int = 0) -> dict:
    key = jax.random.key(seed)
    ks = jax.random.split(key, 24)
    inp = {}
    inp["x"] = jax.random.normal(ks[0], (N, D), dtype=jnp.float32)
    inp["edge_index"] = jax.random.randint(ks[1], (2, E), 0, N, dtype=jnp.int32)
    inp["batch"] = jnp.sort(jax.random.randint(ks[2], (N,), 0, G, dtype=jnp.int32))
    ki = 3
    for i, (din, dout) in enumerate(GCN_DIMS):
        inp[f"W_g{i}"] = jax.random.normal(ks[ki], (din, dout), dtype=jnp.float32) * (1.0 / np.sqrt(din)); ki += 1
        inp[f"b_g{i}"] = jnp.zeros((dout,), dtype=jnp.float32)
    for i, (din, dout) in enumerate(FC_DIMS):
        inp[f"W_f{i}"] = jax.random.normal(ks[ki], (din, dout), dtype=jnp.float32) * (1.0 / np.sqrt(din)); ki += 1
        inp[f"b_f{i}"] = jnp.zeros((dout,), dtype=jnp.float32)
    return inp


def _gcn_conv(x, src, dst, W, b):
    # PyG GCNConv: x' = D^{-1/2} (A + I) D^{-1/2} X W + b (self-loops already in src/dst)
    h = x @ W
    deg = jax.ops.segment_sum(jnp.ones_like(dst, dtype=h.dtype), dst, num_segments=N)
    dinv = jnp.where(deg > 0, 1.0 / jnp.sqrt(deg), 0.0)
    norm = dinv[src] * dinv[dst]
    out = jax.ops.segment_sum(h[src] * norm[:, None], dst, num_segments=N)
    return out + b


def reference(x, edge_index, batch, W_g0, b_g0, W_g1, b_g1, W_g2, b_g2,
              W_f0, b_f0, W_f1, b_f1, W_f2, b_f2, W_f3, b_f3, W_f4, b_f4, W_f5, b_f5):
    loop = jnp.arange(N, dtype=edge_index.dtype)
    src = jnp.concatenate([edge_index[0], loop])
    dst = jnp.concatenate([edge_index[1], loop])
    h = x
    for W, b in ((W_g0, b_g0), (W_g1, b_g1), (W_g2, b_g2)):
        h = jax.nn.relu(_gcn_conv(h, src, dst, W, b))
    # global_mean_pool over batch assignment
    sums = jax.ops.segment_sum(h, batch, num_segments=G)
    cnts = jax.ops.segment_sum(jnp.ones((N,), dtype=h.dtype), batch, num_segments=G)
    h = sums / jnp.maximum(cnts, 1.0)[:, None]
    fcs = ((W_f0, b_f0), (W_f1, b_f1), (W_f2, b_f2), (W_f3, b_f3), (W_f4, b_f4), (W_f5, b_f5))
    for i, (W, b) in enumerate(fcs):
        h = h @ W + b
        if i < len(fcs) - 1:
            h = jax.nn.relu(h)
    return jnp.squeeze(h, axis=-1)

if __name__ == "__main__":
    import jax
    _d = setup_inputs()
    print(jax.jit(kernel)(*tuple(_d.values())))

</pallas_src>

<mosaic_0001>
#map = affine_map<(d0, d1) -> (0, 0, 0)>
#map1 = affine_map<(d0, d1) -> (0, 0)>
module attributes {stable_mosaic.version = 14 : i64} {
  func.func @_sc_deg_body(%arg0: i32, %arg1: i32, %arg2: memref<32x81x128xi32, #tpu.memory_space<hbm>>, %arg3: memref<128x128xf32, #tpu.memory_space<hbm>>, %arg4: memref<10240x128xf32, #tpu.memory_space<hbm>>, %arg5: memref<2x10240x128xf32, #tpu.memory_space<hbm>>, %arg6: memref<81x128xi32, #tpu.memory_space<vmem>>, %arg7: memref<128x128xf32, #tpu.memory_space<vmem>>, %arg8: memref<10240x128xf32, #tpu.memory_space<vmem_shared>>, %arg9: memref<!tpu.dma_semaphore, #tpu.memory_space<semaphore_mem>>) attributes {dimension_semantics = [#tpu.dimension_semantics<core_parallel>, #tpu.dimension_semantics<subcore_parallel>], iteration_bounds = array<i64: 2, 16>, scalar_prefetch = 0 : i64, scratch_operands = 4 : i64, tpu.core_type = #tpu.core_type<sc_vector_subcore>, window_params = [{transform_indices = #map}, {transform_indices = #map1}, {transform_indices = #map1}, {transform_indices = #map}]} {
    %mul3A = arith.constant 16 : i32
    %mul3A_0 = arith.muli %arg0, %mul3A : i32
    %add3A = arith.addi %mul3A_0, %arg1 : i32
    %mul3A_1 = arith.constant 640 : i32
    %mul3A_2 = arith.muli %arg1, %mul3A_1 : i32
    %mul3A_3 = arith.constant 640 : i32
    %mul3A_4 = arith.muli %arg1, %mul3A_3 : i32
    "tpu.region"() ({
      %run_scoped3A = tpu.sem_alloc : memref<!tpu.dma_semaphore, #tpu.memory_space<semaphore_mem>>
      %dma_start3A = arith.constant 0 : i32
      %dma_start3A_70 = tpu.memref_slice %arg8[%mul3A_4, %dma_start3A] : memref<10240x128xf32, #tpu.memory_space<vmem_shared>> -> memref<640x128xf32, #tpu.memory_space<vmem_shared>>
      %dma_start3A_71 = arith.constant 0 : i32
      %dma_start3A_72 = tpu.memref_slice %arg4[%mul3A_2, %dma_start3A_71] : memref<10240x128xf32, #tpu.memory_space<hbm>> -> memref<640x128xf32, #tpu.memory_space<hbm>>
      tpu.enqueue_dma source(%dma_start3A_72 : memref<640x128xf32, #tpu.memory_space<hbm>>) target(%dma_start3A_70 : memref<640x128xf32, #tpu.memory_space<vmem_shared>>) target_semaphore(%run_scoped3A : memref<!tpu.dma_semaphore, #tpu.memory_space<semaphore_mem>>)
      %dma_wait3A_73 = arith.constant 0 : i32
      %dma_wait3A_74 = tpu.memref_slice %arg8[%mul3A_4, %dma_wait3A_73] : memref<10240x128xf32, #tpu.memory_space<vmem_shared>> -> memref<640x128xf32, #tpu.memory_space<vmem_shared>>
      %dma_wait3A_75 = arith.constant 0 : i32
      %dma_wait3A_76 = tpu.memref_slice %arg4[%mul3A_2, %dma_wait3A_75] : memref<10240x128xf32, #tpu.memory_space<hbm>> -> memref<640x128xf32, #tpu.memory_space<hbm>>
      tpu.wait_dma2 semaphore(%run_scoped3A : memref<!tpu.dma_semaphore, #tpu.memory_space<semaphore_mem>>) src(%dma_wait3A_76 : memref<640x128xf32, #tpu.memory_space<hbm>>) dst(%dma_wait3A_74 : memref<640x128xf32, #tpu.memory_space<vmem_shared>>)
      tpu.yield
    }) : () -> ()
    "tpu.region"() ({
      %run_scoped3A = tpu.sem_alloc : memref<!tpu.dma_semaphore, #tpu.memory_space<semaphore_mem>>
      %dma_start3A = arith.constant 0 : i32
      %dma_start3A_70 = arith.constant 0 : i32
      %dma_start3A_71 = tpu.memref_slice %arg2[%add3A, %dma_start3A, %dma_start3A_70] : memref<32x81x128xi32, #tpu.memory_space<hbm>> -> memref<1x81x128xi32, #tpu.memory_space<hbm>>
      %dma_start3A_72 = tpu.memref_squeeze %dma_start3A_71 : memref<1x81x128xi32, #tpu.memory_space<hbm>> -> memref<81x128xi32, #tpu.memory_space<hbm>>
      %dma_start3A_73 = arith.constant 0 : i32
      %dma_start3A_74 = arith.constant 0 : i32
      %dma_start3A_75 = tpu.memref_slice %arg2[%add3A, %dma_start3A_73, %dma_start3A_74] : memref<32x81x128xi32, #tpu.memory_space<hbm>> -> memref<1x81x128xi32, #tpu.memory_space<hbm>>
      %dma_start3A_76 = tpu.memref_squeeze %dma_start3A_75 : memref<1x81x128xi32, #tpu.memory_space<hbm>> -> memref<81x128xi32, #tpu.memory_space<hbm>>
      tpu.enqueue_dma source(%dma_start3A_76 : memref<81x128xi32, #tpu.memory_space<hbm>>) target(%arg6 : memref<81x128xi32, #tpu.memory_space<vmem>>) target_semaphore(%run_scoped3A : memref<!tpu.dma_semaphore, #tpu.memory_space<semaphore_mem>>)
      %dma_wait3A_77 = arith.constant 0 : i32
      %dma_wait3A_78 = arith.constant 0 : i32
      %dma_wait3A_79 = tpu.memref_slice %arg2[%add3A, %dma_wait3A_77, %dma_wait3A_78] : memref<32x81x128xi32, #tpu.memory_space<hbm>> -> memref<1x81x128xi32, #tpu.memory_space<hbm>>
      %dma_wait3A_80 = tpu.memref_squeeze %dma_wait3A_79 : memref<1x81x128xi32, #tpu.memory_space<hbm>> -> memref<81x128xi32, #tpu.memory_space<hbm>>
      %dma_wait3A_81 = arith.constant 0 : i32
      %dma_wait3A_82 = arith.constant 0 : i32
      %dma_wait3A_83 = tpu.memref_slice %arg2[%add3A, %dma_wait3A_81, %dma_wait3A_82] : memref<32x81x128xi32, #tpu.memory_space<hbm>> -> memref<1x81x128xi32, #tpu.memory_space<hbm>>
      %dma_wait3A_84 = tpu.memref_squeeze %dma_wait3A_83 : memref<1x81x128xi32, #tpu.memory_space<hbm>> -> memref<81x128xi32, #tpu.memory_space<hbm>>
      tpu.wait_dma2 semaphore(%run_scoped3A : memref<!tpu.dma_semaphore, #tpu.memory_space<semaphore_mem>>) src(%dma_wait3A_84 : memref<81x128xi32, #tpu.memory_space<hbm>>) dst(%arg6 : memref<81x128xi32, #tpu.memory_space<vmem>>)
      tpu.yield
    }) : () -> ()
    "tpu.region"() ({
      %run_scoped3A = tpu.sem_alloc : memref<!tpu.dma_semaphore, #tpu.memory_space<semaphore_mem>>
      tpu.enqueue_dma source(%arg3 : memref<128x128xf32, #tpu.memory_space<hbm>>) target(%arg7 : memref<128x128xf32, #tpu.memory_space<vmem>>) target_semaphore(%run_scoped3A : memref<!tpu.dma_semaphore, #tpu.memory_space<semaphore_mem>>)
      tpu.wait_dma2 semaphore(%run_scoped3A : memref<!tpu.dma_semaphore, #tpu.memory_space<semaphore_mem>>) src(%arg3 : memref<128x128xf32, #tpu.memory_space<hbm>>) dst(%arg7 : memref<128x128xf32, #tpu.memory_space<vmem>>)
      tpu.yield
    }) : () -> ()
    %barrier3A = arith.constant 0 : index
    tpu.barrier barrier_id(%barrier3A)
    %scan3A = arith.constant 0 : i32
    %scan3A_5 = arith.constant 0 : i32
    %scan3A_6 = arith.constant 81 : i32
    %scan3A_7 = arith.addi %scan3A_5, %scan3A_6 : i32
    %scan3A_8 = arith.constant 1 : i32
    scf.for %scan3A_70 = %scan3A_5 to %scan3A_7 step %scan3A_8  : i32 {
      %dma_start3A = arith.constant 0 : i32
      %dma_start3A_71 = tpu.memref_slice %arg6[%scan3A_70, %dma_start3A] : memref<81x128xi32, #tpu.memory_space<vmem>> -> memref<1x128xi32, #tpu.memory_space<vmem>>
      %dma_start3A_72 = tpu.memref_squeeze %dma_start3A_71 : memref<1x128xi32, #tpu.memory_space<vmem>> -> memref<128xi32, #tpu.memory_space<vmem>>
      %dma_start3A_73 = arith.constant 0 : i32
      %dma_start3A_74 = arith.constant 0 : i32
      %dma_start3A_75 = tpu.memref_slice %arg8[%dma_start3A_73, %dma_start3A_74] : memref<10240x128xf32, #tpu.memory_space<vmem_shared>> -> memref<10240x128xf32, #tpu.memory_space<vmem_shared>>
      tpu.enqueue_indirect_dma source(%arg7 : memref<128x128xf32, #tpu.memory_space<vmem>>) target(%dma_start3A_75 : memref<10240x128xf32, #tpu.memory_space<vmem_shared>>) offsets(%dma_start3A_72 : memref<128xi32, #tpu.memory_space<vmem>>) semaphore(%arg9 : memref<!tpu.dma_semaphore, #tpu.memory_space<semaphore_mem>>) {add = true}
      %ge3A = arith.constant 8 : i32
      %ge3A_76 = arith.cmpi sge, %scan3A_70, %ge3A : i32
      %convert_element_type3A = arith.extui %ge3A_76 : i1 to i32
      %cond3A = arith.constant 0 : i32
      %cond3A_77 = arith.cmpi ne, %convert_element_type3A, %cond3A : i32
      scf.if %cond3A_77 {
        %dma_wait3A_78 = arith.constant 0 : i32
        %dma_wait3A_79 = arith.constant 0 : i32
        %dma_wait3A_80 = tpu.memref_slice %arg6[%dma_wait3A_78, %dma_wait3A_79] : memref<81x128xi32, #tpu.memory_space<vmem>> -> memref<1x128xi32, #tpu.memory_space<vmem>>
        %dma_wait3A_81 = tpu.memref_squeeze %dma_wait3A_80 : memref<1x128xi32, #tpu.memory_space<vmem>> -> memref<128xi32, #tpu.memory_space<vmem>>
        %dma_wait3A_82 = arith.constant 0 : i32
        %dma_wait3A_83 = arith.constant 0 : i32
        %dma_wait3A_84 = tpu.memref_slice %arg8[%dma_wait3A_82, %dma_wait3A_83] : memref<10240x128xf32, #tpu.memory_space<vmem_shared>> -> memref<10240x128xf32, #tpu.memory_space<vmem_shared>>
        tpu.wait_indirect_dma semaphore(%arg9 : memref<!tpu.dma_semaphore, #tpu.memory_space<semaphore_mem>>) src(%arg7 : memref<128x128xf32, #tpu.memory_space<vmem>>) dst(%dma_wait3A_84 : memref<10240x128xf32, #tpu.memory_space<vmem_shared>>)
      } else {
      }
    }
    %scan3A_9 = arith.constant 81 : i32
    %dma_wait3A = arith.constant 0 : i32
    %dma_wait3A_10 = arith.constant 0 : i32
    %dma_wait3A_11 = tpu.memref_slice %arg6[%dma_wait3A, %dma_wait3A_10] : memref<81x128xi32, #tpu.memory_space<vmem>> -> memref<1x128xi32, #tpu.memory_space<vmem>>
    %dma_wait3A_12 = tpu.memref_squeeze %dma_wait3A_11 : memref<1x128xi32, #tpu.memory_space<vmem>> -> memref<128xi32, #tpu.memory_space<vmem>>
    %dma_wait3A_13 = arith.constant 0 : i32
    %dma_wait3A_14 = arith.constant 0 : i32
    %dma_wait3A_15 = tpu.memref_slice %arg8[%dma_wait3A_13, %dma_wait3A_14] : memref<10240x128xf32, #tpu.memory_space<vmem_shared>> -> memref<10240x128xf32, #tpu.memory_space<vmem_shared>>
    tpu.wait_indirect_dma semaphore(%arg9 : memref<!tpu.dma_semaphore, #tpu.memory_space<semaphore_mem>>) src(%arg7 : memref<128x128xf32, #tpu.memory_space<vmem>>) dst(%dma_wait3A_15 : memref<10240x128xf32, #tpu.memory_space<vmem_shared>>)
    %dma_wait3A_16 = arith.constant 0 : i32
    %dma_wait3A_17 = arith.constant 0 : i32
    %dma_wait3A_18 = tpu.memref_slice %arg6[%dma_wait3A_16, %dma_wait3A_17] : memref<81x128xi32, #tpu.memory_space<vmem>> -> memref<1x128xi32, #tpu.memory_space<vmem>>
    %dma_wait3A_19 = tpu.memref_squeeze %dma_wait3A_18 : memref<1x128xi32, #tpu.memory_space<vmem>> -> memref<128xi32, #tpu.memory_space<vmem>>
    %dma_wait3A_20 = arith.constant 0 : i32
    %dma_wait3A_21 = arith.constant 0 : i32
    %dma_wait3A_22 = tpu.memref_slice %arg8[%dma_wait3A_20, %dma_wait3A_21] : memref<10240x128xf32, #tpu.memory_space<vmem_shared>> -> memref<10240x128xf32, #tpu.memory_space<vmem_shared>>
    tpu.wait_indirect_dma semaphore(%arg9 : memref<!tpu.dma_semaphore, #tpu.memory_space<semaphore_mem>>) src(%arg7 : memref<128x128xf32, #tpu.memory_space<vmem>>) dst(%dma_wait3A_22 : memref<10240x128xf32, #tpu.memory_space<vmem_shared>>)
    %dma_wait3A_23 = arith.constant 0 : i32
    %dma_wait3A_24 = arith.constant 0 : i32
    %dma_wait3A_25 = tpu.memref_slice %arg6[%dma_wait3A_23, %dma_wait3A_24] : memref<81x128xi32, #tpu.memory_space<vmem>> -> memref<1x128xi32, #tpu.memory_space<vmem>>
    %dma_wait3A_26 = tpu.memref_squeeze %dma_wait3A_25 : memref<1x128xi32, #tpu.memory_space<vmem>> -> memref<128xi32, #tpu.memory_space<vmem>>
    %dma_wait3A_27 = arith.constant 0 : i32
    %dma_wait3A_28 = arith.constant 0 : i32
    %dma_wait3A_29 = tpu.memref_slice %arg8[%dma_wait3A_27, %dma_wait3A_28] : memref<10240x128xf32, #tpu.memory_space<vmem_shared>> -> memref<10240x128xf32, #tpu.memory_space<vmem_shared>>
    tpu.wait_indirect_dma semaphore(%arg9 : memref<!tpu.dma_semaphore, #tpu.memory_space<semaphore_mem>>) src(%arg7 : memref<128x128xf32, #tpu.memory_space<vmem>>) dst(%dma_wait3A_29 : memref<10240x128xf32, #tpu.memory_space<vmem_shared>>)
    %dma_wait3A_30 = arith.constant 0 : i32
    %dma_wait3A_31 = arith.constant 0 : i32
    %dma_wait3A_32 = tpu.memref_slice %arg6[%dma_wait3A_30, %dma_wait3A_31] : memref<81x128xi32, #tpu.memory_space<vmem>> -> memref<1x128xi32, #tpu.memory_space<vmem>>
    %dma_wait3A_33 = tpu.memref_squeeze %dma_wait3A_32 : memref<1x128xi32, #tpu.memory_space<vmem>> -> memref<128xi32, #tpu.memory_space<vmem>>
    %dma_wait3A_34 = arith.constant 0 : i32
    %dma_wait3A_35 = arith.constant 0 : i32
    %dma_wait3A_36 = tpu.memref_slice %arg8[%dma_wait3A_34, %dma_wait3A_35] : memref<10240x128xf32, #tpu.memory_space<vmem_shared>> -> memref<10240x128xf32, #tpu.memory_space<vmem_shared>>
    tpu.wait_indirect_dma semaphore(%arg9 : memref<!tpu.dma_semaphore, #tpu.memory_space<semaphore_mem>>) src(%arg7 : memref<128x128xf32, #tpu.memory_space<vmem>>) dst(%dma_wait3A_36 : memref<10240x128xf32, #tpu.memory_space<vmem_shared>>)
    %dma_wait3A_37 = arith.constant 0 : i32
    %dma_wait3A_38 = arith.constant 0 : i32
    %dma_wait3A_39 = tpu.memref_slice %arg6[%dma_wait3A_37, %dma_wait3A_38] : memref<81x128xi32, #tpu.memory_space<vmem>> -> memref<1x128xi32, #tpu.memory_space<vmem>>
    %dma_wait3A_40 = tpu.memref_squeeze %dma_wait3A_39 : memref<1x128xi32, #tpu.memory_space<vmem>> -> memref<128xi32, #tpu.memory_space<vmem>>
    %dma_wait3A_41 = arith.constant 0 : i32
    %dma_wait3A_42 = arith.constant 0 : i32
    %dma_wait3A_43 = tpu.memref_slice %arg8[%dma_wait3A_41, %dma_wait3A_42] : memref<10240x128xf32, #tpu.memory_space<vmem_shared>> -> memref<10240x128xf32, #tpu.memory_space<vmem_shared>>
    tpu.wait_indirect_dma semaphore(%arg9 : memref<!tpu.dma_semaphore, #tpu.memory_space<semaphore_mem>>) src(%arg7 : memref<128x128xf32, #tpu.memory_space<vmem>>) dst(%dma_wait3A_43 : memref<10240x128xf32, #tpu.memory_space<vmem_shared>>)
    %dma_wait3A_44 = arith.constant 0 : i32
    %dma_wait3A_45 = arith.constant 0 : i32
    %dma_wait3A_46 = tpu.memref_slice %arg6[%dma_wait3A_44, %dma_wait3A_45] : memref<81x128xi32, #tpu.memory_space<vmem>> -> memref<1x128xi32, #tpu.memory_space<vmem>>
    %dma_wait3A_47 = tpu.memref_squeeze %dma_wait3A_46 : memref<1x128xi32, #tpu.memory_space<vmem>> -> memref<128xi32, #tpu.memory_space<vmem>>
    %dma_wait3A_48 = arith.constant 0 : i32
    %dma_wait3A_49 = arith.constant 0 : i32
    %dma_wait3A_50 = tpu.memref_slice %arg8[%dma_wait3A_48, %dma_wait3A_49] : memref<10240x128xf32, #tpu.memory_space<vmem_shared>> -> memref<10240x128xf32, #tpu.memory_space<vmem_shared>>
    tpu.wait_indirect_dma semaphore(%arg9 : memref<!tpu.dma_semaphore, #tpu.memory_space<semaphore_mem>>) src(%arg7 : memref<128x128xf32, #tpu.memory_space<vmem>>) dst(%dma_wait3A_50 : memref<10240x128xf32, #tpu.memory_space<vmem_shared>>)
    %dma_wait3A_51 = arith.constant 0 : i32
    %dma_wait3A_52 = arith.constant 0 : i32
    %dma_wait3A_53 = tpu.memref_slice %arg6[%dma_wait3A_51, %dma_wait3A_52] : memref<81x128xi32, #tpu.memory_space<vmem>> -> memref<1x128xi32, #tpu.memory_space<vmem>>
    %dma_wait3A_54 = tpu.memref_squeeze %dma_wait3A_53 : memref<1x128xi32, #tpu.memory_space<vmem>> -> memref<128xi32, #tpu.memory_space<vmem>>
    %dma_wait3A_55 = arith.constant 0 : i32
    %dma_wait3A_56 = arith.constant 0 : i32
    %dma_wait3A_57 = tpu.memref_slice %arg8[%dma_wait3A_55, %dma_wait3A_56] : memref<10240x128xf32, #tpu.memory_space<vmem_shared>> -> memref<10240x128xf32, #tpu.memory_space<vmem_shared>>
    tpu.wait_indirect_dma semaphore(%arg9 : memref<!tpu.dma_semaphore, #tpu.memory_space<semaphore_mem>>) src(%arg7 : memref<128x128xf32, #tpu.memory_space<vmem>>) dst(%dma_wait3A_57 : memref<10240x128xf32, #tpu.memory_space<vmem_shared>>)
    %dma_wait3A_58 = arith.constant 0 : i32
    %dma_wait3A_59 = arith.constant 0 : i32
    %dma_wait3A_60 = tpu.memref_slice %arg6[%dma_wait3A_58, %dma_wait3A_59] : memref<81x128xi32, #tpu.memory_space<vmem>> -> memref<1x128xi32, #tpu.memory_space<vmem>>
    %dma_wait3A_61 = tpu.memref_squeeze %dma_wait3A_60 : memref<1x128xi32, #tpu.memory_space<vmem>> -> memref<128xi32, #tpu.memory_space<vmem>>
    %dma_wait3A_62 = arith.constant 0 : i32
    %dma_wait3A_63 = arith.constant 0 : i32
    %dma_wait3A_64 = tpu.memref_slice %arg8[%dma_wait3A_62, %dma_wait3A_63] : memref<10240x128xf32, #tpu.memory_space<vmem_shared>> -> memref<10240x128xf32, #tpu.memory_space<vmem_shared>>
    tpu.wait_indirect_dma semaphore(%arg9 : memref<!tpu.dma_semaphore, #tpu.memory_space<semaphore_mem>>) src(%arg7 : memref<128x128xf32, #tpu.memory_space<vmem>>) dst(%dma_wait3A_64 : memref<10240x128xf32, #tpu.memory_space<vmem_shared>>)
    %barrier3A_65 = arith.constant 0 : index
    tpu.barrier barrier_id(%barrier3A_65)
    %mul3A_66 = arith.constant 640 : i32
    %mul3A_67 = arith.muli %arg1, %mul3A_66 : i32
    %mul3A_68 = arith.constant 640 : i32
    %mul3A_69 = arith.muli %arg1, %mul3A_68 : i32
    "tpu.region"() ({
      %run_scoped3A = tpu.sem_alloc : memref<!tpu.dma_semaphore, #tpu.memory_space<semaphore_mem>>
      %dma_start3A = arith.constant 0 : i32
      %dma_start3A_70 = tpu.memref_slice %arg5[%arg0, %mul3A_69, %dma_start3A] : memref<2x10240x128xf32, #tpu.memory_space<hbm>> -> memref<1x640x128xf32, #tpu.memory_space<hbm>>
      %dma_start3A_71 = tpu.memref_squeeze %dma_start3A_70 : memref<1x640x128xf32, #tpu.memory_space<hbm>> -> memref<640x128xf32, #tpu.memory_space<hbm>>
      %dma_start3A_72 = arith.constant 0 : i32
      %dma_start3A_73 = tpu.memref_slice %arg8[%mul3A_67, %dma_start3A_72] : memref<10240x128xf32, #tpu.memory_space<vmem_shared>> -> memref<640x128xf32, #tpu.memory_space<vmem_shared>>
      tpu.enqueue_dma source(%dma_start3A_73 : memref<640x128xf32, #tpu.memory_space<vmem_shared>>) target(%dma_start3A_71 : memref<640x128xf32, #tpu.memory_space<hbm>>) target_semaphore(%run_scoped3A : memref<!tpu.dma_semaphore, #tpu.memory_space<semaphore_mem>>)
      %dma_wait3A_74 = arith.constant 0 : i32
      %dma_wait3A_75 = tpu.memref_slice %arg5[%arg0, %mul3A_69, %dma_wait3A_74] : memref<2x10240x128xf32, #tpu.memory_space<hbm>> -> memref<1x640x128xf32, #tpu.memory_space<hbm>>
      %dma_wait3A_76 = tpu.memref_squeeze %dma_wait3A_75 : memref<1x640x128xf32, #tpu.memory_space<hbm>> -> memref<640x128xf32, #tpu.memory_space<hbm>>
      %dma_wait3A_77 = arith.constant 0 : i32
      %dma_wait3A_78 = tpu.memref_slice %arg8[%mul3A_67, %dma_wait3A_77] : memref<10240x128xf32, #tpu.memory_space<vmem_shared>> -> memref<640x128xf32, #tpu.memory_space<vmem_shared>>
      tpu.wait_dma2 semaphore(%run_scoped3A : memref<!tpu.dma_semaphore, #tpu.memory_space<semaphore_mem>>) src(%dma_wait3A_78 : memref<640x128xf32, #tpu.memory_space<vmem_shared>>) dst(%dma_wait3A_76 : memref<640x128xf32, #tpu.memory_space<hbm>>)
      tpu.yield
    }) : () -> ()
    return
  }
}

#map = affine_map<(d0, d1) -> (0, 0)>
#map1 = affine_map<(d0, d1) -> (0, 0, 0)>
module attributes {stable_mosaic.version = 14 : i64} {
  func.func @_sc_agg_body(%arg0: i32, %arg1: i32, %arg2: memref<10240x128xf32, #tpu.memory_space<hbm>>, %arg3: memref<32x96x128xi32, #tpu.memory_space<hbm>>, %arg4: memref<32x95x128xi32, #tpu.memory_space<hbm>>, %arg5: memref<10240x128xf32, #tpu.memory_space<hbm>>, %arg6: memref<2x10240x128xf32, #tpu.memory_space<hbm>>, %arg7: memref<2x8x128xi32, #tpu.memory_space<vmem>>, %arg8: memref<95x128xi32, #tpu.memory_space<vmem>>, %arg9: memref<2x128x128xf32, #tpu.memory_space<vmem>>, %arg10: memref<10240x128xf32, #tpu.memory_space<vmem_shared>>, %arg11: memref<!tpu.dma_semaphore, #tpu.memory_space<semaphore_mem>>, %arg12: memref<!tpu.dma_semaphore, #tpu.memory_space<semaphore_mem>>) attributes {dimension_semantics = [#tpu.dimension_semantics<core_parallel>, #tpu.dimension_semantics<subcore_parallel>], iteration_bounds = array<i64: 2, 16>, scalar_prefetch = 0 : i64, scratch_operands = 6 : i64, tpu.core_type = #tpu.core_type<sc_vector_subcore>, window_params = [{transform_indices = #map}, {transform_indices = #map1}, {transform_indices = #map1}, {transform_indices = #map}, {transform_indices = #map1}]} {
    %mul3A = arith.constant 16 : i32
    %mul3A_0 = arith.muli %arg0, %mul3A : i32
    %add3A = arith.addi %mul3A_0, %arg1 : i32
    %eq3A = arith.constant 0 : i32
    %eq3A_1 = arith.cmpi eq, %arg0, %eq3A : i32
    %jit3A = arith.constant 95 : i32
    %jit3A_2 = arith.constant 67 : i32
    %select_n3A = arith.select %eq3A_1, %jit3A, %jit3A_2 : i32
    %mul3A_3 = arith.constant 640 : i32
    %mul3A_4 = arith.muli %arg1, %mul3A_3 : i32
    %mul3A_5 = arith.constant 640 : i32
    %mul3A_6 = arith.muli %arg1, %mul3A_5 : i32
    "tpu.region"() ({
      %run_scoped3A_60 = tpu.sem_alloc : memref<!tpu.dma_semaphore, #tpu.memory_space<semaphore_mem>>
      %dma_start3A_61 = arith.constant 0 : i32
      %dma_start3A_62 = tpu.memref_slice %arg10[%mul3A_6, %dma_start3A_61] : memref<10240x128xf32, #tpu.memory_space<vmem_shared>> -> memref<640x128xf32, #tpu.memory_space<vmem_shared>>
      %dma_start3A_63 = arith.constant 0 : i32
      %dma_start3A_64 = tpu.memref_slice %arg5[%mul3A_4, %dma_start3A_63] : memref<10240x128xf32, #tpu.memory_space<hbm>> -> memref<640x128xf32, #tpu.memory_space<hbm>>
      tpu.enqueue_dma source(%dma_start3A_64 : memref<640x128xf32, #tpu.memory_space<hbm>>) target(%dma_start3A_62 : memref<640x128xf32, #tpu.memory_space<vmem_shared>>) target_semaphore(%run_scoped3A_60 : memref<!tpu.dma_semaphore, #tpu.memory_space<semaphore_mem>>)
      %dma_wait3A_65 = arith.constant 0 : i32
      %dma_wait3A_66 = tpu.memref_slice %arg10[%mul3A_6, %dma_wait3A_65] : memref<10240x128xf32, #tpu.memory_space<vmem_shared>> -> memref<640x128xf32, #tpu.memory_space<vmem_shared>>
      %dma_wait3A_67 = arith.constant 0 : i32
      %dma_wait3A_68 = tpu.memref_slice %arg5[%mul3A_4, %dma_wait3A_67] : memref<10240x128xf32, #tpu.memory_space<hbm>> -> memref<640x128xf32, #tpu.memory_space<hbm>>
      tpu.wait_dma2 semaphore(%run_scoped3A_60 : memref<!tpu.dma_semaphore, #tpu.memory_space<semaphore_mem>>) src(%dma_wait3A_68 : memref<640x128xf32, #tpu.memory_space<hbm>>) dst(%dma_wait3A_66 : memref<640x128xf32, #tpu.memory_space<vmem_shared>>)
      tpu.yield
    }) : () -> ()
    "tpu.region"() ({
      %run_scoped3A_60 = tpu.sem_alloc : memref<!tpu.dma_semaphore, #tpu.memory_space<semaphore_mem>>
      %dma_start3A_61 = arith.constant 0 : i32
      %dma_start3A_62 = arith.constant 0 : i32
      %dma_start3A_63 = tpu.memref_slice %arg4[%add3A, %dma_start3A_61, %dma_start3A_62] : memref<32x95x128xi32, #tpu.memory_space<hbm>> -> memref<1x95x128xi32, #tpu.memory_space<hbm>>
      %dma_start3A_64 = tpu.memref_squeeze %dma_start3A_63 : memref<1x95x128xi32, #tpu.memory_space<hbm>> -> memref<95x128xi32, #tpu.memory_space<hbm>>
      %dma_start3A_65 = arith.constant 0 : i32
      %dma_start3A_66 = arith.constant 0 : i32
      %dma_start3A_67 = tpu.memref_slice %arg4[%add3A, %dma_start3A_65, %dma_start3A_66] : memref<32x95x128xi32, #tpu.memory_space<hbm>> -> memref<1x95x128xi32, #tpu.memory_space<hbm>>
      %dma_start3A_68 = tpu.memref_squeeze %dma_start3A_67 : memref<1x95x128xi32, #tpu.memory_space<hbm>> -> memref<95x128xi32, #tpu.memory_space<hbm>>
      tpu.enqueue_dma source(%dma_start3A_68 : memref<95x128xi32, #tpu.memory_space<hbm>>) target(%arg8 : memref<95x128xi32, #tpu.memory_space<vmem>>) target_semaphore(%run_scoped3A_60 : memref<!tpu.dma_semaphore, #tpu.memory_space<semaphore_mem>>)
      %dma_wait3A_69 = arith.constant 0 : i32
      %dma_wait3A_70 = arith.constant 0 : i32
      %dma_wait3A_71 = tpu.memref_slice %arg4[%add3A, %dma_wait3A_69, %dma_wait3A_70] : memref<32x95x128xi32, #tpu.memory_space<hbm>> -> memref<1x95x128xi32, #tpu.memory_space<hbm>>
      %dma_wait3A_72 = tpu.memref_squeeze %dma_wait3A_71 : memref<1x95x128xi32, #tpu.memory_space<hbm>> -> memref<95x128xi32, #tpu.memory_space<hbm>>
      %dma_wait3A_73 = arith.constant 0 : i32
      %dma_wait3A_74 = arith.constant 0 : i32
      %dma_wait3A_75 = tpu.memref_slice %arg4[%add3A, %dma_wait3A_73, %dma_wait3A_74] : memref<32x95x128xi32, #tpu.memory_space<hbm>> -> memref<1x95x128xi32, #tpu.memory_space<hbm>>
      %dma_wait3A_76 = tpu.memref_squeeze %dma_wait3A_75 : memref<1x95x128xi32, #tpu.memory_space<hbm>> -> memref<95x128xi32, #tpu.memory_space<hbm>>
      tpu.wait_dma2 semaphore(%run_scoped3A_60 : memref<!tpu.dma_semaphore, #tpu.memory_space<semaphore_mem>>) src(%dma_wait3A_76 : memref<95x128xi32, #tpu.memory_space<hbm>>) dst(%arg8 : memref<95x128xi32, #tpu.memory_space<vmem>>)
      tpu.yield
    }) : () -> ()
    %run_scoped3A = arith.constant 0 : i32
    "tpu.region"() ({
      %run_scoped3A_60 = tpu.sem_alloc : memref<!tpu.dma_semaphore, #tpu.memory_space<semaphore_mem>>
      %dma_start3A_61 = arith.constant 0 : i32
      %dma_start3A_62 = arith.constant 0 : i32
      %dma_start3A_63 = tpu.memref_slice %arg7[%run_scoped3A, %dma_start3A_61, %dma_start3A_62] : memref<2x8x128xi32, #tpu.memory_space<vmem>> -> memref<1x8x128xi32, #tpu.memory_space<vmem>>
      %dma_start3A_64 = tpu.memref_squeeze %dma_start3A_63 : memref<1x8x128xi32, #tpu.memory_space<vmem>> -> memref<8x128xi32, #tpu.memory_space<vmem>>
      %dma_start3A_65 = arith.constant 0 : i32
      %dma_start3A_66 = arith.constant 0 : i32
      %dma_start3A_67 = tpu.memref_slice %arg3[%add3A, %dma_start3A_65, %dma_start3A_66] : memref<32x96x128xi32, #tpu.memory_space<hbm>> -> memref<1x8x128xi32, #tpu.memory_space<hbm>>
      %dma_start3A_68 = tpu.memref_squeeze %dma_start3A_67 : memref<1x8x128xi32, #tpu.memory_space<hbm>> -> memref<8x128xi32, #tpu.memory_space<hbm>>
      %dma_start3A_69 = arith.constant 0 : i32
      %dma_start3A_70 = arith.constant 0 : i32
      %dma_start3A_71 = tpu.memref_slice %arg7[%run_scoped3A, %dma_start3A_69, %dma_start3A_70] : memref<2x8x128xi32, #tpu.memory_space<vmem>> -> memref<1x8x128xi32, #tpu.memory_space<vmem>>
      %dma_start3A_72 = tpu.memref_squeeze %dma_start3A_71 : memref<1x8x128xi32, #tpu.memory_space<vmem>> -> memref<8x128xi32, #tpu.memory_space<vmem>>
      %dma_start3A_73 = arith.constant 0 : i32
      %dma_start3A_74 = arith.constant 0 : i32
      %dma_start3A_75 = tpu.memref_slice %arg3[%add3A, %dma_start3A_73, %dma_start3A_74] : memref<32x96x128xi32, #tpu.memory_space<hbm>> -> memref<1x8x128xi32, #tpu.memory_space<hbm>>
      %dma_start3A_76 = tpu.memref_squeeze %dma_start3A_75 : memref<1x8x128xi32, #tpu.memory_space<hbm>> -> memref<8x128xi32, #tpu.memory_space<hbm>>
      tpu.enqueue_dma source(%dma_start3A_76 : memref<8x128xi32, #tpu.memory_space<hbm>>) target(%dma_start3A_72 : memref<8x128xi32, #tpu.memory_space<vmem>>) target_semaphore(%run_scoped3A_60 : memref<!tpu.dma_semaphore, #tpu.memory_space<semaphore_mem>>)
      %dma_wait3A_77 = arith.constant 0 : i32
      %dma_wait3A_78 = arith.constant 0 : i32
      %dma_wait3A_79 = tpu.memref_slice %arg7[%run_scoped3A, %dma_wait3A_77, %dma_wait3A_78] : memref<2x8x128xi32, #tpu.memory_space<vmem>> -> memref<1x8x128xi32, #tpu.memory_space<vmem>>
      %dma_wait3A_80 = tpu.memref_squeeze %dma_wait3A_79 : memref<1x8x128xi32, #tpu.memory_space<vmem>> -> memref<8x128xi32, #tpu.memory_space<vmem>>
      %dma_wait3A_81 = arith.constant 0 : i32
      %dma_wait3A_82 = arith.constant 0 : i32
      %dma_wait3A_83 = tpu.memref_slice %arg3[%add3A, %dma_wait3A_81, %dma_wait3A_82] : memref<32x96x128xi32, #tpu.memory_space<hbm>> -> memref<1x8x128xi32, #tpu.memory_space<hbm>>
      %dma_wait3A_84 = tpu.memref_squeeze %dma_wait3A_83 : memref<1x8x128xi32, #tpu.memory_space<hbm>> -> memref<8x128xi32, #tpu.memory_space<hbm>>
      %dma_wait3A_85 = arith.constant 0 : i32
      %dma_wait3A_86 = arith.constant 0 : i32
      %dma_wait3A_87 = tpu.memref_slice %arg7[%run_scoped3A, %dma_wait3A_85, %dma_wait3A_86] : memref<2x8x128xi32, #tpu.memory_space<vmem>> -> memref<1x8x128xi32, #tpu.memory_space<vmem>>
      %dma_wait3A_88 = tpu.memref_squeeze %dma_wait3A_87 : memref<1x8x128xi32, #tpu.memory_space<vmem>> -> memref<8x128xi32, #tpu.memory_space<vmem>>
      %dma_wait3A_89 = arith.constant 0 : i32
      %dma_wait3A_90 = arith.constant 0 : i32
      %dma_wait3A_91 = tpu.memref_slice %arg3[%add3A, %dma_wait3A_89, %dma_wait3A_90] : memref<32x96x128xi32, #tpu.memory_space<hbm>> -> memref<1x8x128xi32, #tpu.memory_space<hbm>>
      %dma_wait3A_92 = tpu.memref_squeeze %dma_wait3A_91 : memref<1x8x128xi32, #tpu.memory_space<hbm>> -> memref<8x128xi32, #tpu.memory_space<hbm>>
      tpu.wait_dma2 semaphore(%run_scoped3A_60 : memref<!tpu.dma_semaphore, #tpu.memory_space<semaphore_mem>>) src(%dma_wait3A_92 : memref<8x128xi32, #tpu.memory_space<hbm>>) dst(%dma_wait3A_88 : memref<8x128xi32, #tpu.memory_space<vmem>>)
      tpu.yield
    }) : () -> ()
    %barrier3A = arith.constant 0 : index
    tpu.barrier barrier_id(%barrier3A)
    %div3A = arith.constant 0 : i32
    %div3A_7 = arith.constant 8 : i32
    %div3A_8 = arith.divsi %div3A, %div3A_7 : i32
    %rem3A = arith.constant 2 : i32
    %rem3A_9 = arith.remsi %div3A_8, %rem3A : i32
    %rem3A_10 = arith.constant 0 : i32
    %rem3A_11 = arith.constant 8 : i32
    %rem3A_12 = arith.remsi %rem3A_10, %rem3A_11 : i32
    %dma_start3A = arith.constant 0 : i32
    %dma_start3A_13 = arith.constant 0 : i32
    %dma_start3A_14 = arith.constant 0 : i32
    %dma_start3A_15 = tpu.memref_slice %arg9[%dma_start3A, %dma_start3A_13, %dma_start3A_14] : memref<2x128x128xf32, #tpu.memory_space<vmem>> -> memref<1x128x128xf32, #tpu.memory_space<vmem>>
    %dma_start3A_16 = tpu.memref_squeeze %dma_start3A_15 : memref<1x128x128xf32, #tpu.memory_space<vmem>> -> memref<128x128xf32, #tpu.memory_space<vmem>>
    %dma_start3A_17 = arith.constant 0 : i32
    %dma_start3A_18 = tpu.memref_slice %arg7[%rem3A_9, %rem3A_12, %dma_start3A_17] : memref<2x8x128xi32, #tpu.memory_space<vmem>> -> memref<1x1x128xi32, #tpu.memory_space<vmem>>
    %dma_start3A_19 = tpu.memref_squeeze %dma_start3A_18 : memref<1x1x128xi32, #tpu.memory_space<vmem>> -> memref<128xi32, #tpu.memory_space<vmem>>
    %dma_start3A_20 = arith.constant 0 : i32
    %dma_start3A_21 = arith.constant 0 : i32
    %dma_start3A_22 = tpu.memref_slice %arg2[%dma_start3A_20, %dma_start3A_21] : memref<10240x128xf32, #tpu.memory_space<hbm>> -> memref<10240x128xf32, #tpu.memory_space<hbm>>
    tpu.enqueue_indirect_dma source(%dma_start3A_22 : memref<10240x128xf32, #tpu.memory_space<hbm>>) target(%dma_start3A_16 : memref<128x128xf32, #tpu.memory_space<vmem>>) offsets(%dma_start3A_19 : memref<128xi32, #tpu.memory_space<vmem>>) semaphore(%arg11 : memref<!tpu.dma_semaphore, #tpu.memory_space<semaphore_mem>>)
    %while3A = arith.constant 0 : i32
    %while3A_23 = arith.constant 0 : i32
    %while3A_24 = arith.subi %select_n3A, %while3A_23 : i32
    %while3A_25 = arith.addi %while3A_23, %while3A_24 : i32
    %while3A_26 = arith.constant 1 : i32
    %while3A_27 = arith.divsi %while3A_24, %while3A_26 : i32
    %while3A_28 = arith.muli %while3A_27, %while3A_26 : i32
    %while3A_29 = arith.addi %while3A_23, %while3A_28 : i32
    %while3A_30 = arith.constant 1 : i32
    scf.for %while3A_60 = %while3A_23 to %while3A_29 step %while3A_30  : i32 {
      %add3A_61 = arith.constant 1 : i32
      %add3A_62 = arith.addi %while3A_60, %add3A_61 : i32
      %lt3A = arith.cmpi slt, %add3A_62, %select_n3A : i32
      %convert_element_type3A = arith.extui %lt3A : i1 to i32
      %cond3A = arith.constant 0 : i32
      %cond3A_63 = arith.cmpi ne, %convert_element_type3A, %cond3A : i32
      scf.if %cond3A_63 {
        %ge3A = arith.constant 2 : i32
        %ge3A_89 = arith.cmpi sge, %add3A_62, %ge3A : i32
        %convert_element_type3A_90 = arith.extui %ge3A_89 : i1 to i32
        %cond3A_91 = arith.constant 0 : i32
        %cond3A_92 = arith.cmpi ne, %convert_element_type3A_90, %cond3A_91 : i32
        scf.if %cond3A_92 {
          %dma_wait3A_118 = arith.constant 0 : i32
          %dma_wait3A_119 = arith.constant 0 : i32
          %dma_wait3A_120 = arith.constant 0 : i32
          %dma_wait3A_121 = arith.constant 0 : i32
          %dma_wait3A_122 = tpu.memref_slice %arg9[%dma_wait3A_118, %dma_wait3A_120, %dma_wait3A_121] : memref<2x128x128xf32, #tpu.memory_space<vmem>> -> memref<1x128x128xf32, #tpu.memory_space<vmem>>
          %dma_wait3A_123 = tpu.memref_squeeze %dma_wait3A_122 : memref<1x128x128xf32, #tpu.memory_space<vmem>> -> memref<128x128xf32, #tpu.memory_space<vmem>>
          %dma_wait3A_124 = arith.constant 0 : i32
          %dma_wait3A_125 = tpu.memref_slice %arg8[%dma_wait3A_119, %dma_wait3A_124] : memref<95x128xi32, #tpu.memory_space<vmem>> -> memref<1x128xi32, #tpu.memory_space<vmem>>
          %dma_wait3A_126 = tpu.memref_squeeze %dma_wait3A_125 : memref<1x128xi32, #tpu.memory_space<vmem>> -> memref<128xi32, #tpu.memory_space<vmem>>
          %dma_wait3A_127 = arith.constant 0 : i32
          %dma_wait3A_128 = arith.constant 0 : i32
          %dma_wait3A_129 = tpu.memref_slice %arg10[%dma_wait3A_127, %dma_wait3A_128] : memref<10240x128xf32, #tpu.memory_space<vmem_shared>> -> memref<10240x128xf32, #tpu.memory_space<vmem_shared>>
          tpu.wait_indirect_dma semaphore(%arg12 : memref<!tpu.dma_semaphore, #tpu.memory_space<semaphore_mem>>) src(%dma_wait3A_123 : memref<128x128xf32, #tpu.memory_space<vmem>>) dst(%dma_wait3A_129 : memref<10240x128xf32, #tpu.memory_space<vmem_shared>>)
        } else {
        }
        %rem3A_93 = arith.constant 8 : i32
        %rem3A_94 = arith.remsi %add3A_62, %rem3A_93 : i32
        %eq3A_95 = arith.constant 0 : i32
        %eq3A_96 = arith.cmpi eq, %rem3A_94, %eq3A_95 : i32
        %convert_element_type3A_97 = arith.extui %eq3A_96 : i1 to i32
        %cond3A_98 = arith.constant 0 : i32
        %cond3A_99 = arith.cmpi ne, %convert_element_type3A_97, %cond3A_98 : i32
        scf.if %cond3A_99 {
          %div3A_118 = arith.constant 8 : i32
          %div3A_119 = arith.divsi %add3A_62, %div3A_118 : i32
          %mul3A_120 = arith.constant 8 : i32
          %mul3A_121 = arith.muli %div3A_119, %mul3A_120 : i32
          %rem3A_122 = arith.constant 2 : i32
          %rem3A_123 = arith.remsi %div3A_119, %rem3A_122 : i32
          "tpu.region"() ({
            %run_scoped3A_124 = tpu.sem_alloc : memref<!tpu.dma_semaphore, #tpu.memory_space<semaphore_mem>>
            %dma_start3A_125 = arith.constant 0 : i32
            %dma_start3A_126 = arith.constant 0 : i32
            %dma_start3A_127 = tpu.memref_slice %arg7[%rem3A_123, %dma_start3A_125, %dma_start3A_126] : memref<2x8x128xi32, #tpu.memory_space<vmem>> -> memref<1x8x128xi32, #tpu.memory_space<vmem>>
            %dma_start3A_128 = tpu.memref_squeeze %dma_start3A_127 : memref<1x8x128xi32, #tpu.memory_space<vmem>> -> memref<8x128xi32, #tpu.memory_space<vmem>>
            %dma_start3A_129 = arith.constant 0 : i32
            %dma_start3A_130 = tpu.memref_slice %arg3[%add3A, %mul3A_121, %dma_start3A_129] : memref<32x96x128xi32, #tpu.memory_space<hbm>> -> memref<1x8x128xi32, #tpu.memory_space<hbm>>
            %dma_start3A_131 = tpu.memref_squeeze %dma_start3A_130 : memref<1x8x128xi32, #tpu.memory_space<hbm>> -> memref<8x128xi32, #tpu.memory_space<hbm>>
            %dma_start3A_132 = arith.constant 0 : i32
            %dma_start3A_133 = arith.constant 0 : i32
            %dma_start3A_134 = tpu.memref_slice %arg7[%rem3A_123, %dma_start3A_132, %dma_start3A_133] : memref<2x8x128xi32, #tpu.memory_space<vmem>> -> memref<1x8x128xi32, #tpu.memory_space<vmem>>
            %dma_start3A_135 = tpu.memref_squeeze %dma_start3A_134 : memref<1x8x128xi32, #tpu.memory_space<vmem>> -> memref<8x128xi32, #tpu.memory_space<vmem>>
            %dma_start3A_136 = arith.constant 0 : i32
            %dma_start3A_137 = tpu.memref_slice %arg3[%add3A, %mul3A_121, %dma_start3A_136] : memref<32x96x128xi32, #tpu.memory_space<hbm>> -> memref<1x8x128xi32, #tpu.memory_space<hbm>>
            %dma_start3A_138 = tpu.memref_squeeze %dma_start3A_137 : memref<1x8x128xi32, #tpu.memory_space<hbm>> -> memref<8x128xi32, #tpu.memory_space<hbm>>
            tpu.enqueue_dma source(%dma_start3A_138 : memref<8x128xi32, #tpu.memory_space<hbm>>) target(%dma_start3A_135 : memref<8x128xi32, #tpu.memory_space<vmem>>) target_semaphore(%run_scoped3A_124 : memref<!tpu.dma_semaphore, #tpu.memory_space<semaphore_mem>>)
            %dma_wait3A_139 = arith.constant 0 : i32
            %dma_wait3A_140 = arith.constant 0 : i32
            %dma_wait3A_141 = tpu.memref_slice %arg7[%rem3A_123, %dma_wait3A_139, %dma_wait3A_140] : memref<2x8x128xi32, #tpu.memory_space<vmem>> -> memref<1x8x128xi32, #tpu.memory_space<vmem>>
            %dma_wait3A_142 = tpu.memref_squeeze %dma_wait3A_141 : memref<1x8x128xi32, #tpu.memory_space<vmem>> -> memref<8x128xi32, #tpu.memory_space<vmem>>
            %dma_wait3A_143 = arith.constant 0 : i32
            %dma_wait3A_144 = tpu.memref_slice %arg3[%add3A, %mul3A_121, %dma_wait3A_143] : memref<32x96x128xi32, #tpu.memory_space<hbm>> -> memref<1x8x128xi32, #tpu.memory_space<hbm>>
            %dma_wait3A_145 = tpu.memref_squeeze %dma_wait3A_144 : memref<1x8x128xi32, #tpu.memory_space<hbm>> -> memref<8x128xi32, #tpu.memory_space<hbm>>
            %dma_wait3A_146 = arith.constant 0 : i32
            %dma_wait3A_147 = arith.constant 0 : i32
            %dma_wait3A_148 = tpu.memref_slice %arg7[%rem3A_123, %dma_wait3A_146, %dma_wait3A_147] : memref<2x8x128xi32, #tpu.memory_space<vmem>> -> memref<1x8x128xi32, #tpu.memory_space<vmem>>
            %dma_wait3A_149 = tpu.memref_squeeze %dma_wait3A_148 : memref<1x8x128xi32, #tpu.memory_space<vmem>> -> memref<8x128xi32, #tpu.memory_space<vmem>>
            %dma_wait3A_150 = arith.constant 0 : i32
            %dma_wait3A_151 = tpu.memref_slice %arg3[%add3A, %mul3A_121, %dma_wait3A_150] : memref<32x96x128xi32, #tpu.memory_space<hbm>> -> memref<1x8x128xi32, #tpu.memory_space<hbm>>
            %dma_wait3A_152 = tpu.memref_squeeze %dma_wait3A_151 : memref<1x8x128xi32, #tpu.memory_space<hbm>> -> memref<8x128xi32, #tpu.memory_space<hbm>>
            tpu.wait_dma2 semaphore(%run_scoped3A_124 : memref<!tpu.dma_semaphore, #tpu.memory_space<semaphore_mem>>) src(%dma_wait3A_152 : memref<8x128xi32, #tpu.memory_space<hbm>>) dst(%dma_wait3A_149 : memref<8x128xi32, #tpu.memory_space<vmem>>)
            tpu.yield
          }) : () -> ()
        } else {
        }
        %rem3A_100 = arith.constant 2 : i32
        %rem3A_101 = arith.remsi %add3A_62, %rem3A_100 : i32
        %div3A_102 = arith.constant 8 : i32
        %div3A_103 = arith.divsi %add3A_62, %div3A_102 : i32
        %rem3A_104 = arith.constant 2 : i32
        %rem3A_105 = arith.remsi %div3A_103, %rem3A_104 : i32
        %rem3A_106 = arith.constant 8 : i32
        %rem3A_107 = arith.remsi %add3A_62, %rem3A_106 : i32
        %dma_start3A_108 = arith.constant 0 : i32
        %dma_start3A_109 = arith.constant 0 : i32
        %dma_start3A_110 = tpu.memref_slice %arg9[%rem3A_101, %dma_start3A_108, %dma_start3A_109] : memref<2x128x128xf32, #tpu.memory_space<vmem>> -> memref<1x128x128xf32, #tpu.memory_space<vmem>>
        %dma_start3A_111 = tpu.memref_squeeze %dma_start3A_110 : memref<1x128x128xf32, #tpu.memory_space<vmem>> -> memref<128x128xf32, #tpu.memory_space<vmem>>
        %dma_start3A_112 = arith.constant 0 : i32
        %dma_start3A_113 = tpu.memref_slice %arg7[%rem3A_105, %rem3A_107, %dma_start3A_112] : memref<2x8x128xi32, #tpu.memory_space<vmem>> -> memref<1x1x128xi32, #tpu.memory_space<vmem>>
        %dma_start3A_114 = tpu.memref_squeeze %dma_start3A_113 : memref<1x1x128xi32, #tpu.memory_space<vmem>> -> memref<128xi32, #tpu.memory_space<vmem>>
        %dma_start3A_115 = arith.constant 0 : i32
        %dma_start3A_116 = arith.constant 0 : i32
        %dma_start3A_117 = tpu.memref_slice %arg2[%dma_start3A_115, %dma_start3A_116] : memref<10240x128xf32, #tpu.memory_space<hbm>> -> memref<10240x128xf32, #tpu.memory_space<hbm>>
        tpu.enqueue_indirect_dma source(%dma_start3A_117 : memref<10240x128xf32, #tpu.memory_space<hbm>>) target(%dma_start3A_111 : memref<128x128xf32, #tpu.memory_space<vmem>>) offsets(%dma_start3A_114 : memref<128xi32, #tpu.memory_space<vmem>>) semaphore(%arg11 : memref<!tpu.dma_semaphore, #tpu.memory_space<semaphore_mem>>)
      } else {
      }
      %dma_wait3A_64 = arith.constant 0 : i32
      %dma_wait3A_65 = arith.constant 0 : i32
      %dma_wait3A_66 = arith.constant 0 : i32
      %dma_wait3A_67 = arith.constant 0 : i32
      %dma_wait3A_68 = arith.constant 0 : i32
      %dma_wait3A_69 = tpu.memref_slice %arg9[%dma_wait3A_66, %dma_wait3A_67, %dma_wait3A_68] : memref<2x128x128xf32, #tpu.memory_space<vmem>> -> memref<1x128x128xf32, #tpu.memory_space<vmem>>
      %dma_wait3A_70 = tpu.memref_squeeze %dma_wait3A_69 : memref<1x128x128xf32, #tpu.memory_space<vmem>> -> memref<128x128xf32, #tpu.memory_space<vmem>>
      %dma_wait3A_71 = arith.constant 0 : i32
      %dma_wait3A_72 = tpu.memref_slice %arg7[%dma_wait3A_64, %dma_wait3A_65, %dma_wait3A_71] : memref<2x8x128xi32, #tpu.memory_space<vmem>> -> memref<1x1x128xi32, #tpu.memory_space<vmem>>
      %dma_wait3A_73 = tpu.memref_squeeze %dma_wait3A_72 : memref<1x1x128xi32, #tpu.memory_space<vmem>> -> memref<128xi32, #tpu.memory_space<vmem>>
      %dma_wait3A_74 = arith.constant 0 : i32
      %dma_wait3A_75 = arith.constant 0 : i32
      %dma_wait3A_76 = tpu.memref_slice %arg2[%dma_wait3A_74, %dma_wait3A_75] : memref<10240x128xf32, #tpu.memory_space<hbm>> -> memref<10240x128xf32, #tpu.memory_space<hbm>>
      tpu.wait_indirect_dma semaphore(%arg11 : memref<!tpu.dma_semaphore, #tpu.memory_space<semaphore_mem>>) src(%dma_wait3A_76 : memref<10240x128xf32, #tpu.memory_space<hbm>>) dst(%dma_wait3A_70 : memref<128x128xf32, #tpu.memory_space<vmem>>)
      %rem3A_77 = arith.constant 2 : i32
      %rem3A_78 = arith.remsi %while3A_60, %rem3A_77 : i32
      %dma_start3A_79 = arith.constant 0 : i32
      %dma_start3A_80 = arith.constant 0 : i32
      %dma_start3A_81 = tpu.memref_slice %arg9[%rem3A_78, %dma_start3A_79, %dma_start3A_80] : memref<2x128x128xf32, #tpu.memory_space<vmem>> -> memref<1x128x128xf32, #tpu.memory_space<vmem>>
      %dma_start3A_82 = tpu.memref_squeeze %dma_start3A_81 : memref<1x128x128xf32, #tpu.memory_space<vmem>> -> memref<128x128xf32, #tpu.memory_space<vmem>>
      %dma_start3A_83 = arith.constant 0 : i32
      %dma_start3A_84 = tpu.memref_slice %arg8[%while3A_60, %dma_start3A_83] : memref<95x128xi32, #tpu.memory_space<vmem>> -> memref<1x128xi32, #tpu.memory_space<vmem>>
      %dma_start3A_85 = tpu.memref_squeeze %dma_start3A_84 : memref<1x128xi32, #tpu.memory_space<vmem>> -> memref<128xi32, #tpu.memory_space<vmem>>
      %dma_start3A_86 = arith.constant 0 : i32
      %dma_start3A_87 = arith.constant 0 : i32
      %dma_start3A_88 = tpu.memref_slice %arg10[%dma_start3A_86, %dma_start3A_87] : memref<10240x128xf32, #tpu.memory_space<vmem_shared>> -> memref<10240x128xf32, #tpu.memory_space<vmem_shared>>
      tpu.enqueue_indirect_dma source(%dma_start3A_82 : memref<128x128xf32, #tpu.memory_space<vmem>>) target(%dma_start3A_88 : memref<10240x128xf32, #tpu.memory_space<vmem_shared>>) offsets(%dma_start3A_85 : memref<128xi32, #tpu.memory_space<vmem>>) semaphore(%arg12 : memref<!tpu.dma_semaphore, #tpu.memory_space<semaphore_mem>>) {add = true}
    }
    %while3A_31 = arith.constant 1 : i32
    scf.for %while3A_60 = %while3A_29 to %while3A_25 step %while3A_31  : i32 {
      %add3A_61 = arith.constant 1 : i32
      %add3A_62 = arith.addi %while3A_60, %add3A_61 : i32
      %lt3A = arith.cmpi slt, %add3A_62, %select_n3A : i32
      %convert_element_type3A = arith.extui %lt3A : i1 to i32
      %cond3A = arith.constant 0 : i32
      %cond3A_63 = arith.cmpi ne, %convert_element_type3A, %cond3A : i32
      scf.if %cond3A_63 {
        %ge3A = arith.constant 2 : i32
        %ge3A_89 = arith.cmpi sge, %add3A_62, %ge3A : i32
        %convert_element_type3A_90 = arith.extui %ge3A_89 : i1 to i32
        %cond3A_91 = arith.constant 0 : i32
        %cond3A_92 = arith.cmpi ne, %convert_element_type3A_90, %cond3A_91 : i32
        scf.if %cond3A_92 {
          %dma_wait3A_118 = arith.constant 0 : i32
          %dma_wait3A_119 = arith.constant 0 : i32
          %dma_wait3A_120 = arith.constant 0 : i32
          %dma_wait3A_121 = arith.constant 0 : i32
          %dma_wait3A_122 = tpu.memref_slice %arg9[%dma_wait3A_118, %dma_wait3A_120, %dma_wait3A_121] : memref<2x128x128xf32, #tpu.memory_space<vmem>> -> memref<1x128x128xf32, #tpu.memory_space<vmem>>
          %dma_wait3A_123 = tpu.memref_squeeze %dma_wait3A_122 : memref<1x128x128xf32, #tpu.memory_space<vmem>> -> memref<128x128xf32, #tpu.memory_space<vmem>>
          %dma_wait3A_124 = arith.constant 0 : i32
          %dma_wait3A_125 = tpu.memref_slice %arg8[%dma_wait3A_119, %dma_wait3A_124] : memref<95x128xi32, #tpu.memory_space<vmem>> -> memref<1x128xi32, #tpu.memory_space<vmem>>
          %dma_wait3A_126 = tpu.memref_squeeze %dma_wait3A_125 : memref<1x128xi32, #tpu.memory_space<vmem>> -> memref<128xi32, #tpu.memory_space<vmem>>
          %dma_wait3A_127 = arith.constant 0 : i32
          %dma_wait3A_128 = arith.constant 0 : i32
          %dma_wait3A_129 = tpu.memref_slice %arg10[%dma_wait3A_127, %dma_wait3A_128] : memref<10240x128xf32, #tpu.memory_space<vmem_shared>> -> memref<10240x128xf32, #tpu.memory_space<vmem_shared>>
          tpu.wait_indirect_dma semaphore(%arg12 : memref<!tpu.dma_semaphore, #tpu.memory_space<semaphore_mem>>) src(%dma_wait3A_123 : memref<128x128xf32, #tpu.memory_space<vmem>>) dst(%dma_wait3A_129 : memref<10240x128xf32, #tpu.memory_space<vmem_shared>>)
        } else {
        }
        %rem3A_93 = arith.constant 8 : i32
        %rem3A_94 = arith.remsi %add3A_62, %rem3A_93 : i32
        %eq3A_95 = arith.constant 0 : i32
        %eq3A_96 = arith.cmpi eq, %rem3A_94, %eq3A_95 : i32
        %convert_element_type3A_97 = arith.extui %eq3A_96 : i1 to i32
        %cond3A_98 = arith.constant 0 : i32
        %cond3A_99 = arith.cmpi ne, %convert_element_type3A_97, %cond3A_98 : i32
        scf.if %cond3A_99 {
          %div3A_118 = arith.constant 8 : i32
          %div3A_119 = arith.divsi %add3A_62, %div3A_118 : i32
          %mul3A_120 = arith.constant 8 : i32
          %mul3A_121 = arith.muli %div3A_119, %mul3A_120 : i32
          %rem3A_122 = arith.constant 2 : i32
          %rem3A_123 = arith.remsi %div3A_119, %rem3A_122 : i32
          "tpu.region"() ({
            %run_scoped3A_124 = tpu.sem_alloc : memref<!tpu.dma_semaphore, #tpu.memory_space<semaphore_mem>>
            %dma_start3A_125 = arith.constant 0 : i32
            %dma_start3A_126 = arith.constant 0 : i32
            %dma_start3A_127 = tpu.memref_slice %arg7[%rem3A_123, %dma_start3A_125, %dma_start3A_126] : memref<2x8x128xi32, #tpu.memory_space<vmem>> -> memref<1x8x128xi32, #tpu.memory_space<vmem>>
            %dma_start3A_128 = tpu.memref_squeeze %dma_start3A_127 : memref<1x8x128xi32, #tpu.memory_space<vmem>> -> memref<8x128xi32, #tpu.memory_space<vmem>>
            %dma_start3A_129 = arith.constant 0 : i32
            %dma_start3A_130 = tpu.memref_slice %arg3[%add3A, %mul3A_121, %dma_start3A_129] : memref<32x96x128xi32, #tpu.memory_space<hbm>> -> memref<1x8x128xi32, #tpu.memory_space<hbm>>
            %dma_start3A_131 = tpu.memref_squeeze %dma_start3A_130 : memref<1x8x128xi32, #tpu.memory_space<hbm>> -> memref<8x128xi32, #tpu.memory_space<hbm>>
            %dma_start3A_132 = arith.constant 0 : i32
            %dma_start3A_133 = arith.constant 0 : i32
            %dma_start3A_134 = tpu.memref_slice %arg7[%rem3A_123, %dma_start3A_132, %dma_start3A_133] : memref<2x8x128xi32, #tpu.memory_space<vmem>> -> memref<1x8x128xi32, #tpu.memory_space<vmem>>
            %dma_start3A_135 = tpu.memref_squeeze %dma_start3A_134 : memref<1x8x128xi32, #tpu.memory_space<vmem>> -> memref<8x128xi32, #tpu.memory_space<vmem>>
            %dma_start3A_136 = arith.constant 0 : i32
            %dma_start3A_137 = tpu.memref_slice %arg3[%add3A, %mul3A_121, %dma_start3A_136] : memref<32x96x128xi32, #tpu.memory_space<hbm>> -> memref<1x8x128xi32, #tpu.memory_space<hbm>>
            %dma_start3A_138 = tpu.memref_squeeze %dma_start3A_137 : memref<1x8x128xi32, #tpu.memory_space<hbm>> -> memref<8x128xi32, #tpu.memory_space<hbm>>
            tpu.enqueue_dma source(%dma_start3A_138 : memref<8x128xi32, #tpu.memory_space<hbm>>) target(%dma_start3A_135 : memref<8x128xi32, #tpu.memory_space<vmem>>) target_semaphore(%run_scoped3A_124 : memref<!tpu.dma_semaphore, #tpu.memory_space<semaphore_mem>>)
            %dma_wait3A_139 = arith.constant 0 : i32
            %dma_wait3A_140 = arith.constant 0 : i32
            %dma_wait3A_141 = tpu.memref_slice %arg7[%rem3A_123, %dma_wait3A_139, %dma_wait3A_140] : memref<2x8x128xi32, #tpu.memory_space<vmem>> -> memref<1x8x128xi32, #tpu.memory_space<vmem>>
            %dma_wait3A_142 = tpu.memref_squeeze %dma_wait3A_141 : memref<1x8x128xi32, #tpu.memory_space<vmem>> -> memref<8x128xi32, #tpu.memory_space<vmem>>
            %dma_wait3A_143 = arith.constant 0 : i32
            %dma_wait3A_144 = tpu.memref_slice %arg3[%add3A, %mul3A_121, %dma_wait3A_143] : memref<32x96x128xi32, #tpu.memory_space<hbm>> -> memref<1x8x128xi32, #tpu.memory_space<hbm>>
            %dma_wait3A_145 = tpu.memref_squeeze %dma_wait3A_144 : memref<1x8x128xi32, #tpu.memory_space<hbm>> -> memref<8x128xi32, #tpu.memory_space<hbm>>
            %dma_wait3A_146 = arith.constant 0 : i32
            %dma_wait3A_147 = arith.constant 0 : i32
            %dma_wait3A_148 = tpu.memref_slice %arg7[%rem3A_123, %dma_wait3A_146, %dma_wait3A_147] : memref<2x8x128xi32, #tpu.memory_space<vmem>> -> memref<1x8x128xi32, #tpu.memory_space<vmem>>
            %dma_wait3A_149 = tpu.memref_squeeze %dma_wait3A_148 : memref<1x8x128xi32, #tpu.memory_space<vmem>> -> memref<8x128xi32, #tpu.memory_space<vmem>>
            %dma_wait3A_150 = arith.constant 0 : i32
            %dma_wait3A_151 = tpu.memref_slice %arg3[%add3A, %mul3A_121, %dma_wait3A_150] : memref<32x96x128xi32, #tpu.memory_space<hbm>> -> memref<1x8x128xi32, #tpu.memory_space<hbm>>
            %dma_wait3A_152 = tpu.memref_squeeze %dma_wait3A_151 : memref<1x8x128xi32, #tpu.memory_space<hbm>> -> memref<8x128xi32, #tpu.memory_space<hbm>>
            tpu.wait_dma2 semaphore(%run_scoped3A_124 : memref<!tpu.dma_semaphore, #tpu.memory_space<semaphore_mem>>) src(%dma_wait3A_152 : memref<8x128xi32, #tpu.memory_space<hbm>>) dst(%dma_wait3A_149 : memref<8x128xi32, #tpu.memory_space<vmem>>)
            tpu.yield
          }) : () -> ()
        } else {
        }
        %rem3A_100 = arith.constant 2 : i32
        %rem3A_101 = arith.remsi %add3A_62, %rem3A_100 : i32
        %div3A_102 = arith.constant 8 : i32
        %div3A_103 = arith.divsi %add3A_62, %div3A_102 : i32
        %rem3A_104 = arith.constant 2 : i32
        %rem3A_105 = arith.remsi %div3A_103, %rem3A_104 : i32
        %rem3A_106 = arith.constant 8 : i32
        %rem3A_107 = arith.remsi %add3A_62, %rem3A_106 : i32
        %dma_start3A_108 = arith.constant 0 : i32
        %dma_start3A_109 = arith.constant 0 : i32
        %dma_start3A_110 = tpu.memref_slice %arg9[%rem3A_101, %dma_start3A_108, %dma_start3A_109] : memref<2x128x128xf32, #tpu.memory_space<vmem>> -> memref<1x128x128xf32, #tpu.memory_space<vmem>>
        %dma_start3A_111 = tpu.memref_squeeze %dma_start3A_110 : memref<1x128x128xf32, #tpu.memory_space<vmem>> -> memref<128x128xf32, #tpu.memory_space<vmem>>
        %dma_start3A_112 = arith.constant 0 : i32
        %dma_start3A_113 = tpu.memref_slice %arg7[%rem3A_105, %rem3A_107, %dma_start3A_112] : memref<2x8x128xi32, #tpu.memory_space<vmem>> -> memref<1x1x128xi32, #tpu.memory_space<vmem>>
        %dma_start3A_114 = tpu.memref_squeeze %dma_start3A_113 : memref<1x1x128xi32, #tpu.memory_space<vmem>> -> memref<128xi32, #tpu.memory_space<vmem>>
        %dma_start3A_115 = arith.constant 0 : i32
        %dma_start3A_116 = arith.constant 0 : i32
        %dma_start3A_117 = tpu.memref_slice %arg2[%dma_start3A_115, %dma_start3A_116] : memref<10240x128xf32, #tpu.memory_space<hbm>> -> memref<10240x128xf32, #tpu.memory_space<hbm>>
        tpu.enqueue_indirect_dma source(%dma_start3A_117 : memref<10240x128xf32, #tpu.memory_space<hbm>>) target(%dma_start3A_111 : memref<128x128xf32, #tpu.memory_space<vmem>>) offsets(%dma_start3A_114 : memref<128xi32, #tpu.memory_space<vmem>>) semaphore(%arg11 : memref<!tpu.dma_semaphore, #tpu.memory_space<semaphore_mem>>)
      } else {
      }
      %dma_wait3A_64 = arith.constant 0 : i32
      %dma_wait3A_65 = arith.constant 0 : i32
      %dma_wait3A_66 = arith.constant 0 : i32
      %dma_wait3A_67 = arith.constant 0 : i32
      %dma_wait3A_68 = arith.constant 0 : i32
      %dma_wait3A_69 = tpu.memref_slice %arg9[%dma_wait3A_66, %dma_wait3A_67, %dma_wait3A_68] : memref<2x128x128xf32, #tpu.memory_space<vmem>> -> memref<1x128x128xf32, #tpu.memory_space<vmem>>
      %dma_wait3A_70 = tpu.memref_squeeze %dma_wait3A_69 : memref<1x128x128xf32, #tpu.memory_space<vmem>> -> memref<128x128xf32, #tpu.memory_space<vmem>>
      %dma_wait3A_71 = arith.constant 0 : i32
      %dma_wait3A_72 = tpu.memref_slice %arg7[%dma_wait3A_64, %dma_wait3A_65, %dma_wait3A_71] : memref<2x8x128xi32, #tpu.memory_space<vmem>> -> memref<1x1x128xi32, #tpu.memory_space<vmem>>
      %dma_wait3A_73 = tpu.memref_squeeze %dma_wait3A_72 : memref<1x1x128xi32, #tpu.memory_space<vmem>> -> memref<128xi32, #tpu.memory_space<vmem>>
      %dma_wait3A_74 = arith.constant 0 : i32
      %dma_wait3A_75 = arith.constant 0 : i32
      %dma_wait3A_76 = tpu.memref_slice %arg2[%dma_wait3A_74, %dma_wait3A_75] : memref<10240x128xf32, #tpu.memory_space<hbm>> -> memref<10240x128xf32, #tpu.memory_space<hbm>>
      tpu.wait_indirect_dma semaphore(%arg11 : memref<!tpu.dma_semaphore, #tpu.memory_space<semaphore_mem>>) src(%dma_wait3A_76 : memref<10240x128xf32, #tpu.memory_space<hbm>>) dst(%dma_wait3A_70 : memref<128x128xf32, #tpu.memory_space<vmem>>)
      %rem3A_77 = arith.constant 2 : i32
      %rem3A_78 = arith.remsi %while3A_60, %rem3A_77 : i32
      %dma_start3A_79 = arith.constant 0 : i32
      %dma_start3A_80 = arith.constant 0 : i32
      %dma_start3A_81 = tpu.memref_slice %arg9[%rem3A_78, %dma_start3A_79, %dma_start3A_80] : memref<2x128x128xf32, #tpu.memory_space<vmem>> -> memref<1x128x128xf32, #tpu.memory_space<vmem>>
      %dma_start3A_82 = tpu.memref_squeeze %dma_start3A_81 : memref<1x128x128xf32, #tpu.memory_space<vmem>> -> memref<128x128xf32, #tpu.memory_space<vmem>>
      %dma_start3A_83 = arith.constant 0 : i32
      %dma_start3A_84 = tpu.memref_slice %arg8[%while3A_60, %dma_start3A_83] : memref<95x128xi32, #tpu.memory_space<vmem>> -> memref<1x128xi32, #tpu.memory_space<vmem>>
      %dma_start3A_85 = tpu.memref_squeeze %dma_start3A_84 : memref<1x128xi32, #tpu.memory_space<vmem>> -> memref<128xi32, #tpu.memory_space<vmem>>
      %dma_start3A_86 = arith.constant 0 : i32
      %dma_start3A_87 = arith.constant 0 : i32
      %dma_start3A_88 = tpu.memref_slice %arg10[%dma_start3A_86, %dma_start3A_87] : memref<10240x128xf32, #tpu.memory_space<vmem_shared>> -> memref<10240x128xf32, #tpu.memory_space<vmem_shared>>
      tpu.enqueue_indirect_dma source(%dma_start3A_82 : memref<128x128xf32, #tpu.memory_space<vmem>>) target(%dma_start3A_88 : memref<10240x128xf32, #tpu.memory_space<vmem_shared>>) offsets(%dma_start3A_85 : memref<128xi32, #tpu.memory_space<vmem>>) semaphore(%arg12 : memref<!tpu.dma_semaphore, #tpu.memory_space<semaphore_mem>>) {add = true}
    }
    %dma_wait3A = arith.constant 0 : i32
    %dma_wait3A_32 = arith.constant 0 : i32
    %dma_wait3A_33 = arith.constant 0 : i32
    %dma_wait3A_34 = arith.constant 0 : i32
    %dma_wait3A_35 = tpu.memref_slice %arg9[%dma_wait3A, %dma_wait3A_33, %dma_wait3A_34] : memref<2x128x128xf32, #tpu.memory_space<vmem>> -> memref<1x128x128xf32, #tpu.memory_space<vmem>>
    %dma_wait3A_36 = tpu.memref_squeeze %dma_wait3A_35 : memref<1x128x128xf32, #tpu.memory_space<vmem>> -> memref<128x128xf32, #tpu.memory_space<vmem>>
    %dma_wait3A_37 = arith.constant 0 : i32
    %dma_wait3A_38 = tpu.memref_slice %arg8[%dma_wait3A_32, %dma_wait3A_37] : memref<95x128xi32, #tpu.memory_space<vmem>> -> memref<1x128xi32, #tpu.memory_space<vmem>>
    %dma_wait3A_39 = tpu.memref_squeeze %dma_wait3A_38 : memref<1x128xi32, #tpu.memory_space<vmem>> -> memref<128xi32, #tpu.memory_space<vmem>>
    %dma_wait3A_40 = arith.constant 0 : i32
    %dma_wait3A_41 = arith.constant 0 : i32
    %dma_wait3A_42 = tpu.memref_slice %arg10[%dma_wait3A_40, %dma_wait3A_41] : memref<10240x128xf32, #tpu.memory_space<vmem_shared>> -> memref<10240x128xf32, #tpu.memory_space<vmem_shared>>
    tpu.wait_indirect_dma semaphore(%arg12 : memref<!tpu.dma_semaphore, #tpu.memory_space<semaphore_mem>>) src(%dma_wait3A_36 : memref<128x128xf32, #tpu.memory_space<vmem>>) dst(%dma_wait3A_42 : memref<10240x128xf32, #tpu.memory_space<vmem_shared>>)
    %dma_wait3A_43 = arith.constant 0 : i32
    %dma_wait3A_44 = arith.constant 0 : i32
    %dma_wait3A_45 = arith.constant 0 : i32
    %dma_wait3A_46 = arith.constant 0 : i32
    %dma_wait3A_47 = tpu.memref_slice %arg9[%dma_wait3A_43, %dma_wait3A_45, %dma_wait3A_46] : memref<2x128x128xf32, #tpu.memory_space<vmem>> -> memref<1x128x128xf32, #tpu.memory_space<vmem>>
    %dma_wait3A_48 = tpu.memref_squeeze %dma_wait3A_47 : memref<1x128x128xf32, #tpu.memory_space<vmem>> -> memref<128x128xf32, #tpu.memory_space<vmem>>
    %dma_wait3A_49 = arith.constant 0 : i32
    %dma_wait3A_50 = tpu.memref_slice %arg8[%dma_wait3A_44, %dma_wait3A_49] : memref<95x128xi32, #tpu.memory_space<vmem>> -> memref<1x128xi32, #tpu.memory_space<vmem>>
    %dma_wait3A_51 = tpu.memref_squeeze %dma_wait3A_50 : memref<1x128xi32, #tpu.memory_space<vmem>> -> memref<128xi32, #tpu.memory_space<vmem>>
    %dma_wait3A_52 = arith.constant 0 : i32
    %dma_wait3A_53 = arith.constant 0 : i32
    %dma_wait3A_54 = tpu.memref_slice %arg10[%dma_wait3A_52, %dma_wait3A_53] : memref<10240x128xf32, #tpu.memory_space<vmem_shared>> -> memref<10240x128xf32, #tpu.memory_space<vmem_shared>>
    tpu.wait_indirect_dma semaphore(%arg12 : memref<!tpu.dma_semaphore, #tpu.memory_space<semaphore_mem>>) src(%dma_wait3A_48 : memref<128x128xf32, #tpu.memory_space<vmem>>) dst(%dma_wait3A_54 : memref<10240x128xf32, #tpu.memory_space<vmem_shared>>)
    %barrier3A_55 = arith.constant 0 : index
    tpu.barrier barrier_id(%barrier3A_55)
    %mul3A_56 = arith.constant 640 : i32
    %mul3A_57 = arith.muli %arg1, %mul3A_56 : i32
    %mul3A_58 = arith.constant 640 : i32
    %mul3A_59 = arith.muli %arg1, %mul3A_58 : i32
    "tpu.region"() ({
      %run_scoped3A_60 = tpu.sem_alloc : memref<!tpu.dma_semaphore, #tpu.memory_space<semaphore_mem>>
      %dma_start3A_61 = arith.constant 0 : i32
      %dma_start3A_62 = tpu.memref_slice %arg6[%arg0, %mul3A_59, %dma_start3A_61] : memref<2x10240x128xf32, #tpu.memory_space<hbm>> -> memref<1x640x128xf32, #tpu.memory_space<hbm>>
      %dma_start3A_63 = tpu.memref_squeeze %dma_start3A_62 : memref<1x640x128xf32, #tpu.memory_space<hbm>> -> memref<640x128xf32, #tpu.memory_space<hbm>>
      %dma_start3A_64 = arith.constant 0 : i32
      %dma_start3A_65 = tpu.memref_slice %arg10[%mul3A_57, %dma_start3A_64] : memref<10240x128xf32, #tpu.memory_space<vmem_shared>> -> memref<640x128xf32, #tpu.memory_space<vmem_shared>>
      tpu.enqueue_dma source(%dma_start3A_65 : memref<640x128xf32, #tpu.memory_space<vmem_shared>>) target(%dma_start3A_63 : memref<640x128xf32, #tpu.memory_space<hbm>>) target_semaphore(%run_scoped3A_60 : memref<!tpu.dma_semaphore, #tpu.memory_space<semaphore_mem>>)
      %dma_wait3A_66 = arith.constant 0 : i32
      %dma_wait3A_67 = tpu.memref_slice %arg6[%arg0, %mul3A_59, %dma_wait3A_66] : memref<2x10240x128xf32, #tpu.memory_space<hbm>> -> memref<1x640x128xf32, #tpu.memory_space<hbm>>
      %dma_wait3A_68 = tpu.memref_squeeze %dma_wait3A_67 : memref<1x640x128xf32, #tpu.memory_space<hbm>> -> memref<640x128xf32, #tpu.memory_space<hbm>>
      %dma_wait3A_69 = arith.constant 0 : i32
      %dma_wait3A_70 = tpu.memref_slice %arg10[%mul3A_57, %dma_wait3A_69] : memref<10240x128xf32, #tpu.memory_space<vmem_shared>> -> memref<640x128xf32, #tpu.memory_space<vmem_shared>>
      tpu.wait_dma2 semaphore(%run_scoped3A_60 : memref<!tpu.dma_semaphore, #tpu.memory_space<semaphore_mem>>) src(%dma_wait3A_70 : memref<640x128xf32, #tpu.memory_space<vmem_shared>>) dst(%dma_wait3A_68 : memref<640x128xf32, #tpu.memory_space<hbm>>)
      tpu.yield
    }) : () -> ()
    return
  }
}

#map = affine_map<(d0, d1) -> (0, 0)>
#map1 = affine_map<(d0, d1) -> (0, 0, 0)>
module attributes {stable_mosaic.version = 14 : i64} {
  func.func @_sc_agg_body(%arg0: i32, %arg1: i32, %arg2: memref<10240x128xf32, #tpu.memory_space<hbm>>, %arg3: memref<32x96x128xi32, #tpu.memory_space<hbm>>, %arg4: memref<32x95x128xi32, #tpu.memory_space<hbm>>, %arg5: memref<10240x128xf32, #tpu.memory_space<hbm>>, %arg6: memref<2x10240x128xf32, #tpu.memory_space<hbm>>, %arg7: memref<2x8x128xi32, #tpu.memory_space<vmem>>, %arg8: memref<95x128xi32, #tpu.memory_space<vmem>>, %arg9: memref<2x128x128xf32, #tpu.memory_space<vmem>>, %arg10: memref<10240x128xf32, #tpu.memory_space<vmem_shared>>, %arg11: memref<!tpu.dma_semaphore, #tpu.memory_space<semaphore_mem>>, %arg12: memref<!tpu.dma_semaphore, #tpu.memory_space<semaphore_mem>>) attributes {dimension_semantics = [#tpu.dimension_semantics<core_parallel>, #tpu.dimension_semantics<subcore_parallel>], iteration_bounds = array<i64: 2, 16>, scalar_prefetch = 0 : i64, scratch_operands = 6 : i64, tpu.core_type = #tpu.core_type<sc_vector_subcore>, window_params = [{transform_indices = #map}, {transform_indices = #map1}, {transform_indices = #map1}, {transform_indices = #map}, {transform_indices = #map1}]} {
    %mul3A = arith.constant 16 : i32
    %mul3A_0 = arith.muli %arg0, %mul3A : i32
    %add3A = arith.addi %mul3A_0, %arg1 : i32
    %eq3A = arith.constant 0 : i32
    %eq3A_1 = arith.cmpi eq, %arg0, %eq3A : i32
    %jit3A = arith.constant 95 : i32
    %jit3A_2 = arith.constant 67 : i32
    %select_n3A = arith.select %eq3A_1, %jit3A, %jit3A_2 : i32
    %mul3A_3 = arith.constant 640 : i32
    %mul3A_4 = arith.muli %arg1, %mul3A_3 : i32
    %mul3A_5 = arith.constant 640 : i32
    %mul3A_6 = arith.muli %arg1, %mul3A_5 : i32
    "tpu.region"() ({
      %run_scoped3A_60 = tpu.sem_alloc : memref<!tpu.dma_semaphore, #tpu.memory_space<semaphore_mem>>
      %dma_start3A_61 = arith.constant 0 : i32
      %dma_start3A_62 = tpu.memref_slice %arg10[%mul3A_6, %dma_start3A_61] : memref<10240x128xf32, #tpu.memory_space<vmem_shared>> -> memref<640x128xf32, #tpu.memory_space<vmem_shared>>
      %dma_start3A_63 = arith.constant 0 : i32
      %dma_start3A_64 = tpu.memref_slice %arg5[%mul3A_4, %dma_start3A_63] : memref<10240x128xf32, #tpu.memory_space<hbm>> -> memref<640x128xf32, #tpu.memory_space<hbm>>
      tpu.enqueue_dma source(%dma_start3A_64 : memref<640x128xf32, #tpu.memory_space<hbm>>) target(%dma_start3A_62 : memref<640x128xf32, #tpu.memory_space<vmem_shared>>) target_semaphore(%run_scoped3A_60 : memref<!tpu.dma_semaphore, #tpu.memory_space<semaphore_mem>>)
      %dma_wait3A_65 = arith.constant 0 : i32
      %dma_wait3A_66 = tpu.memref_slice %arg10[%mul3A_6, %dma_wait3A_65] : memref<10240x128xf32, #tpu.memory_space<vmem_shared>> -> memref<640x128xf32, #tpu.memory_space<vmem_shared>>
      %dma_wait3A_67 = arith.constant 0 : i32
      %dma_wait3A_68 = tpu.memref_slice %arg5[%mul3A_4, %dma_wait3A_67] : memref<10240x128xf32, #tpu.memory_space<hbm>> -> memref<640x128xf32, #tpu.memory_space<hbm>>
      tpu.wait_dma2 semaphore(%run_scoped3A_60 : memref<!tpu.dma_semaphore, #tpu.memory_space<semaphore_mem>>) src(%dma_wait3A_68 : memref<640x128xf32, #tpu.memory_space<hbm>>) dst(%dma_wait3A_66 : memref<640x128xf32, #tpu.memory_space<vmem_shared>>)
      tpu.yield
    }) : () -> ()
    "tpu.region"() ({
      %run_scoped3A_60 = tpu.sem_alloc : memref<!tpu.dma_semaphore, #tpu.memory_space<semaphore_mem>>
      %dma_start3A_61 = arith.constant 0 : i32
      %dma_start3A_62 = arith.constant 0 : i32
      %dma_start3A_63 = tpu.memref_slice %arg4[%add3A, %dma_start3A_61, %dma_start3A_62] : memref<32x95x128xi32, #tpu.memory_space<hbm>> -> memref<1x95x128xi32, #tpu.memory_space<hbm>>
      %dma_start3A_64 = tpu.memref_squeeze %dma_start3A_63 : memref<1x95x128xi32, #tpu.memory_space<hbm>> -> memref<95x128xi32, #tpu.memory_space<hbm>>
      %dma_start3A_65 = arith.constant 0 : i32
      %dma_start3A_66 = arith.constant 0 : i32
      %dma_start3A_67 = tpu.memref_slice %arg4[%add3A, %dma_start3A_65, %dma_start3A_66] : memref<32x95x128xi32, #tpu.memory_space<hbm>> -> memref<1x95x128xi32, #tpu.memory_space<hbm>>
      %dma_start3A_68 = tpu.memref_squeeze %dma_start3A_67 : memref<1x95x128xi32, #tpu.memory_space<hbm>> -> memref<95x128xi32, #tpu.memory_space<hbm>>
      tpu.enqueue_dma source(%dma_start3A_68 : memref<95x128xi32, #tpu.memory_space<hbm>>) target(%arg8 : memref<95x128xi32, #tpu.memory_space<vmem>>) target_semaphore(%run_scoped3A_60 : memref<!tpu.dma_semaphore, #tpu.memory_space<semaphore_mem>>)
      %dma_wait3A_69 = arith.constant 0 : i32
      %dma_wait3A_70 = arith.constant 0 : i32
      %dma_wait3A_71 = tpu.memref_slice %arg4[%add3A, %dma_wait3A_69, %dma_wait3A_70] : memref<32x95x128xi32, #tpu.memory_space<hbm>> -> memref<1x95x128xi32, #tpu.memory_space<hbm>>
      %dma_wait3A_72 = tpu.memref_squeeze %dma_wait3A_71 : memref<1x95x128xi32, #tpu.memory_space<hbm>> -> memref<95x128xi32, #tpu.memory_space<hbm>>
      %dma_wait3A_73 = arith.constant 0 : i32
      %dma_wait3A_74 = arith.constant 0 : i32
      %dma_wait3A_75 = tpu.memref_slice %arg4[%add3A, %dma_wait3A_73, %dma_wait3A_74] : memref<32x95x128xi32, #tpu.memory_space<hbm>> -> memref<1x95x128xi32, #tpu.memory_space<hbm>>
      %dma_wait3A_76 = tpu.memref_squeeze %dma_wait3A_75 : memref<1x95x128xi32, #tpu.memory_space<hbm>> -> memref<95x128xi32, #tpu.memory_space<hbm>>
      tpu.wait_dma2 semaphore(%run_scoped3A_60 : memref<!tpu.dma_semaphore, #tpu.memory_space<semaphore_mem>>) src(%dma_wait3A_76 : memref<95x128xi32, #tpu.memory_space<hbm>>) dst(%arg8 : memref<95x128xi32, #tpu.memory_space<vmem>>)
      tpu.yield
    }) : () -> ()
    %run_scoped3A = arith.constant 0 : i32
    "tpu.region"() ({
      %run_scoped3A_60 = tpu.sem_alloc : memref<!tpu.dma_semaphore, #tpu.memory_space<semaphore_mem>>
      %dma_start3A_61 = arith.constant 0 : i32
      %dma_start3A_62 = arith.constant 0 : i32
      %dma_start3A_63 = tpu.memref_slice %arg7[%run_scoped3A, %dma_start3A_61, %dma_start3A_62] : memref<2x8x128xi32, #tpu.memory_space<vmem>> -> memref<1x8x128xi32, #tpu.memory_space<vmem>>
      %dma_start3A_64 = tpu.memref_squeeze %dma_start3A_63 : memref<1x8x128xi32, #tpu.memory_space<vmem>> -> memref<8x128xi32, #tpu.memory_space<vmem>>
      %dma_start3A_65 = arith.constant 0 : i32
      %dma_start3A_66 = arith.constant 0 : i32
      %dma_start3A_67 = tpu.memref_slice %arg3[%add3A, %dma_start3A_65, %dma_start3A_66] : memref<32x96x128xi32, #tpu.memory_space<hbm>> -> memref<1x8x128xi32, #tpu.memory_space<hbm>>
      %dma_start3A_68 = tpu.memref_squeeze %dma_start3A_67 : memref<1x8x128xi32, #tpu.memory_space<hbm>> -> memref<8x128xi32, #tpu.memory_space<hbm>>
      %dma_start3A_69 = arith.constant 0 : i32
      %dma_start3A_70 = arith.constant 0 : i32
      %dma_start3A_71 = tpu.memref_slice %arg7[%run_scoped3A, %dma_start3A_69, %dma_start3A_70] : memref<2x8x128xi32, #tpu.memory_space<vmem>> -> memref<1x8x128xi32, #tpu.memory_space<vmem>>
      %dma_start3A_72 = tpu.memref_squeeze %dma_start3A_71 : memref<1x8x128xi32, #tpu.memory_space<vmem>> -> memref<8x128xi32, #tpu.memory_space<vmem>>
      %dma_start3A_73 = arith.constant 0 : i32
      %dma_start3A_74 = arith.constant 0 : i32
      %dma_start3A_75 = tpu.memref_slice %arg3[%add3A, %dma_start3A_73, %dma_start3A_74] : memref<32x96x128xi32, #tpu.memory_space<hbm>> -> memref<1x8x128xi32, #tpu.memory_space<hbm>>
      %dma_start3A_76 = tpu.memref_squeeze %dma_start3A_75 : memref<1x8x128xi32, #tpu.memory_space<hbm>> -> memref<8x128xi32, #tpu.memory_space<hbm>>
      tpu.enqueue_dma source(%dma_start3A_76 : memref<8x128xi32, #tpu.memory_space<hbm>>) target(%dma_start3A_72 : memref<8x128xi32, #tpu.memory_space<vmem>>) target_semaphore(%run_scoped3A_60 : memref<!tpu.dma_semaphore, #tpu.memory_space<semaphore_mem>>)
      %dma_wait3A_77 = arith.constant 0 : i32
      %dma_wait3A_78 = arith.constant 0 : i32
      %dma_wait3A_79 = tpu.memref_slice %arg7[%run_scoped3A, %dma_wait3A_77, %dma_wait3A_78] : memref<2x8x128xi32, #tpu.memory_space<vmem>> -> memref<1x8x128xi32, #tpu.memory_space<vmem>>
      %dma_wait3A_80 = tpu.memref_squeeze %dma_wait3A_79 : memref<1x8x128xi32, #tpu.memory_space<vmem>> -> memref<8x128xi32, #tpu.memory_space<vmem>>
      %dma_wait3A_81 = arith.constant 0 : i32
      %dma_wait3A_82 = arith.constant 0 : i32
      %dma_wait3A_83 = tpu.memref_slice %arg3[%add3A, %dma_wait3A_81, %dma_wait3A_82] : memref<32x96x128xi32, #tpu.memory_space<hbm>> -> memref<1x8x128xi32, #tpu.memory_space<hbm>>
      %dma_wait3A_84 = tpu.memref_squeeze %dma_wait3A_83 : memref<1x8x128xi32, #tpu.memory_space<hbm>> -> memref<8x128xi32, #tpu.memory_space<hbm>>
      %dma_wait3A_85 = arith.constant 0 : i32
      %dma_wait3A_86 = arith.constant 0 : i32
      %dma_wait3A_87 = tpu.memref_slice %arg7[%run_scoped3A, %dma_wait3A_85, %dma_wait3A_86] : memref<2x8x128xi32, #tpu.memory_space<vmem>> -> memref<1x8x128xi32, #tpu.memory_space<vmem>>
      %dma_wait3A_88 = tpu.memref_squeeze %dma_wait3A_87 : memref<1x8x128xi32, #tpu.memory_space<vmem>> -> memref<8x128xi32, #tpu.memory_space<vmem>>
      %dma_wait3A_89 = arith.constant 0 : i32
      %dma_wait3A_90 = arith.constant 0 : i32
      %dma_wait3A_91 = tpu.memref_slice %arg3[%add3A, %dma_wait3A_89, %dma_wait3A_90] : memref<32x96x128xi32, #tpu.memory_space<hbm>> -> memref<1x8x128xi32, #tpu.memory_space<hbm>>
      %dma_wait3A_92 = tpu.memref_squeeze %dma_wait3A_91 : memref<1x8x128xi32, #tpu.memory_space<hbm>> -> memref<8x128xi32, #tpu.memory_space<hbm>>
      tpu.wait_dma2 semaphore(%run_scoped3A_60 : memref<!tpu.dma_semaphore, #tpu.memory_space<semaphore_mem>>) src(%dma_wait3A_92 : memref<8x128xi32, #tpu.memory_space<hbm>>) dst(%dma_wait3A_88 : memref<8x128xi32, #tpu.memory_space<vmem>>)
      tpu.yield
    }) : () -> ()
    %barrier3A = arith.constant 0 : index
    tpu.barrier barrier_id(%barrier3A)
    %div3A = arith.constant 0 : i32
    %div3A_7 = arith.constant 8 : i32
    %div3A_8 = arith.divsi %div3A, %div3A_7 : i32
    %rem3A = arith.constant 2 : i32
    %rem3A_9 = arith.remsi %div3A_8, %rem3A : i32
    %rem3A_10 = arith.constant 0 : i32
    %rem3A_11 = arith.constant 8 : i32
    %rem3A_12 = arith.remsi %rem3A_10, %rem3A_11 : i32
    %dma_start3A = arith.constant 0 : i32
    %dma_start3A_13 = arith.constant 0 : i32
    %dma_start3A_14 = arith.constant 0 : i32
    %dma_start3A_15 = tpu.memref_slice %arg9[%dma_start3A, %dma_start3A_13, %dma_start3A_14] : memref<2x128x128xf32, #tpu.memory_space<vmem>> -> memref<1x128x128xf32, #tpu.memory_space<vmem>>
    %dma_start3A_16 = tpu.memref_squeeze %dma_start3A_15 : memref<1x128x128xf32, #tpu.memory_space<vmem>> -> memref<128x128xf32, #tpu.memory_space<vmem>>
    %dma_start3A_17 = arith.constant 0 : i32
    %dma_start3A_18 = tpu.memref_slice %arg7[%rem3A_9, %rem3A_12, %dma_start3A_17] : memref<2x8x128xi32, #tpu.memory_space<vmem>> -> memref<1x1x128xi32, #tpu.memory_space<vmem>>
    %dma_start3A_19 = tpu.memref_squeeze %dma_start3A_18 : memref<1x1x128xi32, #tpu.memory_space<vmem>> -> memref<128xi32, #tpu.memory_space<vmem>>
    %dma_start3A_20 = arith.constant 0 : i32
    %dma_start3A_21 = arith.constant 0 : i32
    %dma_start3A_22 = tpu.memref_slice %arg2[%dma_start3A_20, %dma_start3A_21] : memref<10240x128xf32, #tpu.memory_space<hbm>> -> memref<10240x128xf32, #tpu.memory_space<hbm>>
    tpu.enqueue_indirect_dma source(%dma_start3A_22 : memref<10240x128xf32, #tpu.memory_space<hbm>>) target(%dma_start3A_16 : memref<128x128xf32, #tpu.memory_space<vmem>>) offsets(%dma_start3A_19 : memref<128xi32, #tpu.memory_space<vmem>>) semaphore(%arg11 : memref<!tpu.dma_semaphore, #tpu.memory_space<semaphore_mem>>)
    %while3A = arith.constant 0 : i32
    %while3A_23 = arith.constant 0 : i32
    %while3A_24 = arith.subi %select_n3A, %while3A_23 : i32
    %while3A_25 = arith.addi %while3A_23, %while3A_24 : i32
    %while3A_26 = arith.constant 1 : i32
    %while3A_27 = arith.divsi %while3A_24, %while3A_26 : i32
    %while3A_28 = arith.muli %while3A_27, %while3A_26 : i32
    %while3A_29 = arith.addi %while3A_23, %while3A_28 : i32
    %while3A_30 = arith.constant 1 : i32
    scf.for %while3A_60 = %while3A_23 to %while3A_29 step %while3A_30  : i32 {
      %add3A_61 = arith.constant 1 : i32
      %add3A_62 = arith.addi %while3A_60, %add3A_61 : i32
      %lt3A = arith.cmpi slt, %add3A_62, %select_n3A : i32
      %convert_element_type3A = arith.extui %lt3A : i1 to i32
      %cond3A = arith.constant 0 : i32
      %cond3A_63 = arith.cmpi ne, %convert_element_type3A, %cond3A : i32
      scf.if %cond3A_63 {
        %ge3A = arith.constant 2 : i32
        %ge3A_89 = arith.cmpi sge, %add3A_62, %ge3A : i32
        %convert_element_type3A_90 = arith.extui %ge3A_89 : i1 to i32
        %cond3A_91 = arith.constant 0 : i32
        %cond3A_92 = arith.cmpi ne, %convert_element_type3A_90, %cond3A_91 : i32
        scf.if %cond3A_92 {
          %dma_wait3A_118 = arith.constant 0 : i32
          %dma_wait3A_119 = arith.constant 0 : i32
          %dma_wait3A_120 = arith.constant 0 : i32
          %dma_wait3A_121 = arith.constant 0 : i32
          %dma_wait3A_122 = tpu.memref_slice %arg9[%dma_wait3A_118, %dma_wait3A_120, %dma_wait3A_121] : memref<2x128x128xf32, #tpu.memory_space<vmem>> -> memref<1x128x128xf32, #tpu.memory_space<vmem>>
          %dma_wait3A_123 = tpu.memref_squeeze %dma_wait3A_122 : memref<1x128x128xf32, #tpu.memory_space<vmem>> -> memref<128x128xf32, #tpu.memory_space<vmem>>
          %dma_wait3A_124 = arith.constant 0 : i32
          %dma_wait3A_125 = tpu.memref_slice %arg8[%dma_wait3A_119, %dma_wait3A_124] : memref<95x128xi32, #tpu.memory_space<vmem>> -> memref<1x128xi32, #tpu.memory_space<vmem>>
          %dma_wait3A_126 = tpu.memref_squeeze %dma_wait3A_125 : memref<1x128xi32, #tpu.memory_space<vmem>> -> memref<128xi32, #tpu.memory_space<vmem>>
          %dma_wait3A_127 = arith.constant 0 : i32
          %dma_wait3A_128 = arith.constant 0 : i32
          %dma_wait3A_129 = tpu.memref_slice %arg10[%dma_wait3A_127, %dma_wait3A_128] : memref<10240x128xf32, #tpu.memory_space<vmem_shared>> -> memref<10240x128xf32, #tpu.memory_space<vmem_shared>>
          tpu.wait_indirect_dma semaphore(%arg12 : memref<!tpu.dma_semaphore, #tpu.memory_space<semaphore_mem>>) src(%dma_wait3A_123 : memref<128x128xf32, #tpu.memory_space<vmem>>) dst(%dma_wait3A_129 : memref<10240x128xf32, #tpu.memory_space<vmem_shared>>)
        } else {
        }
        %rem3A_93 = arith.constant 8 : i32
        %rem3A_94 = arith.remsi %add3A_62, %rem3A_93 : i32
        %eq3A_95 = arith.constant 0 : i32
        %eq3A_96 = arith.cmpi eq, %rem3A_94, %eq3A_95 : i32
        %convert_element_type3A_97 = arith.extui %eq3A_96 : i1 to i32
        %cond3A_98 = arith.constant 0 : i32
        %cond3A_99 = arith.cmpi ne, %convert_element_type3A_97, %cond3A_98 : i32
        scf.if %cond3A_99 {
          %div3A_118 = arith.constant 8 : i32
          %div3A_119 = arith.divsi %add3A_62, %div3A_118 : i32
          %mul3A_120 = arith.constant 8 : i32
          %mul3A_121 = arith.muli %div3A_119, %mul3A_120 : i32
          %rem3A_122 = arith.constant 2 : i32
          %rem3A_123 = arith.remsi %div3A_119, %rem3A_122 : i32
          "tpu.region"() ({
            %run_scoped3A_124 = tpu.sem_alloc : memref<!tpu.dma_semaphore, #tpu.memory_space<semaphore_mem>>
            %dma_start3A_125 = arith.constant 0 : i32
            %dma_start3A_126 = arith.constant 0 : i32
            %dma_start3A_127 = tpu.memref_slice %arg7[%rem3A_123, %dma_start3A_125, %dma_start3A_126] : memref<2x8x128xi32, #tpu.memory_space<vmem>> -> memref<1x8x128xi32, #tpu.memory_space<vmem>>
            %dma_start3A_128 = tpu.memref_squeeze %dma_start3A_127 : memref<1x8x128xi32, #tpu.memory_space<vmem>> -> memref<8x128xi32, #tpu.memory_space<vmem>>
            %dma_start3A_129 = arith.constant 0 : i32
            %dma_start3A_130 = tpu.memref_slice %arg3[%add3A, %mul3A_121, %dma_start3A_129] : memref<32x96x128xi32, #tpu.memory_space<hbm>> -> memref<1x8x128xi32, #tpu.memory_space<hbm>>
            %dma_start3A_131 = tpu.memref_squeeze %dma_start3A_130 : memref<1x8x128xi32, #tpu.memory_space<hbm>> -> memref<8x128xi32, #tpu.memory_space<hbm>>
            %dma_start3A_132 = arith.constant 0 : i32
            %dma_start3A_133 = arith.constant 0 : i32
            %dma_start3A_134 = tpu.memref_slice %arg7[%rem3A_123, %dma_start3A_132, %dma_start3A_133] : memref<2x8x128xi32, #tpu.memory_space<vmem>> -> memref<1x8x128xi32, #tpu.memory_space<vmem>>
            %dma_start3A_135 = tpu.memref_squeeze %dma_start3A_134 : memref<1x8x128xi32, #tpu.memory_space<vmem>> -> memref<8x128xi32, #tpu.memory_space<vmem>>
            %dma_start3A_136 = arith.constant 0 : i32
            %dma_start3A_137 = tpu.memref_slice %arg3[%add3A, %mul3A_121, %dma_start3A_136] : memref<32x96x128xi32, #tpu.memory_space<hbm>> -> memref<1x8x128xi32, #tpu.memory_space<hbm>>
            %dma_start3A_138 = tpu.memref_squeeze %dma_start3A_137 : memref<1x8x128xi32, #tpu.memory_space<hbm>> -> memref<8x128xi32, #tpu.memory_space<hbm>>
            tpu.enqueue_dma source(%dma_start3A_138 : memref<8x128xi32, #tpu.memory_space<hbm>>) target(%dma_start3A_135 : memref<8x128xi32, #tpu.memory_space<vmem>>) target_semaphore(%run_scoped3A_124 : memref<!tpu.dma_semaphore, #tpu.memory_space<semaphore_mem>>)
            %dma_wait3A_139 = arith.constant 0 : i32
            %dma_wait3A_140 = arith.constant 0 : i32
            %dma_wait3A_141 = tpu.memref_slice %arg7[%rem3A_123, %dma_wait3A_139, %dma_wait3A_140] : memref<2x8x128xi32, #tpu.memory_space<vmem>> -> memref<1x8x128xi32, #tpu.memory_space<vmem>>
            %dma_wait3A_142 = tpu.memref_squeeze %dma_wait3A_141 : memref<1x8x128xi32, #tpu.memory_space<vmem>> -> memref<8x128xi32, #tpu.memory_space<vmem>>
            %dma_wait3A_143 = arith.constant 0 : i32
            %dma_wait3A_144 = tpu.memref_slice %arg3[%add3A, %mul3A_121, %dma_wait3A_143] : memref<32x96x128xi32, #tpu.memory_space<hbm>> -> memref<1x8x128xi32, #tpu.memory_space<hbm>>
            %dma_wait3A_145 = tpu.memref_squeeze %dma_wait3A_144 : memref<1x8x128xi32, #tpu.memory_space<hbm>> -> memref<8x128xi32, #tpu.memory_space<hbm>>
            %dma_wait3A_146 = arith.constant 0 : i32
            %dma_wait3A_147 = arith.constant 0 : i32
            %dma_wait3A_148 = tpu.memref_slice %arg7[%rem3A_123, %dma_wait3A_146, %dma_wait3A_147] : memref<2x8x128xi32, #tpu.memory_space<vmem>> -> memref<1x8x128xi32, #tpu.memory_space<vmem>>
            %dma_wait3A_149 = tpu.memref_squeeze %dma_wait3A_148 : memref<1x8x128xi32, #tpu.memory_space<vmem>> -> memref<8x128xi32, #tpu.memory_space<vmem>>
            %dma_wait3A_150 = arith.constant 0 : i32
            %dma_wait3A_151 = tpu.memref_slice %arg3[%add3A, %mul3A_121, %dma_wait3A_150] : memref<32x96x128xi32, #tpu.memory_space<hbm>> -> memref<1x8x128xi32, #tpu.memory_space<hbm>>
            %dma_wait3A_152 = tpu.memref_squeeze %dma_wait3A_151 : memref<1x8x128xi32, #tpu.memory_space<hbm>> -> memref<8x128xi32, #tpu.memory_space<hbm>>
            tpu.wait_dma2 semaphore(%run_scoped3A_124 : memref<!tpu.dma_semaphore, #tpu.memory_space<semaphore_mem>>) src(%dma_wait3A_152 : memref<8x128xi32, #tpu.memory_space<hbm>>) dst(%dma_wait3A_149 : memref<8x128xi32, #tpu.memory_space<vmem>>)
            tpu.yield
          }) : () -> ()
        } else {
        }
        %rem3A_100 = arith.constant 2 : i32
        %rem3A_101 = arith.remsi %add3A_62, %rem3A_100 : i32
        %div3A_102 = arith.constant 8 : i32
        %div3A_103 = arith.divsi %add3A_62, %div3A_102 : i32
        %rem3A_104 = arith.constant 2 : i32
        %rem3A_105 = arith.remsi %div3A_103, %rem3A_104 : i32
        %rem3A_106 = arith.constant 8 : i32
        %rem3A_107 = arith.remsi %add3A_62, %rem3A_106 : i32
        %dma_start3A_108 = arith.constant 0 : i32
        %dma_start3A_109 = arith.constant 0 : i32
        %dma_start3A_110 = tpu.memref_slice %arg9[%rem3A_101, %dma_start3A_108, %dma_start3A_109] : memref<2x128x128xf32, #tpu.memory_space<vmem>> -> memref<1x128x128xf32, #tpu.memory_space<vmem>>
        %dma_start3A_111 = tpu.memref_squeeze %dma_start3A_110 : memref<1x128x128xf32, #tpu.memory_space<vmem>> -> memref<128x128xf32, #tpu.memory_space<vmem>>
        %dma_start3A_112 = arith.constant 0 : i32
        %dma_start3A_113 = tpu.memref_slice %arg7[%rem3A_105, %rem3A_107, %dma_start3A_112] : memref<2x8x128xi32, #tpu.memory_space<vmem>> -> memref<1x1x128xi32, #tpu.memory_space<vmem>>
        %dma_start3A_114 = tpu.memref_squeeze %dma_start3A_113 : memref<1x1x128xi32, #tpu.memory_space<vmem>> -> memref<128xi32, #tpu.memory_space<vmem>>
        %dma_start3A_115 = arith.constant 0 : i32
        %dma_start3A_116 = arith.constant 0 : i32
        %dma_start3A_117 = tpu.memref_slice %arg2[%dma_start3A_115, %dma_start3A_116] : memref<10240x128xf32, #tpu.memory_space<hbm>> -> memref<10240x128xf32, #tpu.memory_space<hbm>>
        tpu.enqueue_indirect_dma source(%dma_start3A_117 : memref<10240x128xf32, #tpu.memory_space<hbm>>) target(%dma_start3A_111 : memref<128x128xf32, #tpu.memory_space<vmem>>) offsets(%dma_start3A_114 : memref<128xi32, #tpu.memory_space<vmem>>) semaphore(%arg11 : memref<!tpu.dma_semaphore, #tpu.memory_space<semaphore_mem>>)
      } else {
      }
      %dma_wait3A_64 = arith.constant 0 : i32
      %dma_wait3A_65 = arith.constant 0 : i32
      %dma_wait3A_66 = arith.constant 0 : i32
      %dma_wait3A_67 = arith.constant 0 : i32
      %dma_wait3A_68 = arith.constant 0 : i32
      %dma_wait3A_69 = tpu.memref_slice %arg9[%dma_wait3A_66, %dma_wait3A_67, %dma_wait3A_68] : memref<2x128x128xf32, #tpu.memory_space<vmem>> -> memref<1x128x128xf32, #tpu.memory_space<vmem>>
      %dma_wait3A_70 = tpu.memref_squeeze %dma_wait3A_69 : memref<1x128x128xf32, #tpu.memory_space<vmem>> -> memref<128x128xf32, #tpu.memory_space<vmem>>
      %dma_wait3A_71 = arith.constant 0 : i32
      %dma_wait3A_72 = tpu.memref_slice %arg7[%dma_wait3A_64, %dma_wait3A_65, %dma_wait3A_71] : memref<2x8x128xi32, #tpu.memory_space<vmem>> -> memref<1x1x128xi32, #tpu.memory_space<vmem>>
      %dma_wait3A_73 = tpu.memref_squeeze %dma_wait3A_72 : memref<1x1x128xi32, #tpu.memory_space<vmem>> -> memref<128xi32, #tpu.memory_space<vmem>>
      %dma_wait3A_74 = arith.constant 0 : i32
      %dma_wait3A_75 = arith.constant 0 : i32
      %dma_wait3A_76 = tpu.memref_slice %arg2[%dma_wait3A_74, %dma_wait3A_75] : memref<10240x128xf32, #tpu.memory_space<hbm>> -> memref<10240x128xf32, #tpu.memory_space<hbm>>
      tpu.wait_indirect_dma semaphore(%arg11 : memref<!tpu.dma_semaphore, #tpu.memory_space<semaphore_mem>>) src(%dma_wait3A_76 : memref<10240x128xf32, #tpu.memory_space<hbm>>) dst(%dma_wait3A_70 : memref<128x128xf32, #tpu.memory_space<vmem>>)
      %rem3A_77 = arith.constant 2 : i32
      %rem3A_78 = arith.remsi %while3A_60, %rem3A_77 : i32
      %dma_start3A_79 = arith.constant 0 : i32
      %dma_start3A_80 = arith.constant 0 : i32
      %dma_start3A_81 = tpu.memref_slice %arg9[%rem3A_78, %dma_start3A_79, %dma_start3A_80] : memref<2x128x128xf32, #tpu.memory_space<vmem>> -> memref<1x128x128xf32, #tpu.memory_space<vmem>>
      %dma_start3A_82 = tpu.memref_squeeze %dma_start3A_81 : memref<1x128x128xf32, #tpu.memory_space<vmem>> -> memref<128x128xf32, #tpu.memory_space<vmem>>
      %dma_start3A_83 = arith.constant 0 : i32
      %dma_start3A_84 = tpu.memref_slice %arg8[%while3A_60, %dma_start3A_83] : memref<95x128xi32, #tpu.memory_space<vmem>> -> memref<1x128xi32, #tpu.memory_space<vmem>>
      %dma_start3A_85 = tpu.memref_squeeze %dma_start3A_84 : memref<1x128xi32, #tpu.memory_space<vmem>> -> memref<128xi32, #tpu.memory_space<vmem>>
      %dma_start3A_86 = arith.constant 0 : i32
      %dma_start3A_87 = arith.constant 0 : i32
      %dma_start3A_88 = tpu.memref_slice %arg10[%dma_start3A_86, %dma_start3A_87] : memref<10240x128xf32, #tpu.memory_space<vmem_shared>> -> memref<10240x128xf32, #tpu.memory_space<vmem_shared>>
      tpu.enqueue_indirect_dma source(%dma_start3A_82 : memref<128x128xf32, #tpu.memory_space<vmem>>) target(%dma_start3A_88 : memref<10240x128xf32, #tpu.memory_space<vmem_shared>>) offsets(%dma_start3A_85 : memref<128xi32, #tpu.memory_space<vmem>>) semaphore(%arg12 : memref<!tpu.dma_semaphore, #tpu.memory_space<semaphore_mem>>) {add = true}
    }
    %while3A_31 = arith.constant 1 : i32
    scf.for %while3A_60 = %while3A_29 to %while3A_25 step %while3A_31  : i32 {
      %add3A_61 = arith.constant 1 : i32
      %add3A_62 = arith.addi %while3A_60, %add3A_61 : i32
      %lt3A = arith.cmpi slt, %add3A_62, %select_n3A : i32
      %convert_element_type3A = arith.extui %lt3A : i1 to i32
      %cond3A = arith.constant 0 : i32
      %cond3A_63 = arith.cmpi ne, %convert_element_type3A, %cond3A : i32
      scf.if %cond3A_63 {
        %ge3A = arith.constant 2 : i32
        %ge3A_89 = arith.cmpi sge, %add3A_62, %ge3A : i32
        %convert_element_type3A_90 = arith.extui %ge3A_89 : i1 to i32
        %cond3A_91 = arith.constant 0 : i32
        %cond3A_92 = arith.cmpi ne, %convert_element_type3A_90, %cond3A_91 : i32
        scf.if %cond3A_92 {
          %dma_wait3A_118 = arith.constant 0 : i32
          %dma_wait3A_119 = arith.constant 0 : i32
          %dma_wait3A_120 = arith.constant 0 : i32
          %dma_wait3A_121 = arith.constant 0 : i32
          %dma_wait3A_122 = tpu.memref_slice %arg9[%dma_wait3A_118, %dma_wait3A_120, %dma_wait3A_121] : memref<2x128x128xf32, #tpu.memory_space<vmem>> -> memref<1x128x128xf32, #tpu.memory_space<vmem>>
          %dma_wait3A_123 = tpu.memref_squeeze %dma_wait3A_122 : memref<1x128x128xf32, #tpu.memory_space<vmem>> -> memref<128x128xf32, #tpu.memory_space<vmem>>
          %dma_wait3A_124 = arith.constant 0 : i32
          %dma_wait3A_125 = tpu.memref_slice %arg8[%dma_wait3A_119, %dma_wait3A_124] : memref<95x128xi32, #tpu.memory_space<vmem>> -> memref<1x128xi32, #tpu.memory_space<vmem>>
          %dma_wait3A_126 = tpu.memref_squeeze %dma_wait3A_125 : memref<1x128xi32, #tpu.memory_space<vmem>> -> memref<128xi32, #tpu.memory_space<vmem>>
          %dma_wait3A_127 = arith.constant 0 : i32
          %dma_wait3A_128 = arith.constant 0 : i32
          %dma_wait3A_129 = tpu.memref_slice %arg10[%dma_wait3A_127, %dma_wait3A_128] : memref<10240x128xf32, #tpu.memory_space<vmem_shared>> -> memref<10240x128xf32, #tpu.memory_space<vmem_shared>>
          tpu.wait_indirect_dma semaphore(%arg12 : memref<!tpu.dma_semaphore, #tpu.memory_space<semaphore_mem>>) src(%dma_wait3A_123 : memref<128x128xf32, #tpu.memory_space<vmem>>) dst(%dma_wait3A_129 : memref<10240x128xf32, #tpu.memory_space<vmem_shared>>)
        } else {
        }
        %rem3A_93 = arith.constant 8 : i32
        %rem3A_94 = arith.remsi %add3A_62, %rem3A_93 : i32
        %eq3A_95 = arith.constant 0 : i32
        %eq3A_96 = arith.cmpi eq, %rem3A_94, %eq3A_95 : i32
        %convert_element_type3A_97 = arith.extui %eq3A_96 : i1 to i32
        %cond3A_98 = arith.constant 0 : i32
        %cond3A_99 = arith.cmpi ne, %convert_element_type3A_97, %cond3A_98 : i32
        scf.if %cond3A_99 {
          %div3A_118 = arith.constant 8 : i32
          %div3A_119 = arith.divsi %add3A_62, %div3A_118 : i32
          %mul3A_120 = arith.constant 8 : i32
          %mul3A_121 = arith.muli %div3A_119, %mul3A_120 : i32
          %rem3A_122 = arith.constant 2 : i32
          %rem3A_123 = arith.remsi %div3A_119, %rem3A_122 : i32
          "tpu.region"() ({
            %run_scoped3A_124 = tpu.sem_alloc : memref<!tpu.dma_semaphore, #tpu.memory_space<semaphore_mem>>
            %dma_start3A_125 = arith.constant 0 : i32
            %dma_start3A_126 = arith.constant 0 : i32
            %dma_start3A_127 = tpu.memref_slice %arg7[%rem3A_123, %dma_start3A_125, %dma_start3A_126] : memref<2x8x128xi32, #tpu.memory_space<vmem>> -> memref<1x8x128xi32, #tpu.memory_space<vmem>>
            %dma_start3A_128 = tpu.memref_squeeze %dma_start3A_127 : memref<1x8x128xi32, #tpu.memory_space<vmem>> -> memref<8x128xi32, #tpu.memory_space<vmem>>
            %dma_start3A_129 = arith.constant 0 : i32
            %dma_start3A_130 = tpu.memref_slice %arg3[%add3A, %mul3A_121, %dma_start3A_129] : memref<32x96x128xi32, #tpu.memory_space<hbm>> -> memref<1x8x128xi32, #tpu.memory_space<hbm>>
            %dma_start3A_131 = tpu.memref_squeeze %dma_start3A_130 : memref<1x8x128xi32, #tpu.memory_space<hbm>> -> memref<8x128xi32, #tpu.memory_space<hbm>>
            %dma_start3A_132 = arith.constant 0 : i32
            %dma_start3A_133 = arith.constant 0 : i32
            %dma_start3A_134 = tpu.memref_slice %arg7[%rem3A_123, %dma_start3A_132, %dma_start3A_133] : memref<2x8x128xi32, #tpu.memory_space<vmem>> -> memref<1x8x128xi32, #tpu.memory_space<vmem>>
            %dma_start3A_135 = tpu.memref_squeeze %dma_start3A_134 : memref<1x8x128xi32, #tpu.memory_space<vmem>> -> memref<8x128xi32, #tpu.memory_space<vmem>>
            %dma_start3A_136 = arith.constant 0 : i32
            %dma_start3A_137 = tpu.memref_slice %arg3[%add3A, %mul3A_121, %dma_start3A_136] : memref<32x96x128xi32, #tpu.memory_space<hbm>> -> memref<1x8x128xi32, #tpu.memory_space<hbm>>
            %dma_start3A_138 = tpu.memref_squeeze %dma_start3A_137 : memref<1x8x128xi32, #tpu.memory_space<hbm>> -> memref<8x128xi32, #tpu.memory_space<hbm>>
            tpu.enqueue_dma source(%dma_start3A_138 : memref<8x128xi32, #tpu.memory_space<hbm>>) target(%dma_start3A_135 : memref<8x128xi32, #tpu.memory_space<vmem>>) target_semaphore(%run_scoped3A_124 : memref<!tpu.dma_semaphore, #tpu.memory_space<semaphore_mem>>)
            %dma_wait3A_139 = arith.constant 0 : i32
            %dma_wait3A_140 = arith.constant 0 : i32
            %dma_wait3A_141 = tpu.memref_slice %arg7[%rem3A_123, %dma_wait3A_139, %dma_wait3A_140] : memref<2x8x128xi32, #tpu.memory_space<vmem>> -> memref<1x8x128xi32, #tpu.memory_space<vmem>>
            %dma_wait3A_142 = tpu.memref_squeeze %dma_wait3A_141 : memref<1x8x128xi32, #tpu.memory_space<vmem>> -> memref<8x128xi32, #tpu.memory_space<vmem>>
            %dma_wait3A_143 = arith.constant 0 : i32
            %dma_wait3A_144 = tpu.memref_slice %arg3[%add3A, %mul3A_121, %dma_wait3A_143] : memref<32x96x128xi32, #tpu.memory_space<hbm>> -> memref<1x8x128xi32, #tpu.memory_space<hbm>>
            %dma_wait3A_145 = tpu.memref_squeeze %dma_wait3A_144 : memref<1x8x128xi32, #tpu.memory_space<hbm>> -> memref<8x128xi32, #tpu.memory_space<hbm>>
            %dma_wait3A_146 = arith.constant 0 : i32
            %dma_wait3A_147 = arith.constant 0 : i32
            %dma_wait3A_148 = tpu.memref_slice %arg7[%rem3A_123, %dma_wait3A_146, %dma_wait3A_147] : memref<2x8x128xi32, #tpu.memory_space<vmem>> -> memref<1x8x128xi32, #tpu.memory_space<vmem>>
            %dma_wait3A_149 = tpu.memref_squeeze %dma_wait3A_148 : memref<1x8x128xi32, #tpu.memory_space<vmem>> -> memref<8x128xi32, #tpu.memory_space<vmem>>
            %dma_wait3A_150 = arith.constant 0 : i32
            %dma_wait3A_151 = tpu.memref_slice %arg3[%add3A, %mul3A_121, %dma_wait3A_150] : memref<32x96x128xi32, #tpu.memory_space<hbm>> -> memref<1x8x128xi32, #tpu.memory_space<hbm>>
            %dma_wait3A_152 = tpu.memref_squeeze %dma_wait3A_151 : memref<1x8x128xi32, #tpu.memory_space<hbm>> -> memref<8x128xi32, #tpu.memory_space<hbm>>
            tpu.wait_dma2 semaphore(%run_scoped3A_124 : memref<!tpu.dma_semaphore, #tpu.memory_space<semaphore_mem>>) src(%dma_wait3A_152 : memref<8x128xi32, #tpu.memory_space<hbm>>) dst(%dma_wait3A_149 : memref<8x128xi32, #tpu.memory_space<vmem>>)
            tpu.yield
          }) : () -> ()
        } else {
        }
        %rem3A_100 = arith.constant 2 : i32
        %rem3A_101 = arith.remsi %add3A_62, %rem3A_100 : i32
        %div3A_102 = arith.constant 8 : i32
        %div3A_103 = arith.divsi %add3A_62, %div3A_102 : i32
        %rem3A_104 = arith.constant 2 : i32
        %rem3A_105 = arith.remsi %div3A_103, %rem3A_104 : i32
        %rem3A_106 = arith.constant 8 : i32
        %rem3A_107 = arith.remsi %add3A_62, %rem3A_106 : i32
        %dma_start3A_108 = arith.constant 0 : i32
        %dma_start3A_109 = arith.constant 0 : i32
        %dma_start3A_110 = tpu.memref_slice %arg9[%rem3A_101, %dma_start3A_108, %dma_start3A_109] : memref<2x128x128xf32, #tpu.memory_space<vmem>> -> memref<1x128x128xf32, #tpu.memory_space<vmem>>
        %dma_start3A_111 = tpu.memref_squeeze %dma_start3A_110 : memref<1x128x128xf32, #tpu.memory_space<vmem>> -> memref<128x128xf32, #tpu.memory_space<vmem>>
        %dma_start3A_112 = arith.constant 0 : i32
        %dma_start3A_113 = tpu.memref_slice %arg7[%rem3A_105, %rem3A_107, %dma_start3A_112] : memref<2x8x128xi32, #tpu.memory_space<vmem>> -> memref<1x1x128xi32, #tpu.memory_space<vmem>>
        %dma_start3A_114 = tpu.memref_squeeze %dma_start3A_113 : memref<1x1x128xi32, #tpu.memory_space<vmem>> -> memref<128xi32, #tpu.memory_space<vmem>>
        %dma_start3A_115 = arith.constant 0 : i32
        %dma_start3A_116 = arith.constant 0 : i32
        %dma_start3A_117 = tpu.memref_slice %arg2[%dma_start3A_115, %dma_start3A_116] : memref<10240x128xf32, #tpu.memory_space<hbm>> -> memref<10240x128xf32, #tpu.memory_space<hbm>>
        tpu.enqueue_indirect_dma source(%dma_start3A_117 : memref<10240x128xf32, #tpu.memory_space<hbm>>) target(%dma_start3A_111 : memref<128x128xf32, #tpu.memory_space<vmem>>) offsets(%dma_start3A_114 : memref<128xi32, #tpu.memory_space<vmem>>) semaphore(%arg11 : memref<!tpu.dma_semaphore, #tpu.memory_space<semaphore_mem>>)
      } else {
      }
      %dma_wait3A_64 = arith.constant 0 : i32
      %dma_wait3A_65 = arith.constant 0 : i32
      %dma_wait3A_66 = arith.constant 0 : i32
      %dma_wait3A_67 = arith.constant 0 : i32
      %dma_wait3A_68 = arith.constant 0 : i32
      %dma_wait3A_69 = tpu.memref_slice %arg9[%dma_wait3A_66, %dma_wait3A_67, %dma_wait3A_68] : memref<2x128x128xf32, #tpu.memory_space<vmem>> -> memref<1x128x128xf32, #tpu.memory_space<vmem>>
      %dma_wait3A_70 = tpu.memref_squeeze %dma_wait3A_69 : memref<1x128x128xf32, #tpu.memory_space<vmem>> -> memref<128x128xf32, #tpu.memory_space<vmem>>
      %dma_wait3A_71 = arith.constant 0 : i32
      %dma_wait3A_72 = tpu.memref_slice %arg7[%dma_wait3A_64, %dma_wait3A_65, %dma_wait3A_71] : memref<2x8x128xi32, #tpu.memory_space<vmem>> -> memref<1x1x128xi32, #tpu.memory_space<vmem>>
      %dma_wait3A_73 = tpu.memref_squeeze %dma_wait3A_72 : memref<1x1x128xi32, #tpu.memory_space<vmem>> -> memref<128xi32, #tpu.memory_space<vmem>>
      %dma_wait3A_74 = arith.constant 0 : i32
      %dma_wait3A_75 = arith.constant 0 : i32
      %dma_wait3A_76 = tpu.memref_slice %arg2[%dma_wait3A_74, %dma_wait3A_75] : memref<10240x128xf32, #tpu.memory_space<hbm>> -> memref<10240x128xf32, #tpu.memory_space<hbm>>
      tpu.wait_indirect_dma semaphore(%arg11 : memref<!tpu.dma_semaphore, #tpu.memory_space<semaphore_mem>>) src(%dma_wait3A_76 : memref<10240x128xf32, #tpu.memory_space<hbm>>) dst(%dma_wait3A_70 : memref<128x128xf32, #tpu.memory_space<vmem>>)
      %rem3A_77 = arith.constant 2 : i32
      %rem3A_78 = arith.remsi %while3A_60, %rem3A_77 : i32
      %dma_start3A_79 = arith.constant 0 : i32
      %dma_start3A_80 = arith.constant 0 : i32
      %dma_start3A_81 = tpu.memref_slice %arg9[%rem3A_78, %dma_start3A_79, %dma_start3A_80] : memref<2x128x128xf32, #tpu.memory_space<vmem>> -> memref<1x128x128xf32, #tpu.memory_space<vmem>>
      %dma_start3A_82 = tpu.memref_squeeze %dma_start3A_81 : memref<1x128x128xf32, #tpu.memory_space<vmem>> -> memref<128x128xf32, #tpu.memory_space<vmem>>
      %dma_start3A_83 = arith.constant 0 : i32
      %dma_start3A_84 = tpu.memref_slice %arg8[%while3A_60, %dma_start3A_83] : memref<95x128xi32, #tpu.memory_space<vmem>> -> memref<1x128xi32, #tpu.memory_space<vmem>>
      %dma_start3A_85 = tpu.memref_squeeze %dma_start3A_84 : memref<1x128xi32, #tpu.memory_space<vmem>> -> memref<128xi32, #tpu.memory_space<vmem>>
      %dma_start3A_86 = arith.constant 0 : i32
      %dma_start3A_87 = arith.constant 0 : i32
      %dma_start3A_88 = tpu.memref_slice %arg10[%dma_start3A_86, %dma_start3A_87] : memref<10240x128xf32, #tpu.memory_space<vmem_shared>> -> memref<10240x128xf32, #tpu.memory_space<vmem_shared>>
      tpu.enqueue_indirect_dma source(%dma_start3A_82 : memref<128x128xf32, #tpu.memory_space<vmem>>) target(%dma_start3A_88 : memref<10240x128xf32, #tpu.memory_space<vmem_shared>>) offsets(%dma_start3A_85 : memref<128xi32, #tpu.memory_space<vmem>>) semaphore(%arg12 : memref<!tpu.dma_semaphore, #tpu.memory_space<semaphore_mem>>) {add = true}
    }
    %dma_wait3A = arith.constant 0 : i32
    %dma_wait3A_32 = arith.constant 0 : i32
    %dma_wait3A_33 = arith.constant 0 : i32
    %dma_wait3A_34 = arith.constant 0 : i32
    %dma_wait3A_35 = tpu.memref_slice %arg9[%dma_wait3A, %dma_wait3A_33, %dma_wait3A_34] : memref<2x128x128xf32, #tpu.memory_space<vmem>> -> memref<1x128x128xf32, #tpu.memory_space<vmem>>
    %dma_wait3A_36 = tpu.memref_squeeze %dma_wait3A_35 : memref<1x128x128xf32, #tpu.memory_space<vmem>> -> memref<128x128xf32, #tpu.memory_space<vmem>>
    %dma_wait3A_37 = arith.constant 0 : i32
    %dma_wait3A_38 = tpu.memref_slice %arg8[%dma_wait3A_32, %dma_wait3A_37] : memref<95x128xi32, #tpu.memory_space<vmem>> -> memref<1x128xi32, #tpu.memory_space<vmem>>
    %dma_wait3A_39 = tpu.memref_squeeze %dma_wait3A_38 : memref<1x128xi32, #tpu.memory_space<vmem>> -> memref<128xi32, #tpu.memory_space<vmem>>
    %dma_wait3A_40 = arith.constant 0 : i32
    %dma_wait3A_41 = arith.constant 0 : i32
    %dma_wait3A_42 = tpu.memref_slice %arg10[%dma_wait3A_40, %dma_wait3A_41] : memref<10240x128xf32, #tpu.memory_space<vmem_shared>> -> memref<10240x128xf32, #tpu.memory_space<vmem_shared>>
    tpu.wait_indirect_dma semaphore(%arg12 : memref<!tpu.dma_semaphore, #tpu.memory_space<semaphore_mem>>) src(%dma_wait3A_36 : memref<128x128xf32, #tpu.memory_space<vmem>>) dst(%dma_wait3A_42 : memref<10240x128xf32, #tpu.memory_space<vmem_shared>>)
    %dma_wait3A_43 = arith.constant 0 : i32
    %dma_wait3A_44 = arith.constant 0 : i32
    %dma_wait3A_45 = arith.constant 0 : i32
    %dma_wait3A_46 = arith.constant 0 : i32
    %dma_wait3A_47 = tpu.memref_slice %arg9[%dma_wait3A_43, %dma_wait3A_45, %dma_wait3A_46] : memref<2x128x128xf32, #tpu.memory_space<vmem>> -> memref<1x128x128xf32, #tpu.memory_space<vmem>>
    %dma_wait3A_48 = tpu.memref_squeeze %dma_wait3A_47 : memref<1x128x128xf32, #tpu.memory_space<vmem>> -> memref<128x128xf32, #tpu.memory_space<vmem>>
    %dma_wait3A_49 = arith.constant 0 : i32
    %dma_wait3A_50 = tpu.memref_slice %arg8[%dma_wait3A_44, %dma_wait3A_49] : memref<95x128xi32, #tpu.memory_space<vmem>> -> memref<1x128xi32, #tpu.memory_space<vmem>>
    %dma_wait3A_51 = tpu.memref_squeeze %dma_wait3A_50 : memref<1x128xi32, #tpu.memory_space<vmem>> -> memref<128xi32, #tpu.memory_space<vmem>>
    %dma_wait3A_52 = arith.constant 0 : i32
    %dma_wait3A_53 = arith.constant 0 : i32
    %dma_wait3A_54 = tpu.memref_slice %arg10[%dma_wait3A_52, %dma_wait3A_53] : memref<10240x128xf32, #tpu.memory_space<vmem_shared>> -> memref<10240x128xf32, #tpu.memory_space<vmem_shared>>
    tpu.wait_indirect_dma semaphore(%arg12 : memref<!tpu.dma_semaphore, #tpu.memory_space<semaphore_mem>>) src(%dma_wait3A_48 : memref<128x128xf32, #tpu.memory_space<vmem>>) dst(%dma_wait3A_54 : memref<10240x128xf32, #tpu.memory_space<vmem_shared>>)
    %barrier3A_55 = arith.constant 0 : index
    tpu.barrier barrier_id(%barrier3A_55)
    %mul3A_56 = arith.constant 640 : i32
    %mul3A_57 = arith.muli %arg1, %mul3A_56 : i32
    %mul3A_58 = arith.constant 640 : i32
    %mul3A_59 = arith.muli %arg1, %mul3A_58 : i32
    "tpu.region"() ({
      %run_scoped3A_60 = tpu.sem_alloc : memref<!tpu.dma_semaphore, #tpu.memory_space<semaphore_mem>>
      %dma_start3A_61 = arith.constant 0 : i32
      %dma_start3A_62 = tpu.memref_slice %arg6[%arg0, %mul3A_59, %dma_start3A_61] : memref<2x10240x128xf32, #tpu.memory_space<hbm>> -> memref<1x640x128xf32, #tpu.memory_space<hbm>>
      %dma_start3A_63 = tpu.memref_squeeze %dma_start3A_62 : memref<1x640x128xf32, #tpu.memory_space<hbm>> -> memref<640x128xf32, #tpu.memory_space<hbm>>
      %dma_start3A_64 = arith.constant 0 : i32
      %dma_start3A_65 = tpu.memref_slice %arg10[%mul3A_57, %dma_start3A_64] : memref<10240x128xf32, #tpu.memory_space<vmem_shared>> -> memref<640x128xf32, #tpu.memory_space<vmem_shared>>
      tpu.enqueue_dma source(%dma_start3A_65 : memref<640x128xf32, #tpu.memory_space<vmem_shared>>) target(%dma_start3A_63 : memref<640x128xf32, #tpu.memory_space<hbm>>) target_semaphore(%run_scoped3A_60 : memref<!tpu.dma_semaphore, #tpu.memory_space<semaphore_mem>>)
      %dma_wait3A_66 = arith.constant 0 : i32
      %dma_wait3A_67 = tpu.memref_slice %arg6[%arg0, %mul3A_59, %dma_wait3A_66] : memref<2x10240x128xf32, #tpu.memory_space<hbm>> -> memref<1x640x128xf32, #tpu.memory_space<hbm>>
      %dma_wait3A_68 = tpu.memref_squeeze %dma_wait3A_67 : memref<1x640x128xf32, #tpu.memory_space<hbm>> -> memref<640x128xf32, #tpu.memory_space<hbm>>
      %dma_wait3A_69 = arith.constant 0 : i32
      %dma_wait3A_70 = tpu.memref_slice %arg10[%mul3A_57, %dma_wait3A_69] : memref<10240x128xf32, #tpu.memory_space<vmem_shared>> -> memref<640x128xf32, #tpu.memory_space<vmem_shared>>
      tpu.wait_dma2 semaphore(%run_scoped3A_60 : memref<!tpu.dma_semaphore, #tpu.memory_space<semaphore_mem>>) src(%dma_wait3A_70 : memref<640x128xf32, #tpu.memory_space<vmem_shared>>) dst(%dma_wait3A_68 : memref<640x128xf32, #tpu.memory_space<hbm>>)
      tpu.yield
    }) : () -> ()
    return
  }
}

#map = affine_map<(d0, d1) -> (0, 0)>
#map1 = affine_map<(d0, d1) -> (0, 0, 0)>
module attributes {stable_mosaic.version = 14 : i64} {
  func.func @_sc_agg_body(%arg0: i32, %arg1: i32, %arg2: memref<10240x128xf32, #tpu.memory_space<hbm>>, %arg3: memref<32x96x128xi32, #tpu.memory_space<hbm>>, %arg4: memref<32x95x128xi32, #tpu.memory_space<hbm>>, %arg5: memref<10240x128xf32, #tpu.memory_space<hbm>>, %arg6: memref<2x10240x128xf32, #tpu.memory_space<hbm>>, %arg7: memref<2x8x128xi32, #tpu.memory_space<vmem>>, %arg8: memref<95x128xi32, #tpu.memory_space<vmem>>, %arg9: memref<2x128x128xf32, #tpu.memory_space<vmem>>, %arg10: memref<10240x128xf32, #tpu.memory_space<vmem_shared>>, %arg11: memref<!tpu.dma_semaphore, #tpu.memory_space<semaphore_mem>>, %arg12: memref<!tpu.dma_semaphore, #tpu.memory_space<semaphore_mem>>) attributes {dimension_semantics = [#tpu.dimension_semantics<core_parallel>, #tpu.dimension_semantics<subcore_parallel>], iteration_bounds = array<i64: 2, 16>, scalar_prefetch = 0 : i64, scratch_operands = 6 : i64, tpu.core_type = #tpu.core_type<sc_vector_subcore>, window_params = [{transform_indices = #map}, {transform_indices = #map1}, {transform_indices = #map1}, {transform_indices = #map}, {transform_indices = #map1}]} {
    %mul3A = arith.constant 16 : i32
    %mul3A_0 = arith.muli %arg0, %mul3A : i32
    %add3A = arith.addi %mul3A_0, %arg1 : i32
    %eq3A = arith.constant 0 : i32
    %eq3A_1 = arith.cmpi eq, %arg0, %eq3A : i32
    %jit3A = arith.constant 95 : i32
    %jit3A_2 = arith.constant 67 : i32
    %select_n3A = arith.select %eq3A_1, %jit3A, %jit3A_2 : i32
    %mul3A_3 = arith.constant 640 : i32
    %mul3A_4 = arith.muli %arg1, %mul3A_3 : i32
    %mul3A_5 = arith.constant 640 : i32
    %mul3A_6 = arith.muli %arg1, %mul3A_5 : i32
    "tpu.region"() ({
      %run_scoped3A_60 = tpu.sem_alloc : memref<!tpu.dma_semaphore, #tpu.memory_space<semaphore_mem>>
      %dma_start3A_61 = arith.constant 0 : i32
      %dma_start3A_62 = tpu.memref_slice %arg10[%mul3A_6, %dma_start3A_61] : memref<10240x128xf32, #tpu.memory_space<vmem_shared>> -> memref<640x128xf32, #tpu.memory_space<vmem_shared>>
      %dma_start3A_63 = arith.constant 0 : i32
      %dma_start3A_64 = tpu.memref_slice %arg5[%mul3A_4, %dma_start3A_63] : memref<10240x128xf32, #tpu.memory_space<hbm>> -> memref<640x128xf32, #tpu.memory_space<hbm>>
      tpu.enqueue_dma source(%dma_start3A_64 : memref<640x128xf32, #tpu.memory_space<hbm>>) target(%dma_start3A_62 : memref<640x128xf32, #tpu.memory_space<vmem_shared>>) target_semaphore(%run_scoped3A_60 : memref<!tpu.dma_semaphore, #tpu.memory_space<semaphore_mem>>)
      %dma_wait3A_65 = arith.constant 0 : i32
      %dma_wait3A_66 = tpu.memref_slice %arg10[%mul3A_6, %dma_wait3A_65] : memref<10240x128xf32, #tpu.memory_space<vmem_shared>> -> memref<640x128xf32, #tpu.memory_space<vmem_shared>>
      %dma_wait3A_67 = arith.constant 0 : i32
      %dma_wait3A_68 = tpu.memref_slice %arg5[%mul3A_4, %dma_wait3A_67] : memref<10240x128xf32, #tpu.memory_space<hbm>> -> memref<640x128xf32, #tpu.memory_space<hbm>>
      tpu.wait_dma2 semaphore(%run_scoped3A_60 : memref<!tpu.dma_semaphore, #tpu.memory_space<semaphore_mem>>) src(%dma_wait3A_68 : memref<640x128xf32, #tpu.memory_space<hbm>>) dst(%dma_wait3A_66 : memref<640x128xf32, #tpu.memory_space<vmem_shared>>)
      tpu.yield
    }) : () -> ()
    "tpu.region"() ({
      %run_scoped3A_60 = tpu.sem_alloc : memref<!tpu.dma_semaphore, #tpu.memory_space<semaphore_mem>>
      %dma_start3A_61 = arith.constant 0 : i32
      %dma_start3A_62 = arith.constant 0 : i32
      %dma_start3A_63 = tpu.memref_slice %arg4[%add3A, %dma_start3A_61, %dma_start3A_62] : memref<32x95x128xi32, #tpu.memory_space<hbm>> -> memref<1x95x128xi32, #tpu.memory_space<hbm>>
      %dma_start3A_64 = tpu.memref_squeeze %dma_start3A_63 : memref<1x95x128xi32, #tpu.memory_space<hbm>> -> memref<95x128xi32, #tpu.memory_space<hbm>>
      %dma_start3A_65 = arith.constant 0 : i32
      %dma_start3A_66 = arith.constant 0 : i32
      %dma_start3A_67 = tpu.memref_slice %arg4[%add3A, %dma_start3A_65, %dma_start3A_66] : memref<32x95x128xi32, #tpu.memory_space<hbm>> -> memref<1x95x128xi32, #tpu.memory_space<hbm>>
      %dma_start3A_68 = tpu.memref_squeeze %dma_start3A_67 : memref<1x95x128xi32, #tpu.memory_space<hbm>> -> memref<95x128xi32, #tpu.memory_space<hbm>>
      tpu.enqueue_dma source(%dma_start3A_68 : memref<95x128xi32, #tpu.memory_space<hbm>>) target(%arg8 : memref<95x128xi32, #tpu.memory_space<vmem>>) target_semaphore(%run_scoped3A_60 : memref<!tpu.dma_semaphore, #tpu.memory_space<semaphore_mem>>)
      %dma_wait3A_69 = arith.constant 0 : i32
      %dma_wait3A_70 = arith.constant 0 : i32
      %dma_wait3A_71 = tpu.memref_slice %arg4[%add3A, %dma_wait3A_69, %dma_wait3A_70] : memref<32x95x128xi32, #tpu.memory_space<hbm>> -> memref<1x95x128xi32, #tpu.memory_space<hbm>>
      %dma_wait3A_72 = tpu.memref_squeeze %dma_wait3A_71 : memref<1x95x128xi32, #tpu.memory_space<hbm>> -> memref<95x128xi32, #tpu.memory_space<hbm>>
      %dma_wait3A_73 = arith.constant 0 : i32
      %dma_wait3A_74 = arith.constant 0 : i32
      %dma_wait3A_75 = tpu.memref_slice %arg4[%add3A, %dma_wait3A_73, %dma_wait3A_74] : memref<32x95x128xi32, #tpu.memory_space<hbm>> -> memref<1x95x128xi32, #tpu.memory_space<hbm>>
      %dma_wait3A_76 = tpu.memref_squeeze %dma_wait3A_75 : memref<1x95x128xi32, #tpu.memory_space<hbm>> -> memref<95x128xi32, #tpu.memory_space<hbm>>
      tpu.wait_dma2 semaphore(%run_scoped3A_60 : memref<!tpu.dma_semaphore, #tpu.memory_space<semaphore_mem>>) src(%dma_wait3A_76 : memref<95x128xi32, #tpu.memory_space<hbm>>) dst(%arg8 : memref<95x128xi32, #tpu.memory_space<vmem>>)
      tpu.yield
    }) : () -> ()
    %run_scoped3A = arith.constant 0 : i32
    "tpu.region"() ({
      %run_scoped3A_60 = tpu.sem_alloc : memref<!tpu.dma_semaphore, #tpu.memory_space<semaphore_mem>>
      %dma_start3A_61 = arith.constant 0 : i32
      %dma_start3A_62 = arith.constant 0 : i32
      %dma_start3A_63 = tpu.memref_slice %arg7[%run_scoped3A, %dma_start3A_61, %dma_start3A_62] : memref<2x8x128xi32, #tpu.memory_space<vmem>> -> memref<1x8x128xi32, #tpu.memory_space<vmem>>
      %dma_start3A_64 = tpu.memref_squeeze %dma_start3A_63 : memref<1x8x128xi32, #tpu.memory_space<vmem>> -> memref<8x128xi32, #tpu.memory_space<vmem>>
      %dma_start3A_65 = arith.constant 0 : i32
      %dma_start3A_66 = arith.constant 0 : i32
      %dma_start3A_67 = tpu.memref_slice %arg3[%add3A, %dma_start3A_65, %dma_start3A_66] : memref<32x96x128xi32, #tpu.memory_space<hbm>> -> memref<1x8x128xi32, #tpu.memory_space<hbm>>
      %dma_start3A_68 = tpu.memref_squeeze %dma_start3A_67 : memref<1x8x128xi32, #tpu.memory_space<hbm>> -> memref<8x128xi32, #tpu.memory_space<hbm>>
      %dma_start3A_69 = arith.constant 0 : i32
      %dma_start3A_70 = arith.constant 0 : i32
      %dma_start3A_71 = tpu.memref_slice %arg7[%run_scoped3A, %dma_start3A_69, %dma_start3A_70] : memref<2x8x128xi32, #tpu.memory_space<vmem>> -> memref<1x8x128xi32, #tpu.memory_space<vmem>>
      %dma_start3A_72 = tpu.memref_squeeze %dma_start3A_71 : memref<1x8x128xi32, #tpu.memory_space<vmem>> -> memref<8x128xi32, #tpu.memory_space<vmem>>
      %dma_start3A_73 = arith.constant 0 : i32
      %dma_start3A_74 = arith.constant 0 : i32
      %dma_start3A_75 = tpu.memref_slice %arg3[%add3A, %dma_start3A_73, %dma_start3A_74] : memref<32x96x128xi32, #tpu.memory_space<hbm>> -> memref<1x8x128xi32, #tpu.memory_space<hbm>>
      %dma_start3A_76 = tpu.memref_squeeze %dma_start3A_75 : memref<1x8x128xi32, #tpu.memory_space<hbm>> -> memref<8x128xi32, #tpu.memory_space<hbm>>
      tpu.enqueue_dma source(%dma_start3A_76 : memref<8x128xi32, #tpu.memory_space<hbm>>) target(%dma_start3A_72 : memref<8x128xi32, #tpu.memory_space<vmem>>) target_semaphore(%run_scoped3A_60 : memref<!tpu.dma_semaphore, #tpu.memory_space<semaphore_mem>>)
      %dma_wait3A_77 = arith.constant 0 : i32
      %dma_wait3A_78 = arith.constant 0 : i32
      %dma_wait3A_79 = tpu.memref_slice %arg7[%run_scoped3A, %dma_wait3A_77, %dma_wait3A_78] : memref<2x8x128xi32, #tpu.memory_space<vmem>> -> memref<1x8x128xi32, #tpu.memory_space<vmem>>
      %dma_wait3A_80 = tpu.memref_squeeze %dma_wait3A_79 : memref<1x8x128xi32, #tpu.memory_space<vmem>> -> memref<8x128xi32, #tpu.memory_space<vmem>>
      %dma_wait3A_81 = arith.constant 0 : i32
      %dma_wait3A_82 = arith.constant 0 : i32
      %dma_wait3A_83 = tpu.memref_slice %arg3[%add3A, %dma_wait3A_81, %dma_wait3A_82] : memref<32x96x128xi32, #tpu.memory_space<hbm>> -> memref<1x8x128xi32, #tpu.memory_space<hbm>>
      %dma_wait3A_84 = tpu.memref_squeeze %dma_wait3A_83 : memref<1x8x128xi32, #tpu.memory_space<hbm>> -> memref<8x128xi32, #tpu.memory_space<hbm>>
      %dma_wait3A_85 = arith.constant 0 : i32
      %dma_wait3A_86 = arith.constant 0 : i32
      %dma_wait3A_87 = tpu.memref_slice %arg7[%run_scoped3A, %dma_wait3A_85, %dma_wait3A_86] : memref<2x8x128xi32, #tpu.memory_space<vmem>> -> memref<1x8x128xi32, #tpu.memory_space<vmem>>
      %dma_wait3A_88 = tpu.memref_squeeze %dma_wait3A_87 : memref<1x8x128xi32, #tpu.memory_space<vmem>> -> memref<8x128xi32, #tpu.memory_space<vmem>>
      %dma_wait3A_89 = arith.constant 0 : i32
      %dma_wait3A_90 = arith.constant 0 : i32
      %dma_wait3A_91 = tpu.memref_slice %arg3[%add3A, %dma_wait3A_89, %dma_wait3A_90] : memref<32x96x128xi32, #tpu.memory_space<hbm>> -> memref<1x8x128xi32, #tpu.memory_space<hbm>>
      %dma_wait3A_92 = tpu.memref_squeeze %dma_wait3A_91 : memref<1x8x128xi32, #tpu.memory_space<hbm>> -> memref<8x128xi32, #tpu.memory_space<hbm>>
      tpu.wait_dma2 semaphore(%run_scoped3A_60 : memref<!tpu.dma_semaphore, #tpu.memory_space<semaphore_mem>>) src(%dma_wait3A_92 : memref<8x128xi32, #tpu.memory_space<hbm>>) dst(%dma_wait3A_88 : memref<8x128xi32, #tpu.memory_space<vmem>>)
      tpu.yield
    }) : () -> ()
    %barrier3A = arith.constant 0 : index
    tpu.barrier barrier_id(%barrier3A)
    %div3A = arith.constant 0 : i32
    %div3A_7 = arith.constant 8 : i32
    %div3A_8 = arith.divsi %div3A, %div3A_7 : i32
    %rem3A = arith.constant 2 : i32
    %rem3A_9 = arith.remsi %div3A_8, %rem3A : i32
    %rem3A_10 = arith.constant 0 : i32
    %rem3A_11 = arith.constant 8 : i32
    %rem3A_12 = arith.remsi %rem3A_10, %rem3A_11 : i32
    %dma_start3A = arith.constant 0 : i32
    %dma_start3A_13 = arith.constant 0 : i32
    %dma_start3A_14 = arith.constant 0 : i32
    %dma_start3A_15 = tpu.memref_slice %arg9[%dma_start3A, %dma_start3A_13, %dma_start3A_14] : memref<2x128x128xf32, #tpu.memory_space<vmem>> -> memref<1x128x128xf32, #tpu.memory_space<vmem>>
    %dma_start3A_16 = tpu.memref_squeeze %dma_start3A_15 : memref<1x128x128xf32, #tpu.memory_space<vmem>> -> memref<128x128xf32, #tpu.memory_space<vmem>>
    %dma_start3A_17 = arith.constant 0 : i32
    %dma_start3A_18 = tpu.memref_slice %arg7[%rem3A_9, %rem3A_12, %dma_start3A_17] : memref<2x8x128xi32, #tpu.memory_space<vmem>> -> memref<1x1x128xi32, #tpu.memory_space<vmem>>
    %dma_start3A_19 = tpu.memref_squeeze %dma_start3A_18 : memref<1x1x128xi32, #tpu.memory_space<vmem>> -> memref<128xi32, #tpu.memory_space<vmem>>
    %dma_start3A_20 = arith.constant 0 : i32
    %dma_start3A_21 = arith.constant 0 : i32
    %dma_start3A_22 = tpu.memref_slice %arg2[%dma_start3A_20, %dma_start3A_21] : memref<10240x128xf32, #tpu.memory_space<hbm>> -> memref<10240x128xf32, #tpu.memory_space<hbm>>
    tpu.enqueue_indirect_dma source(%dma_start3A_22 : memref<10240x128xf32, #tpu.memory_space<hbm>>) target(%dma_start3A_16 : memref<128x128xf32, #tpu.memory_space<vmem>>) offsets(%dma_start3A_19 : memref<128xi32, #tpu.memory_space<vmem>>) semaphore(%arg11 : memref<!tpu.dma_semaphore, #tpu.memory_space<semaphore_mem>>)
    %while3A = arith.constant 0 : i32
    %while3A_23 = arith.constant 0 : i32
    %while3A_24 = arith.subi %select_n3A, %while3A_23 : i32
    %while3A_25 = arith.addi %while3A_23, %while3A_24 : i32
    %while3A_26 = arith.constant 1 : i32
    %while3A_27 = arith.divsi %while3A_24, %while3A_26 : i32
    %while3A_28 = arith.muli %while3A_27, %while3A_26 : i32
    %while3A_29 = arith.addi %while3A_23, %while3A_28 : i32
    %while3A_30 = arith.constant 1 : i32
    scf.for %while3A_60 = %while3A_23 to %while3A_29 step %while3A_30  : i32 {
      %add3A_61 = arith.constant 1 : i32
      %add3A_62 = arith.addi %while3A_60, %add3A_61 : i32
      %lt3A = arith.cmpi slt, %add3A_62, %select_n3A : i32
      %convert_element_type3A = arith.extui %lt3A : i1 to i32
      %cond3A = arith.constant 0 : i32
      %cond3A_63 = arith.cmpi ne, %convert_element_type3A, %cond3A : i32
      scf.if %cond3A_63 {
        %ge3A = arith.constant 2 : i32
        %ge3A_89 = arith.cmpi sge, %add3A_62, %ge3A : i32
        %convert_element_type3A_90 = arith.extui %ge3A_89 : i1 to i32
        %cond3A_91 = arith.constant 0 : i32
        %cond3A_92 = arith.cmpi ne, %convert_element_type3A_90, %cond3A_91 : i32
        scf.if %cond3A_92 {
          %dma_wait3A_118 = arith.constant 0 : i32
          %dma_wait3A_119 = arith.constant 0 : i32
          %dma_wait3A_120 = arith.constant 0 : i32
          %dma_wait3A_121 = arith.constant 0 : i32
          %dma_wait3A_122 = tpu.memref_slice %arg9[%dma_wait3A_118, %dma_wait3A_120, %dma_wait3A_121] : memref<2x128x128xf32, #tpu.memory_space<vmem>> -> memref<1x128x128xf32, #tpu.memory_space<vmem>>
          %dma_wait3A_123 = tpu.memref_squeeze %dma_wait3A_122 : memref<1x128x128xf32, #tpu.memory_space<vmem>> -> memref<128x128xf32, #tpu.memory_space<vmem>>
          %dma_wait3A_124 = arith.constant 0 : i32
          %dma_wait3A_125 = tpu.memref_slice %arg8[%dma_wait3A_119, %dma_wait3A_124] : memref<95x128xi32, #tpu.memory_space<vmem>> -> memref<1x128xi32, #tpu.memory_space<vmem>>
          %dma_wait3A_126 = tpu.memref_squeeze %dma_wait3A_125 : memref<1x128xi32, #tpu.memory_space<vmem>> -> memref<128xi32, #tpu.memory_space<vmem>>
          %dma_wait3A_127 = arith.constant 0 : i32
          %dma_wait3A_128 = arith.constant 0 : i32
          %dma_wait3A_129 = tpu.memref_slice %arg10[%dma_wait3A_127, %dma_wait3A_128] : memref<10240x128xf32, #tpu.memory_space<vmem_shared>> -> memref<10240x128xf32, #tpu.memory_space<vmem_shared>>
          tpu.wait_indirect_dma semaphore(%arg12 : memref<!tpu.dma_semaphore, #tpu.memory_space<semaphore_mem>>) src(%dma_wait3A_123 : memref<128x128xf32, #tpu.memory_space<vmem>>) dst(%dma_wait3A_129 : memref<10240x128xf32, #tpu.memory_space<vmem_shared>>)
        } else {
        }
        %rem3A_93 = arith.constant 8 : i32
        %rem3A_94 = arith.remsi %add3A_62, %rem3A_93 : i32
        %eq3A_95 = arith.constant 0 : i32
        %eq3A_96 = arith.cmpi eq, %rem3A_94, %eq3A_95 : i32
        %convert_element_type3A_97 = arith.extui %eq3A_96 : i1 to i32
        %cond3A_98 = arith.constant 0 : i32
        %cond3A_99 = arith.cmpi ne, %convert_element_type3A_97, %cond3A_98 : i32
        scf.if %cond3A_99 {
          %div3A_118 = arith.constant 8 : i32
          %div3A_119 = arith.divsi %add3A_62, %div3A_118 : i32
          %mul3A_120 = arith.constant 8 : i32
          %mul3A_121 = arith.muli %div3A_119, %mul3A_120 : i32
          %rem3A_122 = arith.constant 2 : i32
          %rem3A_123 = arith.remsi %div3A_119, %rem3A_122 : i32
          "tpu.region"() ({
            %run_scoped3A_124 = tpu.sem_alloc : memref<!tpu.dma_semaphore, #tpu.memory_space<semaphore_mem>>
            %dma_start3A_125 = arith.constant 0 : i32
            %dma_start3A_126 = arith.constant 0 : i32
            %dma_start3A_127 = tpu.memref_slice %arg7[%rem3A_123, %dma_start3A_125, %dma_start3A_126] : memref<2x8x128xi32, #tpu.memory_space<vmem>> -> memref<1x8x128xi32, #tpu.memory_space<vmem>>
            %dma_start3A_128 = tpu.memref_squeeze %dma_start3A_127 : memref<1x8x128xi32, #tpu.memory_space<vmem>> -> memref<8x128xi32, #tpu.memory_space<vmem>>
            %dma_start3A_129 = arith.constant 0 : i32
            %dma_start3A_130 = tpu.memref_slice %arg3[%add3A, %mul3A_121, %dma_start3A_129] : memref<32x96x128xi32, #tpu.memory_space<hbm>> -> memref<1x8x128xi32, #tpu.memory_space<hbm>>
            %dma_start3A_131 = tpu.memref_squeeze %dma_start3A_130 : memref<1x8x128xi32, #tpu.memory_space<hbm>> -> memref<8x128xi32, #tpu.memory_space<hbm>>
            %dma_start3A_132 = arith.constant 0 : i32
            %dma_start3A_133 = arith.constant 0 : i32
            %dma_start3A_134 = tpu.memref_slice %arg7[%rem3A_123, %dma_start3A_132, %dma_start3A_133] : memref<2x8x128xi32, #tpu.memory_space<vmem>> -> memref<1x8x128xi32, #tpu.memory_space<vmem>>
            %dma_start3A_135 = tpu.memref_squeeze %dma_start3A_134 : memref<1x8x128xi32, #tpu.memory_space<vmem>> -> memref<8x128xi32, #tpu.memory_space<vmem>>
            %dma_start3A_136 = arith.constant 0 : i32
            %dma_start3A_137 = tpu.memref_slice %arg3[%add3A, %mul3A_121, %dma_start3A_136] : memref<32x96x128xi32, #tpu.memory_space<hbm>> -> memref<1x8x128xi32, #tpu.memory_space<hbm>>
            %dma_start3A_138 = tpu.memref_squeeze %dma_start3A_137 : memref<1x8x128xi32, #tpu.memory_space<hbm>> -> memref<8x128xi32, #tpu.memory_space<hbm>>
            tpu.enqueue_dma source(%dma_start3A_138 : memref<8x128xi32, #tpu.memory_space<hbm>>) target(%dma_start3A_135 : memref<8x128xi32, #tpu.memory_space<vmem>>) target_semaphore(%run_scoped3A_124 : memref<!tpu.dma_semaphore, #tpu.memory_space<semaphore_mem>>)
            %dma_wait3A_139 = arith.constant 0 : i32
            %dma_wait3A_140 = arith.constant 0 : i32
            %dma_wait3A_141 = tpu.memref_slice %arg7[%rem3A_123, %dma_wait3A_139, %dma_wait3A_140] : memref<2x8x128xi32, #tpu.memory_space<vmem>> -> memref<1x8x128xi32, #tpu.memory_space<vmem>>
            %dma_wait3A_142 = tpu.memref_squeeze %dma_wait3A_141 : memref<1x8x128xi32, #tpu.memory_space<vmem>> -> memref<8x128xi32, #tpu.memory_space<vmem>>
            %dma_wait3A_143 = arith.constant 0 : i32
            %dma_wait3A_144 = tpu.memref_slice %arg3[%add3A, %mul3A_121, %dma_wait3A_143] : memref<32x96x128xi32, #tpu.memory_space<hbm>> -> memref<1x8x128xi32, #tpu.memory_space<hbm>>
            %dma_wait3A_145 = tpu.memref_squeeze %dma_wait3A_144 : memref<1x8x128xi32, #tpu.memory_space<hbm>> -> memref<8x128xi32, #tpu.memory_space<hbm>>
            %dma_wait3A_146 = arith.constant 0 : i32
            %dma_wait3A_147 = arith.constant 0 : i32
            %dma_wait3A_148 = tpu.memref_slice %arg7[%rem3A_123, %dma_wait3A_146, %dma_wait3A_147] : memref<2x8x128xi32, #tpu.memory_space<vmem>> -> memref<1x8x128xi32, #tpu.memory_space<vmem>>
            %dma_wait3A_149 = tpu.memref_squeeze %dma_wait3A_148 : memref<1x8x128xi32, #tpu.memory_space<vmem>> -> memref<8x128xi32, #tpu.memory_space<vmem>>
            %dma_wait3A_150 = arith.constant 0 : i32
            %dma_wait3A_151 = tpu.memref_slice %arg3[%add3A, %mul3A_121, %dma_wait3A_150] : memref<32x96x128xi32, #tpu.memory_space<hbm>> -> memref<1x8x128xi32, #tpu.memory_space<hbm>>
            %dma_wait3A_152 = tpu.memref_squeeze %dma_wait3A_151 : memref<1x8x128xi32, #tpu.memory_space<hbm>> -> memref<8x128xi32, #tpu.memory_space<hbm>>
            tpu.wait_dma2 semaphore(%run_scoped3A_124 : memref<!tpu.dma_semaphore, #tpu.memory_space<semaphore_mem>>) src(%dma_wait3A_152 : memref<8x128xi32, #tpu.memory_space<hbm>>) dst(%dma_wait3A_149 : memref<8x128xi32, #tpu.memory_space<vmem>>)
            tpu.yield
          }) : () -> ()
        } else {
        }
        %rem3A_100 = arith.constant 2 : i32
        %rem3A_101 = arith.remsi %add3A_62, %rem3A_100 : i32
        %div3A_102 = arith.constant 8 : i32
        %div3A_103 = arith.divsi %add3A_62, %div3A_102 : i32
        %rem3A_104 = arith.constant 2 : i32
        %rem3A_105 = arith.remsi %div3A_103, %rem3A_104 : i32
        %rem3A_106 = arith.constant 8 : i32
        %rem3A_107 = arith.remsi %add3A_62, %rem3A_106 : i32
        %dma_start3A_108 = arith.constant 0 : i32
        %dma_start3A_109 = arith.constant 0 : i32
        %dma_start3A_110 = tpu.memref_slice %arg9[%rem3A_101, %dma_start3A_108, %dma_start3A_109] : memref<2x128x128xf32, #tpu.memory_space<vmem>> -> memref<1x128x128xf32, #tpu.memory_space<vmem>>
        %dma_start3A_111 = tpu.memref_squeeze %dma_start3A_110 : memref<1x128x128xf32, #tpu.memory_space<vmem>> -> memref<128x128xf32, #tpu.memory_space<vmem>>
        %dma_start3A_112 = arith.constant 0 : i32
        %dma_start3A_113 = tpu.memref_slice %arg7[%rem3A_105, %rem3A_107, %dma_start3A_112] : memref<2x8x128xi32, #tpu.memory_space<vmem>> -> memref<1x1x128xi32, #tpu.memory_space<vmem>>
        %dma_start3A_114 = tpu.memref_squeeze %dma_start3A_113 : memref<1x1x128xi32, #tpu.memory_space<vmem>> -> memref<128xi32, #tpu.memory_space<vmem>>
        %dma_start3A_115 = arith.constant 0 : i32
        %dma_start3A_116 = arith.constant 0 : i32
        %dma_start3A_117 = tpu.memref_slice %arg2[%dma_start3A_115, %dma_start3A_116] : memref<10240x128xf32, #tpu.memory_space<hbm>> -> memref<10240x128xf32, #tpu.memory_space<hbm>>
        tpu.enqueue_indirect_dma source(%dma_start3A_117 : memref<10240x128xf32, #tpu.memory_space<hbm>>) target(%dma_start3A_111 : memref<128x128xf32, #tpu.memory_space<vmem>>) offsets(%dma_start3A_114 : memref<128xi32, #tpu.memory_space<vmem>>) semaphore(%arg11 : memref<!tpu.dma_semaphore, #tpu.memory_space<semaphore_mem>>)
      } else {
      }
      %dma_wait3A_64 = arith.constant 0 : i32
      %dma_wait3A_65 = arith.constant 0 : i32
      %dma_wait3A_66 = arith.constant 0 : i32
      %dma_wait3A_67 = arith.constant 0 : i32
      %dma_wait3A_68 = arith.constant 0 : i32
      %dma_wait3A_69 = tpu.memref_slice %arg9[%dma_wait3A_66, %dma_wait3A_67, %dma_wait3A_68] : memref<2x128x128xf32, #tpu.memory_space<vmem>> -> memref<1x128x128xf32, #tpu.memory_space<vmem>>
      %dma_wait3A_70 = tpu.memref_squeeze %dma_wait3A_69 : memref<1x128x128xf32, #tpu.memory_space<vmem>> -> memref<128x128xf32, #tpu.memory_space<vmem>>
      %dma_wait3A_71 = arith.constant 0 : i32
      %dma_wait3A_72 = tpu.memref_slice %arg7[%dma_wait3A_64, %dma_wait3A_65, %dma_wait3A_71] : memref<2x8x128xi32, #tpu.memory_space<vmem>> -> memref<1x1x128xi32, #tpu.memory_space<vmem>>
      %dma_wait3A_73 = tpu.memref_squeeze %dma_wait3A_72 : memref<1x1x128xi32, #tpu.memory_space<vmem>> -> memref<128xi32, #tpu.memory_space<vmem>>
      %dma_wait3A_74 = arith.constant 0 : i32
      %dma_wait3A_75 = arith.constant 0 : i32
      %dma_wait3A_76 = tpu.memref_slice %arg2[%dma_wait3A_74, %dma_wait3A_75] : memref<10240x128xf32, #tpu.memory_space<hbm>> -> memref<10240x128xf32, #tpu.memory_space<hbm>>
      tpu.wait_indirect_dma semaphore(%arg11 : memref<!tpu.dma_semaphore, #tpu.memory_space<semaphore_mem>>) src(%dma_wait3A_76 : memref<10240x128xf32, #tpu.memory_space<hbm>>) dst(%dma_wait3A_70 : memref<128x128xf32, #tpu.memory_space<vmem>>)
      %rem3A_77 = arith.constant 2 : i32
      %rem3A_78 = arith.remsi %while3A_60, %rem3A_77 : i32
      %dma_start3A_79 = arith.constant 0 : i32
      %dma_start3A_80 = arith.constant 0 : i32
      %dma_start3A_81 = tpu.memref_slice %arg9[%rem3A_78, %dma_start3A_79, %dma_start3A_80] : memref<2x128x128xf32, #tpu.memory_space<vmem>> -> memref<1x128x128xf32, #tpu.memory_space<vmem>>
      %dma_start3A_82 = tpu.memref_squeeze %dma_start3A_81 : memref<1x128x128xf32, #tpu.memory_space<vmem>> -> memref<128x128xf32, #tpu.memory_space<vmem>>
      %dma_start3A_83 = arith.constant 0 : i32
      %dma_start3A_84 = tpu.memref_slice %arg8[%while3A_60, %dma_start3A_83] : memref<95x128xi32, #tpu.memory_space<vmem>> -> memref<1x128xi32, #tpu.memory_space<vmem>>
      %dma_start3A_85 = tpu.memref_squeeze %dma_start3A_84 : memref<1x128xi32, #tpu.memory_space<vmem>> -> memref<128xi32, #tpu.memory_space<vmem>>
      %dma_start3A_86 = arith.constant 0 : i32
      %dma_start3A_87 = arith.constant 0 : i32
      %dma_start3A_88 = tpu.memref_slice %arg10[%dma_start3A_86, %dma_start3A_87] : memref<10240x128xf32, #tpu.memory_space<vmem_shared>> -> memref<10240x128xf32, #tpu.memory_space<vmem_shared>>
      tpu.enqueue_indirect_dma source(%dma_start3A_82 : memref<128x128xf32, #tpu.memory_space<vmem>>) target(%dma_start3A_88 : memref<10240x128xf32, #tpu.memory_space<vmem_shared>>) offsets(%dma_start3A_85 : memref<128xi32, #tpu.memory_space<vmem>>) semaphore(%arg12 : memref<!tpu.dma_semaphore, #tpu.memory_space<semaphore_mem>>) {add = true}
    }
    %while3A_31 = arith.constant 1 : i32
    scf.for %while3A_60 = %while3A_29 to %while3A_25 step %while3A_31  : i32 {
      %add3A_61 = arith.constant 1 : i32
      %add3A_62 = arith.addi %while3A_60, %add3A_61 : i32
      %lt3A = arith.cmpi slt, %add3A_62, %select_n3A : i32
      %convert_element_type3A = arith.extui %lt3A : i1 to i32
      %cond3A = arith.constant 0 : i32
      %cond3A_63 = arith.cmpi ne, %convert_element_type3A, %cond3A : i32
      scf.if %cond3A_63 {
        %ge3A = arith.constant 2 : i32
        %ge3A_89 = arith.cmpi sge, %add3A_62, %ge3A : i32
        %convert_element_type3A_90 = arith.extui %ge3A_89 : i1 to i32
        %cond3A_91 = arith.constant 0 : i32
        %cond3A_92 = arith.cmpi ne, %convert_element_type3A_90, %cond3A_91 : i32
        scf.if %cond3A_92 {
          %dma_wait3A_118 = arith.constant 0 : i32
          %dma_wait3A_119 = arith.constant 0 : i32
          %dma_wait3A_120 = arith.constant 0 : i32
          %dma_wait3A_121 = arith.constant 0 : i32
          %dma_wait3A_122 = tpu.memref_slice %arg9[%dma_wait3A_118, %dma_wait3A_120, %dma_wait3A_121] : memref<2x128x128xf32, #tpu.memory_space<vmem>> -> memref<1x128x128xf32, #tpu.memory_space<vmem>>
          %dma_wait3A_123 = tpu.memref_squeeze %dma_wait3A_122 : memref<1x128x128xf32, #tpu.memory_space<vmem>> -> memref<128x128xf32, #tpu.memory_space<vmem>>
          %dma_wait3A_124 = arith.constant 0 : i32
          %dma_wait3A_125 = tpu.memref_slice %arg8[%dma_wait3A_119, %dma_wait3A_124] : memref<95x128xi32, #tpu.memory_space<vmem>> -> memref<1x128xi32, #tpu.memory_space<vmem>>
          %dma_wait3A_126 = tpu.memref_squeeze %dma_wait3A_125 : memref<1x128xi32, #tpu.memory_space<vmem>> -> memref<128xi32, #tpu.memory_space<vmem>>
          %dma_wait3A_127 = arith.constant 0 : i32
          %dma_wait3A_128 = arith.constant 0 : i32
          %dma_wait3A_129 = tpu.memref_slice %arg10[%dma_wait3A_127, %dma_wait3A_128] : memref<10240x128xf32, #tpu.memory_space<vmem_shared>> -> memref<10240x128xf32, #tpu.memory_space<vmem_shared>>
          tpu.wait_indirect_dma semaphore(%arg12 : memref<!tpu.dma_semaphore, #tpu.memory_space<semaphore_mem>>) src(%dma_wait3A_123 : memref<128x128xf32, #tpu.memory_space<vmem>>) dst(%dma_wait3A_129 : memref<10240x128xf32, #tpu.memory_space<vmem_shared>>)
        } else {
        }
        %rem3A_93 = arith.constant 8 : i32
        %rem3A_94 = arith.remsi %add3A_62, %rem3A_93 : i32
        %eq3A_95 = arith.constant 0 : i32
        %eq3A_96 = arith.cmpi eq, %rem3A_94, %eq3A_95 : i32
        %convert_element_type3A_97 = arith.extui %eq3A_96 : i1 to i32
        %cond3A_98 = arith.constant 0 : i32
        %cond3A_99 = arith.cmpi ne, %convert_element_type3A_97, %cond3A_98 : i32
        scf.if %cond3A_99 {
          %div3A_118 = arith.constant 8 : i32
          %div3A_119 = arith.divsi %add3A_62, %div3A_118 : i32
          %mul3A_120 = arith.constant 8 : i32
          %mul3A_121 = arith.muli %div3A_119, %mul3A_120 : i32
          %rem3A_122 = arith.constant 2 : i32
          %rem3A_123 = arith.remsi %div3A_119, %rem3A_122 : i32
          "tpu.region"() ({
            %run_scoped3A_124 = tpu.sem_alloc : memref<!tpu.dma_semaphore, #tpu.memory_space<semaphore_mem>>
            %dma_start3A_125 = arith.constant 0 : i32
            %dma_start3A_126 = arith.constant 0 : i32
            %dma_start3A_127 = tpu.memref_slice %arg7[%rem3A_123, %dma_start3A_125, %dma_start3A_126] : memref<2x8x128xi32, #tpu.memory_space<vmem>> -> memref<1x8x128xi32, #tpu.memory_space<vmem>>
            %dma_start3A_128 = tpu.memref_squeeze %dma_start3A_127 : memref<1x8x128xi32, #tpu.memory_space<vmem>> -> memref<8x128xi32, #tpu.memory_space<vmem>>
            %dma_start3A_129 = arith.constant 0 : i32
            %dma_start3A_130 = tpu.memref_slice %arg3[%add3A, %mul3A_121, %dma_start3A_129] : memref<32x96x128xi32, #tpu.memory_space<hbm>> -> memref<1x8x128xi32, #tpu.memory_space<hbm>>
            %dma_start3A_131 = tpu.memref_squeeze %dma_start3A_130 : memref<1x8x128xi32, #tpu.memory_space<hbm>> -> memref<8x128xi32, #tpu.memory_space<hbm>>
            %dma_start3A_132 = arith.constant 0 : i32
            %dma_start3A_133 = arith.constant 0 : i32
            %dma_start3A_134 = tpu.memref_slice %arg7[%rem3A_123, %dma_start3A_132, %dma_start3A_133] : memref<2x8x128xi32, #tpu.memory_space<vmem>> -> memref<1x8x128xi32, #tpu.memory_space<vmem>>
            %dma_start3A_135 = tpu.memref_squeeze %dma_start3A_134 : memref<1x8x128xi32, #tpu.memory_space<vmem>> -> memref<8x128xi32, #tpu.memory_space<vmem>>
            %dma_start3A_136 = arith.constant 0 : i32
            %dma_start3A_137 = tpu.memref_slice %arg3[%add3A, %mul3A_121, %dma_start3A_136] : memref<32x96x128xi32, #tpu.memory_space<hbm>> -> memref<1x8x128xi32, #tpu.memory_space<hbm>>
            %dma_start3A_138 = tpu.memref_squeeze %dma_start3A_137 : memref<1x8x128xi32, #tpu.memory_space<hbm>> -> memref<8x128xi32, #tpu.memory_space<hbm>>
            tpu.enqueue_dma source(%dma_start3A_138 : memref<8x128xi32, #tpu.memory_space<hbm>>) target(%dma_start3A_135 : memref<8x128xi32, #tpu.memory_space<vmem>>) target_semaphore(%run_scoped3A_124 : memref<!tpu.dma_semaphore, #tpu.memory_space<semaphore_mem>>)
            %dma_wait3A_139 = arith.constant 0 : i32
            %dma_wait3A_140 = arith.constant 0 : i32
            %dma_wait3A_141 = tpu.memref_slice %arg7[%rem3A_123, %dma_wait3A_139, %dma_wait3A_140] : memref<2x8x128xi32, #tpu.memory_space<vmem>> -> memref<1x8x128xi32, #tpu.memory_space<vmem>>
            %dma_wait3A_142 = tpu.memref_squeeze %dma_wait3A_141 : memref<1x8x128xi32, #tpu.memory_space<vmem>> -> memref<8x128xi32, #tpu.memory_space<vmem>>
            %dma_wait3A_143 = arith.constant 0 : i32
            %dma_wait3A_144 = tpu.memref_slice %arg3[%add3A, %mul3A_121, %dma_wait3A_143] : memref<32x96x128xi32, #tpu.memory_space<hbm>> -> memref<1x8x128xi32, #tpu.memory_space<hbm>>
            %dma_wait3A_145 = tpu.memref_squeeze %dma_wait3A_144 : memref<1x8x128xi32, #tpu.memory_space<hbm>> -> memref<8x128xi32, #tpu.memory_space<hbm>>
            %dma_wait3A_146 = arith.constant 0 : i32
            %dma_wait3A_147 = arith.constant 0 : i32
            %dma_wait3A_148 = tpu.memref_slice %arg7[%rem3A_123, %dma_wait3A_146, %dma_wait3A_147] : memref<2x8x128xi32, #tpu.memory_space<vmem>> -> memref<1x8x128xi32, #tpu.memory_space<vmem>>
            %dma_wait3A_149 = tpu.memref_squeeze %dma_wait3A_148 : memref<1x8x128xi32, #tpu.memory_space<vmem>> -> memref<8x128xi32, #tpu.memory_space<vmem>>
            %dma_wait3A_150 = arith.constant 0 : i32
            %dma_wait3A_151 = tpu.memref_slice %arg3[%add3A, %mul3A_121, %dma_wait3A_150] : memref<32x96x128xi32, #tpu.memory_space<hbm>> -> memref<1x8x128xi32, #tpu.memory_space<hbm>>
            %dma_wait3A_152 = tpu.memref_squeeze %dma_wait3A_151 : memref<1x8x128xi32, #tpu.memory_space<hbm>> -> memref<8x128xi32, #tpu.memory_space<hbm>>
            tpu.wait_dma2 semaphore(%run_scoped3A_124 : memref<!tpu.dma_semaphore, #tpu.memory_space<semaphore_mem>>) src(%dma_wait3A_152 : memref<8x128xi32, #tpu.memory_space<hbm>>) dst(%dma_wait3A_149 : memref<8x128xi32, #tpu.memory_space<vmem>>)
            tpu.yield
          }) : () -> ()
        } else {
        }
        %rem3A_100 = arith.constant 2 : i32
        %rem3A_101 = arith.remsi %add3A_62, %rem3A_100 : i32
        %div3A_102 = arith.constant 8 : i32
        %div3A_103 = arith.divsi %add3A_62, %div3A_102 : i32
        %rem3A_104 = arith.constant 2 : i32
        %rem3A_105 = arith.remsi %div3A_103, %rem3A_104 : i32
        %rem3A_106 = arith.constant 8 : i32
        %rem3A_107 = arith.remsi %add3A_62, %rem3A_106 : i32
        %dma_start3A_108 = arith.constant 0 : i32
        %dma_start3A_109 = arith.constant 0 : i32
        %dma_start3A_110 = tpu.memref_slice %arg9[%rem3A_101, %dma_start3A_108, %dma_start3A_109] : memref<2x128x128xf32, #tpu.memory_space<vmem>> -> memref<1x128x128xf32, #tpu.memory_space<vmem>>
        %dma_start3A_111 = tpu.memref_squeeze %dma_start3A_110 : memref<1x128x128xf32, #tpu.memory_space<vmem>> -> memref<128x128xf32, #tpu.memory_space<vmem>>
        %dma_start3A_112 = arith.constant 0 : i32
        %dma_start3A_113 = tpu.memref_slice %arg7[%rem3A_105, %rem3A_107, %dma_start3A_112] : memref<2x8x128xi32, #tpu.memory_space<vmem>> -> memref<1x1x128xi32, #tpu.memory_space<vmem>>
        %dma_start3A_114 = tpu.memref_squeeze %dma_start3A_113 : memref<1x1x128xi32, #tpu.memory_space<vmem>> -> memref<128xi32, #tpu.memory_space<vmem>>
        %dma_start3A_115 = arith.constant 0 : i32
        %dma_start3A_116 = arith.constant 0 : i32
        %dma_start3A_117 = tpu.memref_slice %arg2[%dma_start3A_115, %dma_start3A_116] : memref<10240x128xf32, #tpu.memory_space<hbm>> -> memref<10240x128xf32, #tpu.memory_space<hbm>>
        tpu.enqueue_indirect_dma source(%dma_start3A_117 : memref<10240x128xf32, #tpu.memory_space<hbm>>) target(%dma_start3A_111 : memref<128x128xf32, #tpu.memory_space<vmem>>) offsets(%dma_start3A_114 : memref<128xi32, #tpu.memory_space<vmem>>) semaphore(%arg11 : memref<!tpu.dma_semaphore, #tpu.memory_space<semaphore_mem>>)
      } else {
      }
      %dma_wait3A_64 = arith.constant 0 : i32
      %dma_wait3A_65 = arith.constant 0 : i32
      %dma_wait3A_66 = arith.constant 0 : i32
      %dma_wait3A_67 = arith.constant 0 : i32
      %dma_wait3A_68 = arith.constant 0 : i32
      %dma_wait3A_69 = tpu.memref_slice %arg9[%dma_wait3A_66, %dma_wait3A_67, %dma_wait3A_68] : memref<2x128x128xf32, #tpu.memory_space<vmem>> -> memref<1x128x128xf32, #tpu.memory_space<vmem>>
      %dma_wait3A_70 = tpu.memref_squeeze %dma_wait3A_69 : memref<1x128x128xf32, #tpu.memory_space<vmem>> -> memref<128x128xf32, #tpu.memory_space<vmem>>
      %dma_wait3A_71 = arith.constant 0 : i32
      %dma_wait3A_72 = tpu.memref_slice %arg7[%dma_wait3A_64, %dma_wait3A_65, %dma_wait3A_71] : memref<2x8x128xi32, #tpu.memory_space<vmem>> -> memref<1x1x128xi32, #tpu.memory_space<vmem>>
      %dma_wait3A_73 = tpu.memref_squeeze %dma_wait3A_72 : memref<1x1x128xi32, #tpu.memory_space<vmem>> -> memref<128xi32, #tpu.memory_space<vmem>>
      %dma_wait3A_74 = arith.constant 0 : i32
      %dma_wait3A_75 = arith.constant 0 : i32
      %dma_wait3A_76 = tpu.memref_slice %arg2[%dma_wait3A_74, %dma_wait3A_75] : memref<10240x128xf32, #tpu.memory_space<hbm>> -> memref<10240x128xf32, #tpu.memory_space<hbm>>
      tpu.wait_indirect_dma semaphore(%arg11 : memref<!tpu.dma_semaphore, #tpu.memory_space<semaphore_mem>>) src(%dma_wait3A_76 : memref<10240x128xf32, #tpu.memory_space<hbm>>) dst(%dma_wait3A_70 : memref<128x128xf32, #tpu.memory_space<vmem>>)
      %rem3A_77 = arith.constant 2 : i32
      %rem3A_78 = arith.remsi %while3A_60, %rem3A_77 : i32
      %dma_start3A_79 = arith.constant 0 : i32
      %dma_start3A_80 = arith.constant 0 : i32
      %dma_start3A_81 = tpu.memref_slice %arg9[%rem3A_78, %dma_start3A_79, %dma_start3A_80] : memref<2x128x128xf32, #tpu.memory_space<vmem>> -> memref<1x128x128xf32, #tpu.memory_space<vmem>>
      %dma_start3A_82 = tpu.memref_squeeze %dma_start3A_81 : memref<1x128x128xf32, #tpu.memory_space<vmem>> -> memref<128x128xf32, #tpu.memory_space<vmem>>
      %dma_start3A_83 = arith.constant 0 : i32
      %dma_start3A_84 = tpu.memref_slice %arg8[%while3A_60, %dma_start3A_83] : memref<95x128xi32, #tpu.memory_space<vmem>> -> memref<1x128xi32, #tpu.memory_space<vmem>>
      %dma_start3A_85 = tpu.memref_squeeze %dma_start3A_84 : memref<1x128xi32, #tpu.memory_space<vmem>> -> memref<128xi32, #tpu.memory_space<vmem>>
      %dma_start3A_86 = arith.constant 0 : i32
      %dma_start3A_87 = arith.constant 0 : i32
      %dma_start3A_88 = tpu.memref_slice %arg10[%dma_start3A_86, %dma_start3A_87] : memref<10240x128xf32, #tpu.memory_space<vmem_shared>> -> memref<10240x128xf32, #tpu.memory_space<vmem_shared>>
      tpu.enqueue_indirect_dma source(%dma_start3A_82 : memref<128x128xf32, #tpu.memory_space<vmem>>) target(%dma_start3A_88 : memref<10240x128xf32, #tpu.memory_space<vmem_shared>>) offsets(%dma_start3A_85 : memref<128xi32, #tpu.memory_space<vmem>>) semaphore(%arg12 : memref<!tpu.dma_semaphore, #tpu.memory_space<semaphore_mem>>) {add = true}
    }
    %dma_wait3A = arith.constant 0 : i32
    %dma_wait3A_32 = arith.constant 0 : i32
    %dma_wait3A_33 = arith.constant 0 : i32
    %dma_wait3A_34 = arith.constant 0 : i32
    %dma_wait3A_35 = tpu.memref_slice %arg9[%dma_wait3A, %dma_wait3A_33, %dma_wait3A_34] : memref<2x128x128xf32, #tpu.memory_space<vmem>> -> memref<1x128x128xf32, #tpu.memory_space<vmem>>
    %dma_wait3A_36 = tpu.memref_squeeze %dma_wait3A_35 : memref<1x128x128xf32, #tpu.memory_space<vmem>> -> memref<128x128xf32, #tpu.memory_space<vmem>>
    %dma_wait3A_37 = arith.constant 0 : i32
    %dma_wait3A_38 = tpu.memref_slice %arg8[%dma_wait3A_32, %dma_wait3A_37] : memref<95x128xi32, #tpu.memory_space<vmem>> -> memref<1x128xi32, #tpu.memory_space<vmem>>
    %dma_wait3A_39 = tpu.memref_squeeze %dma_wait3A_38 : memref<1x128xi32, #tpu.memory_space<vmem>> -> memref<128xi32, #tpu.memory_space<vmem>>
    %dma_wait3A_40 = arith.constant 0 : i32
    %dma_wait3A_41 = arith.constant 0 : i32
    %dma_wait3A_42 = tpu.memref_slice %arg10[%dma_wait3A_40, %dma_wait3A_41] : memref<10240x128xf32, #tpu.memory_space<vmem_shared>> -> memref<10240x128xf32, #tpu.memory_space<vmem_shared>>
    tpu.wait_indirect_dma semaphore(%arg12 : memref<!tpu.dma_semaphore, #tpu.memory_space<semaphore_mem>>) src(%dma_wait3A_36 : memref<128x128xf32, #tpu.memory_space<vmem>>) dst(%dma_wait3A_42 : memref<10240x128xf32, #tpu.memory_space<vmem_shared>>)
    %dma_wait3A_43 = arith.constant 0 : i32
    %dma_wait3A_44 = arith.constant 0 : i32
    %dma_wait3A_45 = arith.constant 0 : i32
    %dma_wait3A_46 = arith.constant 0 : i32
    %dma_wait3A_47 = tpu.memref_slice %arg9[%dma_wait3A_43, %dma_wait3A_45, %dma_wait3A_46] : memref<2x128x128xf32, #tpu.memory_space<vmem>> -> memref<1x128x128xf32, #tpu.memory_space<vmem>>
    %dma_wait3A_48 = tpu.memref_squeeze %dma_wait3A_47 : memref<1x128x128xf32, #tpu.memory_space<vmem>> -> memref<128x128xf32, #tpu.memory_space<vmem>>
    %dma_wait3A_49 = arith.constant 0 : i32
    %dma_wait3A_50 = tpu.memref_slice %arg8[%dma_wait3A_44, %dma_wait3A_49] : memref<95x128xi32, #tpu.memory_space<vmem>> -> memref<1x128xi32, #tpu.memory_space<vmem>>
    %dma_wait3A_51 = tpu.memref_squeeze %dma_wait3A_50 : memref<1x128xi32, #tpu.memory_space<vmem>> -> memref<128xi32, #tpu.memory_space<vmem>>
    %dma_wait3A_52 = arith.constant 0 : i32
    %dma_wait3A_53 = arith.constant 0 : i32
    %dma_wait3A_54 = tpu.memref_slice %arg10[%dma_wait3A_52, %dma_wait3A_53] : memref<10240x128xf32, #tpu.memory_space<vmem_shared>> -> memref<10240x128xf32, #tpu.memory_space<vmem_shared>>
    tpu.wait_indirect_dma semaphore(%arg12 : memref<!tpu.dma_semaphore, #tpu.memory_space<semaphore_mem>>) src(%dma_wait3A_48 : memref<128x128xf32, #tpu.memory_space<vmem>>) dst(%dma_wait3A_54 : memref<10240x128xf32, #tpu.memory_space<vmem_shared>>)
    %barrier3A_55 = arith.constant 0 : index
    tpu.barrier barrier_id(%barrier3A_55)
    %mul3A_56 = arith.constant 640 : i32
    %mul3A_57 = arith.muli %arg1, %mul3A_56 : i32
    %mul3A_58 = arith.constant 640 : i32
    %mul3A_59 = arith.muli %arg1, %mul3A_58 : i32
    "tpu.region"() ({
      %run_scoped3A_60 = tpu.sem_alloc : memref<!tpu.dma_semaphore, #tpu.memory_space<semaphore_mem>>
      %dma_start3A_61 = arith.constant 0 : i32
      %dma_start3A_62 = tpu.memref_slice %arg6[%arg0, %mul3A_59, %dma_start3A_61] : memref<2x10240x128xf32, #tpu.memory_space<hbm>> -> memref<1x640x128xf32, #tpu.memory_space<hbm>>
      %dma_start3A_63 = tpu.memref_squeeze %dma_start3A_62 : memref<1x640x128xf32, #tpu.memory_space<hbm>> -> memref<640x128xf32, #tpu.memory_space<hbm>>
      %dma_start3A_64 = arith.constant 0 : i32
      %dma_start3A_65 = tpu.memref_slice %arg10[%mul3A_57, %dma_start3A_64] : memref<10240x128xf32, #tpu.memory_space<vmem_shared>> -> memref<640x128xf32, #tpu.memory_space<vmem_shared>>
      tpu.enqueue_dma source(%dma_start3A_65 : memref<640x128xf32, #tpu.memory_space<vmem_shared>>) target(%dma_start3A_63 : memref<640x128xf32, #tpu.memory_space<hbm>>) target_semaphore(%run_scoped3A_60 : memref<!tpu.dma_semaphore, #tpu.memory_space<semaphore_mem>>)
      %dma_wait3A_66 = arith.constant 0 : i32
      %dma_wait3A_67 = tpu.memref_slice %arg6[%arg0, %mul3A_59, %dma_wait3A_66] : memref<2x10240x128xf32, #tpu.memory_space<hbm>> -> memref<1x640x128xf32, #tpu.memory_space<hbm>>
      %dma_wait3A_68 = tpu.memref_squeeze %dma_wait3A_67 : memref<1x640x128xf32, #tpu.memory_space<hbm>> -> memref<640x128xf32, #tpu.memory_space<hbm>>
      %dma_wait3A_69 = arith.constant 0 : i32
      %dma_wait3A_70 = tpu.memref_slice %arg10[%mul3A_57, %dma_wait3A_69] : memref<10240x128xf32, #tpu.memory_space<vmem_shared>> -> memref<640x128xf32, #tpu.memory_space<vmem_shared>>
      tpu.wait_dma2 semaphore(%run_scoped3A_60 : memref<!tpu.dma_semaphore, #tpu.memory_space<semaphore_mem>>) src(%dma_wait3A_70 : memref<640x128xf32, #tpu.memory_space<vmem_shared>>) dst(%dma_wait3A_68 : memref<640x128xf32, #tpu.memory_space<hbm>>)
      tpu.yield
    }) : () -> ()
    return
  }
}

module attributes {stable_mosaic.version = 14 : i64} {
  func.func @_tc_in_body(%arg0: i32, %arg1: memref<1024x128xf32, #tpu.memory_space<vmem>>, %arg2: memref<128x128xf32, #tpu.memory_space<vmem>>, %arg3: memref<2x1024x128xf32, #tpu.memory_space<vmem>>, %arg4: memref<1024x128xf32, #tpu.memory_space<vmem>>, %arg5: memref<1024x1xf32, #tpu.memory_space<vmem>>) attributes {dimension_semantics = [#tpu.dimension_semantics<arbitrary>], iteration_bounds = array<i64: 10>, scalar_prefetch = 0 : i64, scratch_operands = 0 : i64, tpu.core_type = #tpu.core_type<tc>, window_params = [{transform_indices = @transform_0, window_bounds = array<i64: 1024, 128>}, {pipeline_mode = #tpu.pipeline_mode<synchronous>, transform_indices = @transform_1, window_bounds = array<i64: 128, 128>}, {transform_indices = @transform_2, window_bounds = array<i64: 2, 1024, 128>}, {transform_indices = @transform_3, window_bounds = array<i64: 1024, 128>}, {transform_indices = @transform_4, window_bounds = array<i64: 1024, 1>}]} {
    %get3A = arith.constant 0 : index
    %get3A_0 = arith.constant 0 : index
    %get3A_1 = vector.load %arg1[%get3A, %get3A_0] : memref<1024x128xf32, #tpu.memory_space<vmem>>, vector<1024x128xf32>
    %get3A_2 = arith.constant 0 : index
    %get3A_3 = arith.constant 0 : index
    %get3A_4 = vector.load %arg2[%get3A_2, %get3A_3] : memref<128x128xf32, #tpu.memory_space<vmem>>, vector<128x128xf32>
    %dot_general3A = arith.constant dense<0.000000e+00> : vector<1024x128xf32>
    %dot_general3A_5 = tpu.matmul %get3A_1, %get3A_4, %dot_general3A {dimension_numbers = #tpu.dot_dimension_numbers<[1], [0], [0], [1], [0, 0, 1, 1], [], []>, transpose_lhs_hint = false} : vector<1024x128xf32>, vector<128x128xf32>, vector<1024x128xf32> -> vector<1024x128xf32>
    %get3A_6 = arith.constant 0 : index
    %get3A_7 = arith.constant 0 : index
    %get3A_8 = arith.constant 0 : index
    %get3A_9 = vector.load %arg3[%get3A_6, %get3A_7, %get3A_8] : memref<2x1024x128xf32, #tpu.memory_space<vmem>>, vector<1x1024x1xf32>
    %get3A_10 = vector.shape_cast %get3A_9 : vector<1x1024x1xf32> to vector<1024x1xf32>
    %get3A_11 = arith.constant 1 : index
    %get3A_12 = arith.constant 0 : index
    %get3A_13 = arith.constant 0 : index
    %get3A_14 = vector.load %arg3[%get3A_11, %get3A_12, %get3A_13] : memref<2x1024x128xf32, #tpu.memory_space<vmem>>, vector<1x1024x1xf32>
    %get3A_15 = vector.shape_cast %get3A_14 : vector<1x1024x1xf32> to vector<1024x1xf32>
    %add3A = arith.addf %get3A_10, %get3A_15 : vector<1024x1xf32>
    %gt3A = arith.constant 0.000000e+00 : f32
    %gt3A_16 = vector.broadcast %gt3A : f32 to vector<1024x1xf32>
    %gt3A_17 = arith.cmpf ogt, %add3A, %gt3A_16 : vector<1024x1xf32>
    %sqrt3A = math.sqrt %add3A : vector<1024x1xf32>
    %div3A = arith.constant 1.000000e+00 : f32
    %div3A_18 = vector.broadcast %div3A : f32 to vector<1024x1xf32>
    %div3A_19 = arith.divf %div3A_18, %sqrt3A : vector<1024x1xf32>
    %jit3A = arith.constant 0.000000e+00 : f32
    %broadcast_in_dim3A = vector.broadcast %jit3A : f32 to vector<1024x1xf32>
    %select_n3A = arith.select %gt3A_17, %div3A_19, %broadcast_in_dim3A : vector<1024x1xi1>, vector<1024x1xf32>
    %mul3A = vector.broadcast %select_n3A : vector<1024x1xf32> to vector<1024x128xf32>
    %mul3A_20 = arith.mulf %dot_general3A_5, %mul3A : vector<1024x128xf32>
    %swap3A = arith.constant 0 : index
    %swap3A_21 = arith.constant 0 : index
    %swap3A_22 = vector.load %arg4[%swap3A, %swap3A_21] : memref<1024x128xf32, #tpu.memory_space<vmem>>, vector<1024x128xf32>
    tpu.vector_store %arg4[%swap3A, %swap3A_21], %mul3A_20 {strides = array<i32>} : memref<1024x128xf32, #tpu.memory_space<vmem>>, vector<1024x128xf32>,
    %swap3A_23 = arith.constant 0 : index
    %swap3A_24 = arith.constant 0 : index
    %swap3A_25 = vector.load %arg5[%swap3A_23, %swap3A_24] : memref<1024x1xf32, #tpu.memory_space<vmem>>, vector<1024x1xf32>
    tpu.vector_store %arg5[%swap3A_23, %swap3A_24], %select_n3A {strides = array<i32>} : memref<1024x1xf32, #tpu.memory_space<vmem>>, vector<1024x1xf32>,
    return
  }
  func.func @transform_0(%arg0: i32) -> (i32, i32) {
    %c0_i32 = arith.constant 0 : i32
    %c0_i32_0 = arith.constant 0 : i32
    return %arg0, %c0_i32 : i32, i32
  }
  func.func @transform_1(%arg0: i32) -> (i32, i32) {
    %c0_i32 = arith.constant 0 : i32
    %c0_i32_0 = arith.constant 0 : i32
    %c0_i32_1 = arith.constant 0 : i32
    return %c0_i32, %c0_i32_0 : i32, i32
  }
  func.func @transform_2(%arg0: i32) -> (i32, i32, i32) {
    %c0_i32 = arith.constant 0 : i32
    %c0_i32_0 = arith.constant 0 : i32
    %c0_i32_1 = arith.constant 0 : i32
    return %c0_i32, %arg0, %c0_i32_0 : i32, i32, i32
  }
  func.func @transform_3(%arg0: i32) -> (i32, i32) {
    %c0_i32 = arith.constant 0 : i32
    %c0_i32_0 = arith.constant 0 : i32
    return %arg0, %c0_i32 : i32, i32
  }
  func.func @transform_4(%arg0: i32) -> (i32, i32) {
    %c0_i32 = arith.constant 0 : i32
    %c0_i32_0 = arith.constant 0 : i32
    return %arg0, %c0_i32 : i32, i32
  }
}

module attributes {stable_mosaic.version = 14 : i64} {
  func.func @_tc_mid_body(%arg0: i32, %arg1: memref<2x1024x128xf32, #tpu.memory_space<vmem>>, %arg2: memref<1024x1xf32, #tpu.memory_space<vmem>>, %arg3: memref<1x128xf32, #tpu.memory_space<vmem>>, %arg4: memref<128x128xf32, #tpu.memory_space<vmem>>, %arg5: memref<1024x128xf32, #tpu.memory_space<vmem>>) attributes {dimension_semantics = [#tpu.dimension_semantics<arbitrary>], iteration_bounds = array<i64: 10>, scalar_prefetch = 0 : i64, scratch_operands = 0 : i64, tpu.core_type = #tpu.core_type<tc>, window_params = [{transform_indices = @transform_0, window_bounds = array<i64: 2, 1024, 128>}, {transform_indices = @transform_1, window_bounds = array<i64: 1024, 1>}, {pipeline_mode = #tpu.pipeline_mode<synchronous>, transform_indices = @transform_2, window_bounds = array<i64: 1, 128>}, {pipeline_mode = #tpu.pipeline_mode<synchronous>, transform_indices = @transform_3, window_bounds = array<i64: 128, 128>}, {transform_indices = @transform_4, window_bounds = array<i64: 1024, 128>}]} {
    %get3A = arith.constant 0 : index
    %get3A_0 = arith.constant 0 : index
    %get3A_1 = vector.load %arg2[%get3A, %get3A_0] : memref<1024x1xf32, #tpu.memory_space<vmem>>, vector<1024x1xf32>
    %get3A_2 = arith.constant 0 : index
    %get3A_3 = arith.constant 0 : index
    %get3A_4 = arith.constant 0 : index
    %get3A_5 = vector.load %arg1[%get3A_2, %get3A_3, %get3A_4] : memref<2x1024x128xf32, #tpu.memory_space<vmem>>, vector<1x1024x128xf32>
    %get3A_6 = vector.shape_cast %get3A_5 : vector<1x1024x128xf32> to vector<1024x128xf32>
    %get3A_7 = arith.constant 1 : index
    %get3A_8 = arith.constant 0 : index
    %get3A_9 = arith.constant 0 : index
    %get3A_10 = vector.load %arg1[%get3A_7, %get3A_8, %get3A_9] : memref<2x1024x128xf32, #tpu.memory_space<vmem>>, vector<1x1024x128xf32>
    %get3A_11 = vector.shape_cast %get3A_10 : vector<1x1024x128xf32> to vector<1024x128xf32>
    %add3A = arith.addf %get3A_6, %get3A_11 : vector<1024x128xf32>
    %mul3A = vector.broadcast %get3A_1 : vector<1024x1xf32> to vector<1024x128xf32>
    %mul3A_12 = arith.mulf %add3A, %mul3A : vector<1024x128xf32>
    %get3A_13 = arith.constant 0 : index
    %get3A_14 = arith.constant 0 : index
    %get3A_15 = vector.load %arg3[%get3A_13, %get3A_14] : memref<1x128xf32, #tpu.memory_space<vmem>>, vector<1x128xf32>
    %add3A_16 = vector.broadcast %get3A_15 : vector<1x128xf32> to vector<1024x128xf32>
    %add3A_17 = arith.addf %mul3A_12, %add3A_16 : vector<1024x128xf32>
    %max3A = arith.constant 0.000000e+00 : f32
    %max3A_18 = vector.broadcast %max3A : f32 to vector<1024x128xf32>
    %max3A_19 = arith.maximumf %add3A_17, %max3A_18 : vector<1024x128xf32>
    %get3A_20 = arith.constant 0 : index
    %get3A_21 = arith.constant 0 : index
    %get3A_22 = vector.load %arg4[%get3A_20, %get3A_21] : memref<128x128xf32, #tpu.memory_space<vmem>>, vector<128x128xf32>
    %dot_general3A = arith.constant dense<0.000000e+00> : vector<1024x128xf32>
    %dot_general3A_23 = tpu.matmul %max3A_19, %get3A_22, %dot_general3A {dimension_numbers = #tpu.dot_dimension_numbers<[1], [0], [0], [1], [0, 0, 1, 1], [], []>, transpose_lhs_hint = false} : vector<1024x128xf32>, vector<128x128xf32>, vector<1024x128xf32> -> vector<1024x128xf32>
    %mul3A_24 = vector.broadcast %get3A_1 : vector<1024x1xf32> to vector<1024x128xf32>
    %mul3A_25 = arith.mulf %dot_general3A_23, %mul3A_24 : vector<1024x128xf32>
    %swap3A = arith.constant 0 : index
    %swap3A_26 = arith.constant 0 : index
    %swap3A_27 = vector.load %arg5[%swap3A, %swap3A_26] : memref<1024x128xf32, #tpu.memory_space<vmem>>, vector<1024x128xf32>
    tpu.vector_store %arg5[%swap3A, %swap3A_26], %mul3A_25 {strides = array<i32>} : memref<1024x128xf32, #tpu.memory_space<vmem>>, vector<1024x128xf32>,
    return
  }
  func.func @transform_0(%arg0: i32) -> (i32, i32, i32) {
    %c0_i32 = arith.constant 0 : i32
    %c0_i32_0 = arith.constant 0 : i32
    %c0_i32_1 = arith.constant 0 : i32
    return %c0_i32, %arg0, %c0_i32_0 : i32, i32, i32
  }
  func.func @transform_1(%arg0: i32) -> (i32, i32) {
    %c0_i32 = arith.constant 0 : i32
    %c0_i32_0 = arith.constant 0 : i32
    return %arg0, %c0_i32 : i32, i32
  }
  func.func @transform_2(%arg0: i32) -> (i32, i32) {
    %c0_i32 = arith.constant 0 : i32
    %c0_i32_0 = arith.constant 0 : i32
    %c0_i32_1 = arith.constant 0 : i32
    return %c0_i32, %c0_i32_0 : i32, i32
  }
  func.func @transform_3(%arg0: i32) -> (i32, i32) {
    %c0_i32 = arith.constant 0 : i32
    %c0_i32_0 = arith.constant 0 : i32
    %c0_i32_1 = arith.constant 0 : i32
    return %c0_i32, %c0_i32_0 : i32, i32
  }
  func.func @transform_4(%arg0: i32) -> (i32, i32) {
    %c0_i32 = arith.constant 0 : i32
    %c0_i32_0 = arith.constant 0 : i32
    return %arg0, %c0_i32 : i32, i32
  }
}

module attributes {stable_mosaic.version = 14 : i64} {
  func.func @_tc_fin_body(%arg0: i32, %arg1: memref<2x1024x128xf32, #tpu.memory_space<vmem>>, %arg2: memref<1024x1xf32, #tpu.memory_space<vmem>>, %arg3: memref<1x128xf32, #tpu.memory_space<vmem>>, %arg4: memref<1024x1xi32, #tpu.memory_space<vmem>>, %arg5: memref<64x128xf32, #tpu.memory_space<vmem>>, %arg6: memref<64x128xf32, #tpu.memory_space<vmem>>) attributes {dimension_semantics = [#tpu.dimension_semantics<arbitrary>], iteration_bounds = array<i64: 10>, scalar_prefetch = 0 : i64, scratch_operands = 0 : i64, tpu.core_type = #tpu.core_type<tc>, window_params = [{transform_indices = @transform_0, window_bounds = array<i64: 2, 1024, 128>}, {transform_indices = @transform_1, window_bounds = array<i64: 1024, 1>}, {pipeline_mode = #tpu.pipeline_mode<synchronous>, transform_indices = @transform_2, window_bounds = array<i64: 1, 128>}, {transform_indices = @transform_3, window_bounds = array<i64: 1024, 1>}, {pipeline_mode = #tpu.pipeline_mode<synchronous>, transform_indices = @transform_4, window_bounds = array<i64: 64, 128>}, {pipeline_mode = #tpu.pipeline_mode<synchronous>, transform_indices = @transform_5, window_bounds = array<i64: 64, 128>}]} {
    %get3A = arith.constant 0 : index
    %get3A_0 = arith.constant 0 : index
    %get3A_1 = arith.constant 0 : index
    %get3A_2 = vector.load %arg1[%get3A, %get3A_0, %get3A_1] : memref<2x1024x128xf32, #tpu.memory_space<vmem>>, vector<1x1024x128xf32>
    %get3A_3 = vector.shape_cast %get3A_2 : vector<1x1024x128xf32> to vector<1024x128xf32>
    %get3A_4 = arith.constant 1 : index
    %get3A_5 = arith.constant 0 : index
    %get3A_6 = arith.constant 0 : index
    %get3A_7 = vector.load %arg1[%get3A_4, %get3A_5, %get3A_6] : memref<2x1024x128xf32, #tpu.memory_space<vmem>>, vector<1x1024x128xf32>
    %get3A_8 = vector.shape_cast %get3A_7 : vector<1x1024x128xf32> to vector<1024x128xf32>
    %add3A = arith.addf %get3A_3, %get3A_8 : vector<1024x128xf32>
    %get3A_9 = arith.constant 0 : index
    %get3A_10 = arith.constant 0 : index
    %get3A_11 = vector.load %arg2[%get3A_9, %get3A_10] : memref<1024x1xf32, #tpu.memory_space<vmem>>, vector<1024x1xf32>
    %mul3A = vector.broadcast %get3A_11 : vector<1024x1xf32> to vector<1024x128xf32>
    %mul3A_12 = arith.mulf %add3A, %mul3A : vector<1024x128xf32>
    %get3A_13 = arith.constant 0 : index
    %get3A_14 = arith.constant 0 : index
    %get3A_15 = vector.load %arg3[%get3A_13, %get3A_14] : memref<1x128xf32, #tpu.memory_space<vmem>>, vector<1x128xf32>
    %add3A_16 = vector.broadcast %get3A_15 : vector<1x128xf32> to vector<1024x128xf32>
    %add3A_17 = arith.addf %mul3A_12, %add3A_16 : vector<1024x128xf32>
    %max3A = arith.constant 0.000000e+00 : f32
    %max3A_18 = vector.broadcast %max3A : f32 to vector<1024x128xf32>
    %max3A_19 = arith.maximumf %add3A_17, %max3A_18 : vector<1024x128xf32>
    %iota3A = tpu.iota {dimensions = array<i32: 1>} : vector<1024x64xi32>
    %get3A_20 = arith.constant 0 : index
    %get3A_21 = arith.constant 0 : index
    %get3A_22 = vector.load %arg4[%get3A_20, %get3A_21] : memref<1024x1xi32, #tpu.memory_space<vmem>>, vector<1024x1xi32>
    %eq3A = vector.broadcast %get3A_22 : vector<1024x1xi32> to vector<1024x64xi32>
    %eq3A_23 = arith.cmpi eq, %eq3A, %iota3A : vector<1024x64xi32>
    %convert_element_type3A = arith.extui %eq3A_23 : vector<1024x64xi1> to vector<1024x64xi32>
    %convert_element_type3A_24 = arith.sitofp %convert_element_type3A : vector<1024x64xi32> to vector<1024x64xf32>
    %dot_general3A = arith.constant dense<0.000000e+00> : vector<64x128xf32>
    %dot_general3A_25 = tpu.matmul %convert_element_type3A_24, %max3A_19, %dot_general3A {dimension_numbers = #tpu.dot_dimension_numbers<[0], [0], [1], [1], [0, 1, 1, 1], [], []>, precision = #tpu.contract_precision<fp32>, transpose_lhs_hint = false} : vector<1024x64xf32>, vector<1024x128xf32>, vector<64x128xf32> -> vector<64x128xf32>
    %broadcast_in_dim3A = arith.constant 1.000000e+00 : f32
    %broadcast_in_dim3A_26 = vector.broadcast %broadcast_in_dim3A : f32 to vector<1024x128xf32>
    %dot_general3A_27 = arith.constant dense<0.000000e+00> : vector<64x128xf32>
    %dot_general3A_28 = tpu.matmul %convert_element_type3A_24, %broadcast_in_dim3A_26, %dot_general3A_27 {dimension_numbers = #tpu.dot_dimension_numbers<[0], [0], [1], [1], [0, 1, 1, 1], [], []>, precision = #tpu.contract_precision<fp32>, transpose_lhs_hint = false} : vector<1024x64xf32>, vector<1024x128xf32>, vector<64x128xf32> -> vector<64x128xf32>
    %eq3A_29 = arith.constant 0 : i32
    %eq3A_30 = arith.cmpi eq, %arg0, %eq3A_29 : i32
    %convert_element_type3A_31 = arith.extui %eq3A_30 : i1 to i32
    %cond3A = arith.constant 0 : i32
    %cond3A_32 = arith.cmpi ne, %convert_element_type3A_31, %cond3A : i32
    scf.if %cond3A_32 {
      %swap3A = arith.constant 0 : index
      %swap3A_37 = arith.constant 0 : index
      %swap3A_38 = vector.load %arg5[%swap3A, %swap3A_37] : memref<64x128xf32, #tpu.memory_space<vmem>>, vector<64x128xf32>
      tpu.vector_store %arg5[%swap3A, %swap3A_37], %dot_general3A_25 {strides = array<i32>} : memref<64x128xf32, #tpu.memory_space<vmem>>, vector<64x128xf32>,
      %swap3A_39 = arith.constant 0 : index
      %swap3A_40 = arith.constant 0 : index
      %swap3A_41 = vector.load %arg6[%swap3A_39, %swap3A_40] : memref<64x128xf32, #tpu.memory_space<vmem>>, vector<64x128xf32>
      tpu.vector_store %arg6[%swap3A_39, %swap3A_40], %dot_general3A_28 {strides = array<i32>} : memref<64x128xf32, #tpu.memory_space<vmem>>, vector<64x128xf32>,
    } else {
    }
    %ne3A = arith.constant 0 : i32
    %ne3A_33 = arith.cmpi ne, %arg0, %ne3A : i32
    %convert_element_type3A_34 = arith.extui %ne3A_33 : i1 to i32
    %cond3A_35 = arith.constant 0 : i32
    %cond3A_36 = arith.cmpi ne, %convert_element_type3A_34, %cond3A_35 : i32
    scf.if %cond3A_36 {
      %get3A_37 = arith.constant 0 : index
      %get3A_38 = arith.constant 0 : index
      %get3A_39 = vector.load %arg5[%get3A_37, %get3A_38] : memref<64x128xf32, #tpu.memory_space<vmem>>, vector<64x128xf32>
      %add3A_40 = arith.addf %get3A_39, %dot_general3A_25 : vector<64x128xf32>
      %swap3A = arith.constant 0 : index
      %swap3A_41 = arith.constant 0 : index
      %swap3A_42 = vector.load %arg5[%swap3A, %swap3A_41] : memref<64x128xf32, #tpu.memory_space<vmem>>, vector<64x128xf32>
      tpu.vector_store %arg5[%swap3A, %swap3A_41], %add3A_40 {strides = array<i32>} : memref<64x128xf32, #tpu.memory_space<vmem>>, vector<64x128xf32>,
      %get3A_43 = arith.constant 0 : index
      %get3A_44 = arith.constant 0 : index
      %get3A_45 = vector.load %arg6[%get3A_43, %get3A_44] : memref<64x128xf32, #tpu.memory_space<vmem>>, vector<64x128xf32>
      %add3A_46 = arith.addf %get3A_45, %dot_general3A_28 : vector<64x128xf32>
      %swap3A_47 = arith.constant 0 : index
      %swap3A_48 = arith.constant 0 : index
      %swap3A_49 = vector.load %arg6[%swap3A_47, %swap3A_48] : memref<64x128xf32, #tpu.memory_space<vmem>>, vector<64x128xf32>
      tpu.vector_store %arg6[%swap3A_47, %swap3A_48], %add3A_46 {strides = array<i32>} : memref<64x128xf32, #tpu.memory_space<vmem>>, vector<64x128xf32>,
    } else {
    }
    return
  }
  func.func @transform_0(%arg0: i32) -> (i32, i32, i32) {
    %c0_i32 = arith.constant 0 : i32
    %c0_i32_0 = arith.constant 0 : i32
    %c0_i32_1 = arith.constant 0 : i32
    return %c0_i32, %arg0, %c0_i32_0 : i32, i32, i32
  }
  func.func @transform_1(%arg0: i32) -> (i32, i32) {
    %c0_i32 = arith.constant 0 : i32
    %c0_i32_0 = arith.constant 0 : i32
    return %arg0, %c0_i32 : i32, i32
  }
  func.func @transform_2(%arg0: i32) -> (i32, i32) {
    %c0_i32 = arith.constant 0 : i32
    %c0_i32_0 = arith.constant 0 : i32
    %c0_i32_1 = arith.constant 0 : i32
    return %c0_i32, %c0_i32_0 : i32, i32
  }
  func.func @transform_3(%arg0: i32) -> (i32, i32) {
    %c0_i32 = arith.constant 0 : i32
    %c0_i32_0 = arith.constant 0 : i32
    return %arg0, %c0_i32 : i32, i32
  }
  func.func @transform_4(%arg0: i32) -> (i32, i32) {
    %c0_i32 = arith.constant 0 : i32
    %c0_i32_0 = arith.constant 0 : i32
    %c0_i32_1 = arith.constant 0 : i32
    return %c0_i32, %c0_i32_0 : i32, i32
  }
  func.func @transform_5(%arg0: i32) -> (i32, i32) {
    %c0_i32 = arith.constant 0 : i32
    %c0_i32_0 = arith.constant 0 : i32
    %c0_i32_1 = arith.constant 0 : i32
    return %c0_i32, %c0_i32_0 : i32, i32
  }
}

module attributes {stable_mosaic.version = 14 : i64} {
  func.func @_tc_head_body(%arg0: i32, %arg1: memref<64x128xf32, #tpu.memory_space<vmem>>, %arg2: memref<64x128xf32, #tpu.memory_space<vmem>>, %arg3: memref<128x128xf32, #tpu.memory_space<vmem>>, %arg4: memref<1x128xf32, #tpu.memory_space<vmem>>, %arg5: memref<128x256xf32, #tpu.memory_space<vmem>>, %arg6: memref<1x256xf32, #tpu.memory_space<vmem>>, %arg7: memref<256x128xf32, #tpu.memory_space<vmem>>, %arg8: memref<1x128xf32, #tpu.memory_space<vmem>>, %arg9: memref<128x64xf32, #tpu.memory_space<vmem>>, %arg10: memref<1x64xf32, #tpu.memory_space<vmem>>, %arg11: memref<64x32xf32, #tpu.memory_space<vmem>>, %arg12: memref<1x32xf32, #tpu.memory_space<vmem>>, %arg13: memref<32x1xf32, #tpu.memory_space<vmem>>, %arg14: memref<1x1xf32, #tpu.memory_space<vmem>>, %arg15: memref<64x1xf32, #tpu.memory_space<vmem>>) attributes {dimension_semantics = [#tpu.dimension_semantics<arbitrary>], iteration_bounds = array<i64: 1>, scalar_prefetch = 0 : i64, scratch_operands = 0 : i64, tpu.core_type = #tpu.core_type<tc>, window_params = [{pipeline_mode = #tpu.pipeline_mode<synchronous>, transform_indices = @transform_0, window_bounds = array<i64: 64, 128>}, {pipeline_mode = #tpu.pipeline_mode<synchronous>, transform_indices = @transform_1, window_bounds = array<i64: 64, 128>}, {pipeline_mode = #tpu.pipeline_mode<synchronous>, transform_indices = @transform_2, window_bounds = array<i64: 128, 128>}, {pipeline_mode = #tpu.pipeline_mode<synchronous>, transform_indices = @transform_3, window_bounds = array<i64: 1, 128>}, {pipeline_mode = #tpu.pipeline_mode<synchronous>, transform_indices = @transform_4, window_bounds = array<i64: 128, 256>}, {pipeline_mode = #tpu.pipeline_mode<synchronous>, transform_indices = @transform_5, window_bounds = array<i64: 1, 256>}, {pipeline_mode = #tpu.pipeline_mode<synchronous>, transform_indices = @transform_6, window_bounds = array<i64: 256, 128>}, {pipeline_mode = #tpu.pipeline_mode<synchronous>, transform_indices = @transform_7, window_bounds = array<i64: 1, 128>}, {pipeline_mode = #tpu.pipeline_mode<synchronous>, transform_indices = @transform_8, window_bounds = array<i64: 128, 64>}, {pipeline_mode = #tpu.pipeline_mode<synchronous>, transform_indices = @transform_9, window_bounds = array<i64: 1, 64>}, {pipeline_mode = #tpu.pipeline_mode<synchronous>, transform_indices = @transform_10, window_bounds = array<i64: 64, 32>}, {pipeline_mode = #tpu.pipeline_mode<synchronous>, transform_indices = @transform_11, window_bounds = array<i64: 1, 32>}, {pipeline_mode = #tpu.pipeline_mode<synchronous>, transform_indices = @transform_12, window_bounds = array<i64: 32, 1>}, {pipeline_mode = #tpu.pipeline_mode<synchronous>, transform_indices = @transform_13, window_bounds = array<i64: 1, 1>}, {pipeline_mode = #tpu.pipeline_mode<synchronous>, transform_indices = @transform_14, window_bounds = array<i64: 64, 1>}]} {
    %get3A = arith.constant 0 : index
    %get3A_0 = arith.constant 0 : index
    %get3A_1 = vector.load %arg1[%get3A, %get3A_0] : memref<64x128xf32, #tpu.memory_space<vmem>>, vector<64x128xf32>
    %get3A_2 = arith.constant 0 : index
    %get3A_3 = arith.constant 0 : index
    %get3A_4 = vector.load %arg2[%get3A_2, %get3A_3] : memref<64x128xf32, #tpu.memory_space<vmem>>, vector<64x128xf32>
    %max3A = arith.constant 1.000000e+00 : f32
    %max3A_5 = vector.broadcast %max3A : f32 to vector<64x128xf32>
    %max3A_6 = arith.maximumf %get3A_4, %max3A_5 : vector<64x128xf32>
    %div3A = arith.divf %get3A_1, %max3A_6 : vector<64x128xf32>
    %get3A_7 = arith.constant 0 : index
    %get3A_8 = arith.constant 0 : index
    %get3A_9 = vector.load %arg3[%get3A_7, %get3A_8] : memref<128x128xf32, #tpu.memory_space<vmem>>, vector<128x128xf32>
    %dot_general3A = arith.constant dense<0.000000e+00> : vector<64x128xf32>
    %dot_general3A_10 = tpu.matmul %div3A, %get3A_9, %dot_general3A {dimension_numbers = #tpu.dot_dimension_numbers<[1], [0], [0], [1], [0, 0, 1, 1], [], []>, transpose_lhs_hint = false} : vector<64x128xf32>, vector<128x128xf32>, vector<64x128xf32> -> vector<64x128xf32>
    %get3A_11 = arith.constant 0 : index
    %get3A_12 = arith.constant 0 : index
    %get3A_13 = vector.load %arg4[%get3A_11, %get3A_12] : memref<1x128xf32, #tpu.memory_space<vmem>>, vector<1x128xf32>
    %add3A = vector.broadcast %get3A_13 : vector<1x128xf32> to vector<64x128xf32>
    %add3A_14 = arith.addf %dot_general3A_10, %add3A : vector<64x128xf32>
    %max3A_15 = arith.constant 0.000000e+00 : f32
    %max3A_16 = vector.broadcast %max3A_15 : f32 to vector<64x128xf32>
    %max3A_17 = arith.maximumf %add3A_14, %max3A_16 : vector<64x128xf32>
    %get3A_18 = arith.constant 0 : index
    %get3A_19 = arith.constant 0 : index
    %get3A_20 = vector.load %arg5[%get3A_18, %get3A_19] : memref<128x256xf32, #tpu.memory_space<vmem>>, vector<128x256xf32>
    %dot_general3A_21 = arith.constant dense<0.000000e+00> : vector<64x256xf32>
    %dot_general3A_22 = tpu.matmul %max3A_17, %get3A_20, %dot_general3A_21 {dimension_numbers = #tpu.dot_dimension_numbers<[1], [0], [0], [1], [0, 0, 1, 1], [], []>, transpose_lhs_hint = false} : vector<64x128xf32>, vector<128x256xf32>, vector<64x256xf32> -> vector<64x256xf32>
    %get3A_23 = arith.constant 0 : index
    %get3A_24 = arith.constant 0 : index
    %get3A_25 = vector.load %arg6[%get3A_23, %get3A_24] : memref<1x256xf32, #tpu.memory_space<vmem>>, vector<1x256xf32>
    %add3A_26 = vector.broadcast %get3A_25 : vector<1x256xf32> to vector<64x256xf32>
    %add3A_27 = arith.addf %dot_general3A_22, %add3A_26 : vector<64x256xf32>
    %max3A_28 = arith.constant 0.000000e+00 : f32
    %max3A_29 = vector.broadcast %max3A_28 : f32 to vector<64x256xf32>
    %max3A_30 = arith.maximumf %add3A_27, %max3A_29 : vector<64x256xf32>
    %get3A_31 = arith.constant 0 : index
    %get3A_32 = arith.constant 0 : index
    %get3A_33 = vector.load %arg7[%get3A_31, %get3A_32] : memref<256x128xf32, #tpu.memory_space<vmem>>, vector<256x128xf32>
    %dot_general3A_34 = arith.constant dense<0.000000e+00> : vector<64x128xf32>
    %dot_general3A_35 = tpu.matmul %max3A_30, %get3A_33, %dot_general3A_34 {dimension_numbers = #tpu.dot_dimension_numbers<[1], [0], [0], [1], [0, 0, 1, 1], [], []>, transpose_lhs_hint = false} : vector<64x256xf32>, vector<256x128xf32>, vector<64x128xf32> -> vector<64x128xf32>
    %get3A_36 = arith.constant 0 : index
    %get3A_37 = arith.constant 0 : index
    %get3A_38 = vector.load %arg8[%get3A_36, %get3A_37] : memref<1x128xf32, #tpu.memory_space<vmem>>, vector<1x128xf32>
    %add3A_39 = vector.broadcast %get3A_38 : vector<1x128xf32> to vector<64x128xf32>
    %add3A_40 = arith.addf %dot_general3A_35, %add3A_39 : vector<64x128xf32>
    %max3A_41 = arith.constant 0.000000e+00 : f32
    %max3A_42 = vector.broadcast %max3A_41 : f32 to vector<64x128xf32>
    %max3A_43 = arith.maximumf %add3A_40, %max3A_42 : vector<64x128xf32>
    %get3A_44 = arith.constant 0 : index
    %get3A_45 = arith.constant 0 : index
    %get3A_46 = vector.load %arg9[%get3A_44, %get3A_45] : memref<128x64xf32, #tpu.memory_space<vmem>>, vector<128x64xf32>
    %dot_general3A_47 = arith.constant dense<0.000000e+00> : vector<64x64xf32>
    %dot_general3A_48 = tpu.matmul %max3A_43, %get3A_46, %dot_general3A_47 {dimension_numbers = #tpu.dot_dimension_numbers<[1], [0], [0], [1], [0, 0, 1, 1], [], []>, transpose_lhs_hint = false} : vector<64x128xf32>, vector<128x64xf32>, vector<64x64xf32> -> vector<64x64xf32>
    %get3A_49 = arith.constant 0 : index
    %get3A_50 = arith.constant 0 : index
    %get3A_51 = vector.load %arg10[%get3A_49, %get3A_50] : memref<1x64xf32, #tpu.memory_space<vmem>>, vector<1x64xf32>
    %add3A_52 = vector.broadcast %get3A_51 : vector<1x64xf32> to vector<64x64xf32>
    %add3A_53 = arith.addf %dot_general3A_48, %add3A_52 : vector<64x64xf32>
    %max3A_54 = arith.constant 0.000000e+00 : f32
    %max3A_55 = vector.broadcast %max3A_54 : f32 to vector<64x64xf32>
    %max3A_56 = arith.maximumf %add3A_53, %max3A_55 : vector<64x64xf32>
    %get3A_57 = arith.constant 0 : index
    %get3A_58 = arith.constant 0 : index
    %get3A_59 = vector.load %arg11[%get3A_57, %get3A_58] : memref<64x32xf32, #tpu.memory_space<vmem>>, vector<64x32xf32>
    %dot_general3A_60 = arith.constant dense<0.000000e+00> : vector<64x32xf32>
    %dot_general3A_61 = tpu.matmul %max3A_56, %get3A_59, %dot_general3A_60 {dimension_numbers = #tpu.dot_dimension_numbers<[1], [0], [0], [1], [0, 0, 1, 1], [], []>, transpose_lhs_hint = false} : vector<64x64xf32>, vector<64x32xf32>, vector<64x32xf32> -> vector<64x32xf32>
    %get3A_62 = arith.constant 0 : index
    %get3A_63 = arith.constant 0 : index
    %get3A_64 = vector.load %arg12[%get3A_62, %get3A_63] : memref<1x32xf32, #tpu.memory_space<vmem>>, vector<1x32xf32>
    %add3A_65 = vector.broadcast %get3A_64 : vector<1x32xf32> to vector<64x32xf32>
    %add3A_66 = arith.addf %dot_general3A_61, %add3A_65 : vector<64x32xf32>
    %max3A_67 = arith.constant 0.000000e+00 : f32
    %max3A_68 = vector.broadcast %max3A_67 : f32 to vector<64x32xf32>
    %max3A_69 = arith.maximumf %add3A_66, %max3A_68 : vector<64x32xf32>
    %get3A_70 = arith.constant 0 : index
    %get3A_71 = arith.constant 0 : index
    %get3A_72 = vector.load %arg13[%get3A_70, %get3A_71] : memref<32x1xf32, #tpu.memory_space<vmem>>, vector<32x1xf32>
    %dot_general3A_73 = arith.constant dense<0.000000e+00> : vector<64x1xf32>
    %dot_general3A_74 = tpu.matmul %max3A_69, %get3A_72, %dot_general3A_73 {dimension_numbers = #tpu.dot_dimension_numbers<[1], [0], [0], [1], [0, 0, 1, 1], [], []>, transpose_lhs_hint = false} : vector<64x32xf32>, vector<32x1xf32>, vector<64x1xf32> -> vector<64x1xf32>
    %get3A_75 = arith.constant 0 : index
    %get3A_76 = arith.constant 0 : index
    %get3A_77 = vector.load %arg14[%get3A_75, %get3A_76] : memref<1x1xf32, #tpu.memory_space<vmem>>, vector<1x1xf32>
    %add3A_78 = vector.broadcast %get3A_77 : vector<1x1xf32> to vector<64x1xf32>
    %add3A_79 = arith.addf %dot_general3A_74, %add3A_78 : vector<64x1xf32>
    %swap3A = arith.constant 0 : index
    %swap3A_80 = arith.constant 0 : index
    %swap3A_81 = vector.load %arg15[%swap3A, %swap3A_80] : memref<64x1xf32, #tpu.memory_space<vmem>>, vector<64x1xf32>
    tpu.vector_store %arg15[%swap3A, %swap3A_80], %add3A_79 {strides = array<i32>} : memref<64x1xf32, #tpu.memory_space<vmem>>, vector<64x1xf32>,
    return
  }
  func.func @transform_0(%arg0: i32) -> (i32, i32) {
    %c0_i32 = arith.constant 0 : i32
    %c0_i32_0 = arith.constant 0 : i32
    %c0_i32_1 = arith.constant 0 : i32
    return %c0_i32, %c0_i32_0 : i32, i32
  }
  func.func @transform_1(%arg0: i32) -> (i32, i32) {
    %c0_i32 = arith.constant 0 : i32
    %c0_i32_0 = arith.constant 0 : i32
    %c0_i32_1 = arith.constant 0 : i32
    return %c0_i32, %c0_i32_0 : i32, i32
  }
  func.func @transform_2(%arg0: i32) -> (i32, i32) {
    %c0_i32 = arith.constant 0 : i32
    %c0_i32_0 = arith.constant 0 : i32
    %c0_i32_1 = arith.constant 0 : i32
    return %c0_i32, %c0_i32_0 : i32, i32
  }
  func.func @transform_3(%arg0: i32) -> (i32, i32) {
    %c0_i32 = arith.constant 0 : i32
    %c0_i32_0 = arith.constant 0 : i32
    %c0_i32_1 = arith.constant 0 : i32
    return %c0_i32, %c0_i32_0 : i32, i32
  }
  func.func @transform_4(%arg0: i32) -> (i32, i32) {
    %c0_i32 = arith.constant 0 : i32
    %c0_i32_0 = arith.constant 0 : i32
    %c0_i32_1 = arith.constant 0 : i32
    return %c0_i32, %c0_i32_0 : i32, i32
  }
  func.func @transform_5(%arg0: i32) -> (i32, i32) {
    %c0_i32 = arith.constant 0 : i32
    %c0_i32_0 = arith.constant 0 : i32
    %c0_i32_1 = arith.constant 0 : i32
    return %c0_i32, %c0_i32_0 : i32, i32
  }
  func.func @transform_6(%arg0: i32) -> (i32, i32) {
    %c0_i32 = arith.constant 0 : i32
    %c0_i32_0 = arith.constant 0 : i32
    %c0_i32_1 = arith.constant 0 : i32
    return %c0_i32, %c0_i32_0 : i32, i32
  }
  func.func @transform_7(%arg0: i32) -> (i32, i32) {
    %c0_i32 = arith.constant 0 : i32
    %c0_i32_0 = arith.constant 0 : i32
    %c0_i32_1 = arith.constant 0 : i32
    return %c0_i32, %c0_i32_0 : i32, i32
  }
  func.func @transform_8(%arg0: i32) -> (i32, i32) {
    %c0_i32 = arith.constant 0 : i32
    %c0_i32_0 = arith.constant 0 : i32
    %c0_i32_1 = arith.constant 0 : i32
    return %c0_i32, %c0_i32_0 : i32, i32
  }
  func.func @transform_9(%arg0: i32) -> (i32, i32) {
    %c0_i32 = arith.constant 0 : i32
    %c0_i32_0 = arith.constant 0 : i32
    %c0_i32_1 = arith.constant 0 : i32
    return %c0_i32, %c0_i32_0 : i32, i32
  }
  func.func @transform_10(%arg0: i32) -> (i32, i32) {
    %c0_i32 = arith.constant 0 : i32
    %c0_i32_0 = arith.constant 0 : i32
    %c0_i32_1 = arith.constant 0 : i32
    return %c0_i32, %c0_i32_0 : i32, i32
  }
  func.func @transform_11(%arg0: i32) -> (i32, i32) {
    %c0_i32 = arith.constant 0 : i32
    %c0_i32_0 = arith.constant 0 : i32
    %c0_i32_1 = arith.constant 0 : i32
    return %c0_i32, %c0_i32_0 : i32, i32
  }
  func.func @transform_12(%arg0: i32) -> (i32, i32) {
    %c0_i32 = arith.constant 0 : i32
    %c0_i32_0 = arith.constant 0 : i32
    %c0_i32_1 = arith.constant 0 : i32
    return %c0_i32, %c0_i32_0 : i32, i32
  }
  func.func @transform_13(%arg0: i32) -> (i32, i32) {
    %c0_i32 = arith.constant 0 : i32
    %c0_i32_0 = arith.constant 0 : i32
    %c0_i32_1 = arith.constant 0 : i32
    return %c0_i32, %c0_i32_0 : i32, i32
  }
  func.func @transform_14(%arg0: i32) -> (i32, i32) {
    %c0_i32 = arith.constant 0 : i32
    %c0_i32_0 = arith.constant 0 : i32
    %c0_i32_1 = arith.constant 0 : i32
    return %c0_i32, %c0_i32_0 : i32, i32
  }
}

</mosaic_0001>

<sc_bundles>
// kernel: kernel.11.cloned.1.call-start
scs
__scs_entry_jumppad:
0x0: {  	(pc) =	sbr.rel $0x88, $3  }
0x1: {  	(tag) =	ssettag $0x0;
	lr =	simm.s32 $0x1  }
0x2: {  	[smem:$0x3F8C] =	sst lr;
	_ =	strace $0xD0000000  }
0x3: {  	_ = 	snop  }
0x4: {  	_ = 	snop  }
0x5: {  	_ = 	snop  }
0x6: {  	_ = 	snop  }
0x7: {  	_ = 	snop  }
__scs_overlays_trampoline_lowered:
0x8: {  	[smem:$0x3F9B] =	sst s0  }
0x9: {  	[smem:$0x3F9C] =	sst s1  }
0xa: {  	[smem:$0x3F9D] =	sst s2  }
0xb: {  	[smem:$0x3F9E] =	sst s3  }
0xc: {  	[smem:$0x3F9F] =	sst s4  }
0xd: {  	[smem:$0x3FA0] =	sst s5  }
0xe: {  	[smem:$0x3FA1] =	sst s6  }
0xf: {  	[smem:$0x3FA2] =	sst s7  }
0x10: {  	[smem:$0x3FA3] =	sst s8  }
0x11: {  	[smem:$0x3FA4] =	sst s9;
	s0 =	simm.s32 @!p0 $0x0  }
0x12: {  	s1 =	sld [smem:$0x3F8A];
	s0 =	simm.s32 @p0 $0x1  }
0x13: {  	[smem:$0x3FA5] =	sst s0;
	s0 =	simm.s32 @!p1 $0x0  }
0x14: {  	s2 =	sld [smem:$0x3F89];
	s0 =	simm.s32 @p1 $0x1  }
0x15: {  	[smem:$0x3FA6] =	sst s0;
	s0 =	simm.s32 @!p2 $0x0  }
0x16: {  	s3 =	sld [smem:$0x3FDB];
	s0 =	simm.s32 @p2 $0x1  }
0x17: {  	s4 =	simm.s32 $0x1BF5;
	[smem:$0x3FA8] =	sst s0  }
0x18: {  	s0 =	sld [smem:$0x3F8B];
	_ =	swait.ge [sflag:s4], $0x0  }
0x19: {  	s7 =	sld [smem:$0x3F8C]  }
0x1a: {  	s8 =	sadd.s32 $0xFFFFE003, lr  }
0x1b: {  	s9 =	sadd.s32 $0xFFFFFEF7, lr;
	s5 =	simm.s32 $0xFFFFFFFF;
	p2 =	slt.u32 s8, $0xFFFFF086  }
0x1c: {  	p1 =	slt.u32 s9, $0xF7A;
	s5 =	simm.s32 @!p2 $0x0  }
0x1d: {  	s5 =	simm.s32 @p1 $0x1;
	p0 =	seq.s32 s7, s2  }
0x1e: {  	s7 =	smul.u32 @!p0 $0xF7A, s2;
	p2 =	seq.s32 @!p0 s5, $0x0  }
0x1f: {  	s9 =	smul.u32 $0xF7A, s1;
	s8 =	simm.s32 @!p0 $0x1BF5;
	p2 =	por !p2, p0  }
0x20: {  	[sflag:s8] =	ssyncset.s32 @!p0 $0xFFFFF086;
	s6 =	sadd.s32 @!p0 s3, s7;
	s7 =	simm.s32 @!p0 $0x108  }
0x21: {  	s3 =	sadd.s32 s3, s9;
	s6 =	sadd.s32 @!p0 $0x88, s6;
	s7 =	simm.s32 @p2 $0x1082  }
0x22: {  	[simem:s7], [sflag:s8] =	dma.local @!p0 [hbm:s6], $0xF7A  }
0x23: {  	s9 =	sor.u32 $0xD0000000, s2;
	s6 =	simm.s32 $0x108;
	_ =	swait.ge @!p0 [sflag:s8], $0x0  }
0x24: {  	s3 =	sadd.s32 $0x88, s3;
	s6 =	simm.s32 @!p1 $0x1082;
	[sflag:s4] =	ssyncset.s32 $0xFFFFF086  }
0x25: {  	[simem:s6], [sflag:s4] =	dma.local [hbm:s3], $0xF7A  }
0x26: {  	[smem:$0x3F8C] =	sst s1;
	(tag) =	ssettag s2;
	_ =	strace s9  }
0x27: {  	s1 =	sld [smem:$0x3F9C]  }
0x28: {  	s2 =	sld [smem:$0x3F9D]  }
0x29: {  	s4 =	sld [smem:$0x3F9F]  }
0x2a: {  	p0 =	seq.s32 s5, $0x0;
	s5 =	sld [smem:$0x3FA0]  }
0x2b: {  	s6 =	sld [smem:$0x3FA1]  }
0x2c: {  	s7 =	sld [smem:$0x3FA2]  }
0x2d: {  	s3 =	simm.s32 $0x108;
	s8 =	sld [smem:$0x3FA3]  }
0x2e: {  	s3 =	simm.s32 @!p0 $0x1082;
	s9 =	sld [smem:$0x3FA4]  }
0x2f: {  	lr =	sadd.s32 s0, s3;
	s0 =	sld [smem:$0x3F9B]  }
0x30: {  	s3 =	sld [smem:$0x3F9E]  }
0x31: {  	[smem:$0x3FA7] =	sst s10  }
0x32: {  	s10 =	sld [smem:$0x3FA5];
	_ =	sdelay $0x3  }
0x33: {  	p0 =	seq.s32 s10, $0x1;
	s10 =	sld [smem:$0x3FA7];
	_ =	sdelay $0x3  }
0x34: {  	[smem:$0x3FA7] =	sst s10  }
0x35: {  	s10 =	sld [smem:$0x3FA6];
	_ =	sdelay $0x3  }
0x36: {  	p1 =	seq.s32 s10, $0x1;
	s10 =	sld [smem:$0x3FA7];
	_ =	sdelay $0x3  }
0x37: {  	[smem:$0x3FA7] =	sst s10  }
0x38: {  	s10 =	sld [smem:$0x3FA8]  }
0x39: {  	_ = 	snop;
	(pc) =	sbr.ind lr, $3  }
0x3a: {  	_ = 	snop  }
0x3b: {  	_ = 	snop  }
0x3c: {  	p2 =	seq.s32 s10, $0x1;
	s10 =	sld [smem:$0x3FA7]  }
0x3d: {  	_ =	shalt  }
0x3e: {  	_ =	shalt  }
0x3f: {  	_ =	shalt  }
0x40: {  	_ =	shalt  }
0x41: {  	_ =	shalt  }
0x42: {  	_ =	shalt  }
0x43: {  	_ =	shalt  }
0x44: {  	_ =	shalt  }
0x45: {  	_ =	shalt  }
0x46: {  	_ =	shalt  }
0x47: {  	_ =	shalt  }
0x48: {  	_ =	shalt  }
0x49: {  	_ =	shalt  }
0x4a: {  	_ =	shalt  }
0x4b: {  	_ =	shalt  }
0x4c: {  	_ =	shalt  }
0x4d: {  	_ =	shalt  }
0x4e: {  	_ =	shalt  }
0x4f: {  	_ =	shalt  }
0x50: {  	_ =	shalt  }
0x51: {  	_ =	shalt  }
0x52: {  	_ =	shalt  }
0x53: {  	_ =	shalt  }
0x54: {  	_ =	shalt  }
0x55: {  	_ =	shalt  }
0x56: {  	_ =	shalt  }
0x57: {  	_ =	shalt  }
0x58: {  	_ =	shalt  }
0x59: {  	_ =	shalt  }
0x5a: {  	_ =	shalt  }
0x5b: {  	_ =	shalt  }
0x5c: {  	_ =	shalt  }
0x5d: {  	_ =	shalt  }
0x5e: {  	_ =	shalt  }
0x5f: {  	_ =	shalt  }
0x60: {  	_ =	shalt  }
0x61: {  	_ =	shalt  }
0x62: {  	_ =	shalt  }
0x63: {  	_ =	shalt  }
0x64: {  	_ =	shalt  }
0x65: {  	_ =	shalt  }
0x66: {  	_ =	shalt  }
0x67: {  	_ =	shalt  }
0x68: {  	_ =	shalt  }
0x69: {  	_ =	shalt  }
0x6a: {  	_ =	shalt  }
0x6b: {  	_ =	shalt  }
0x6c: {  	_ =	shalt  }
0x6d: {  	_ =	shalt  }
0x6e: {  	_ =	shalt  }
0x6f: {  	_ =	shalt  }
0x70: {  	_ =	shalt  }
0x71: {  	_ =	shalt  }
0x72: {  	_ =	shalt  }
0x73: {  	_ =	shalt  }
0x74: {  	_ =	shalt  }
0x75: {  	_ =	shalt  }
0x76: {  	_ =	shalt  }
0x77: {  	_ =	shalt  }
0x78: {  	_ =	shalt  }
0x79: {  	_ =	shalt  }
0x7a: {  	_ =	shalt  }
0x7b: {  	_ =	shalt  }
0x7c: {  	_ =	shalt  }
0x7d: {  	_ =	shalt  }
0x7e: {  	_ =	shalt  }
0x7f: {  	_ =	shalt  }
0x80: {  	_ =	shalt  }
0x81: {  	_ =	shalt  }
0x82: {  	_ =	shalt  }
0x83: {  	_ =	shalt  }
0x84: {  	_ =	shalt  }
0x85: {  	_ =	shalt  }
0x86: {  	_ =	shalt  }
0x87: {  	_ =	shalt  }
.Lfunc_end0:
.L_simem_size_0:
called_computation_lowered:
.L_overlay_start_0:
0x88: {  	s2 =	sld [smem:$0x3FD9]  }
0x89: {  	s3 =	sld [smem:$0x3FFE];
	_ =	sdelay $0x1  }
0x8a: {  	s1 =	srdreg.scid  }
0x8b: {  	s0 =	sand.u32 $0x1, s1  }
0x8c: {  	s16 =	sshll.u32 s0, $0xA;
	s2 =	sadd.s32 s3, s2  }
0x8d: {  	s2 =	sadd.s32 s2, s16  }
0x8e: {  	[smem:$0x3FB3] =	sst s2  }
0x8f: {  	_ = 	snop  }
0x90: {  	(tm) =	ssettm $0x1  }
0x91: {  	s17 =	sld [smem:$0x3FFB];
	_ =	sdelay $0x3  }
0x92: {  	_ =	strace s17  }
0x93: {  	s2 =	sld [smem:$0x3FFC];
	_ =	sdelay $0x3  }
0x94: {  	_ =	strace s2  }
0x95: {  	s2 =	sld [smem:$0x3FFD];
	_ =	sdelay $0x3  }
0x96: {  	_ =	strace s2  }
0x97: {  	_ =	strace $0x8FFFFFFF  }
0x98: {  	s18 =	sld [smem:$0x3FDB];
	_ =	sdelay $0x1  }
0x99: {  	s19 =	simm.s32 $_scs_section_size  }
0x9a: {  	s4 =	simm.s32 $_size__tile_overlayer_lowered;
	s5 =	simm.s32 $_tile_overlayer_lowered  }
0x9b: {  	s22 =	simm.s32 $0x1BFF;
	s21 =	sshll.u32 s5, $0x1;
	s2 =	sadd.s32 s19, s18  }
0x9c: {  	s6 =	simm.s32 $0x0;
	s20 =	sshll.u32 s4, $0x1;
	s4 =	sadd.s32 s21, s2  }
0x9d: {  	[timem:s6], [sflag:s22] =	dma.local [hbm:s4], s20  }
0x9e: {  	_ =	swait.ge [sflag:s22], s20  }
0x9f: {  	s3 =	ssub.s32 $0x0, s20;
	[sflag:s22] =	ssyncset.done $0x0  }
0xa0: {  	[sflag:s22] =	ssyncadd.s32 s3;
	_ =	sdelay $0x1  }
0xa1: {  	s23 =	simm.s32 $0x1B8B  }
0xa2: {  	_ =	swait.ge [sflag:s23], $0x1  }
0xa3: {  	[sflag:s23] =	ssyncset.done $0x0  }
0xa4: {  	s25 =	simm.s32 $0x1B8E;
	s24 =	sld [smem:$0x3FFE];
	[sflag:s23] =	ssyncadd.s32 $0xFFFFFFFF  }
0xa5: {  	s26 =	simm.s32 $execute0_lowered;
	[smem:$0x3FD2] =	sst s25  }
0xa6: {  	s4 =	sshll.u32 s26, $0x1;
	_ =	strace $0x80000046;
	[dreg:$0x1] =	wrdreg $0xFFFFFFFF  }
0xa7: {  	s28 =	simm.s32 $_size_execute0_lowered;
	s2 =	sadd.s32 s2, s4;
	[dreg:$0x0] =	wrdreg $0x0  }
0xa8: {  	s4 =	sshll.u32 s28, $0x1;
	[dreg:$0x2] =	wrdreg s2  }
0xa9: {  	[dreg:$0x3] =	wrdreg s4  }
0xaa: {  	[dreg:$0x4] =	wrdreg $0xC0  }
0xab: {  	_ =	task [dreg:s6], $0x5FFFF  }
0xac: {  	[dreg:$0x1] =	wrdreg $0xFFFFFFFF  }
0xad: {  	[dreg:$0x0] =	wrdreg $0x60  }
0xae: {  	[dreg:$0x2] =	wrdreg s24  }
0xaf: {  	[dreg:$0x3] =	wrdreg $0x6C000  }
0xb0: {  	[dreg:$0x4] =	wrdreg $0x9  }
0xb1: {  	_ =	task.clear_ibuf [dreg:s6], $0x5FFFF;
	_ =	strace $0x90000046  }
0xb2: {  	s29 =	simm.s32 $0x9;
	_ =	strace $0x80000048  }
0xb3: {  	_ =	swait.ge [sflag:s29], $0x1  }
0xb4: {  	[sflag:s29] =	ssyncadd.s32 $0xFFFFFFFF  }
0xb5: {  	_ =	strace $0x90000048  }
0xb6: {  	_ =	sfence  }
0xb7: {  	s30 =	sld [smem:$0x0];
	_ =	sdelay $0x2  }
0xb8: {  	s31 =	sshll.u32 s1, $0xD;
	s1 =	sshrl.u32 s1, $0x2  }
0xb9: {  	s3 =	sand.u32 $0x4000, s31;
	s1 =	sadd.s32 s1, s30  }
0xba: {  	s0 =	sor.u32 s3, s0;
	s1 =	sshll.u32 s1, $0x11  }
0xbb: {  	s0 =	sor.u32 s1, s0  }
0xbc: {  	s0 =	sadd.s32 $0x8F2B, s0  }
0xbd: {  	[sflag:s0] =	ssyncadd.remote.s32 $0x1  }
0xbe: {  	_ =	sfence.sel $0xFFFF  }
0xbf: {  	[dreg:$0x0] =	wrdreg $0xFFFFFFFF;
	(pc) =	sbr.abs _section_cstart, $3  }
0xc0: {  	[dreg:$0x1] =	wrdreg $0xFFFFFFFF  }
0xc1: {  	_ =	task.clear_ibuf [dreg:s6], $0x2FFFF;
	_ =	strace $0x9FFFFFFF  }
0xc2: {  	(tm) =	ssettm $0x7FFFFFFF  }
0xc3: {  	_ =	shalt  }
tec
execute0_lowered:
.L_overlay_start_1:
0x0: {  	(tag) =	ssettag $0x1  }
0x1: {  	s6 =	rddreg [dreg:$0x0]  }
0x2: {  	s0 =	srdreg.scid;
	s2 =	rddreg [dreg:$0x1]  }
0x3: {  	s3 =	simm.s32 $0x0;
	s5 =	sand.u32 $0x1, s0;
	s0 =	stileid.u32  }
0x4: {  	s14 =	simm.s32 $0x1;
	s15 =	simm.s32 $0x0;
	s7 =	smul.u32 $0x14000, s0  }
0x5: {  	[smem:$0x7FF] =	sst s3;
	s1 =	sshll.u32 s5, $0x4;
	s8 =	smul.u32 $0x140000, s5  }
0x6: {  	s5 =	ssub.s32 $0x2, s5;
	s28 =	smul.u32 $0x50000, s0;
	s1 =	sor.u32 s0, s1  }
0x7: {  	s31 =	sshll.u32 s0, $0x6;
	s29 =	sshrl.u32 s5, $0x1;
	s4 =	smul.u32 $0x580, s1  }
0x8: {  	s1 =	rddreg [dreg:$0x2];
	_ =	strace $0x80000047;
	s10 =	sshrl.u32 s7, $0x3  }
0x9: {  	s7 =	sadd.s32 s7, s8;
	s12 =	ssub.s32 s5, s29;
	s30 =	sshrl.u32 s28, $0x2  }
0xa: {  	s7 =	sshrl.u32 s7, $0x3;
	s10 =	sadd.s32 s10, s6;
	s13 =	sadd.s32 s30, s2  }
0xb: {  	s9 =	sadd.s32 s4, s6;
	s4 =	sadd.s32 $0x40E00, s6;
	s11 =	sadd.s32 s7, s6  }
0xc: {  	s5 =	sadd.s32 $0x18E00, s10;
	s6 =	sor.u32 $0x1C02, s31;
	s10 =	sshrl.u32 s13, $0x3  }
0xd: {  	s13 =	simm.s32 $0x80;
	s7 =	sadd.s32 $0xDE00, s9;
	s8 =	sadd.s32 $0x41600, s11  }
0xe: {  	s9 =	smax.u32 s12, $0x1;
	s11 =	simm.s32 $0x2;
	s12 =	simm.s32 $0x2C00  }
.LBB2_1:
0xf: {  	[spmem:s10], [sflag:s6] =	dma.local [hbm:s5], $0x2800  }
0x10: {  	_ =	swait.ge [sflag:s11], $0x2800  }
0x11: {  	[sflag:s11] =	ssyncset.done $0x0  }
0x12: {  	[sflag:s11] =	ssyncadd.s32 $0xFFFFD800  }
0x13: {  	[tilespmem:s3], [sflag:$0x2] =	stream.linear.gather [hbm4b:s7+s3], $0x2880, $0x38;
	[tilespmem:$0x1AC00] =	vst v63  }
0x14: {  	_ =	swait.ge [sflag:s11], $0x2880  }
0x15: {  	[sflag:s11] =	ssyncset.done $0x0  }
0x16: {  	[sflag:s11] =	ssyncadd.s32 $0xFFFFD780  }
0x17: {  	[tilespmem:s12], [sflag:$0x2] =	stream.linear.gather [hbm4b:s4+s3], $0x4000, $0x38;
	[tilespmem:$0x1AC00] =	vst v63  }
0x18: {  	_ =	swait.ge [sflag:s11], $0x4000  }
0x19: {  	[sflag:s11] =	ssyncset.done $0x0  }
0x1a: {  	p0 =	por $0x1, $0x1;
	[sflag:s11] =	ssyncadd.s32 $0xFFFFC000  }
0x1b: {  	s18 =	simm.s32 @!p0 $0x1;
	[bflag:$0x0] =	sbarrier.arrive $0xFFFF  }
0x1c: {  	[spmem:s2] =	stream.indirect.scatter.add.f32 [tilespmem:s12], [sflag:$0x1], $0x80, s3, s13, $0xb8;
	[tilespmem:$0x1AC00] =	vst v63  }
0x1d: {  	_ =	swait.ge @!p0 [sflag:s18], $0x4000  }
0x1e: {  	s16 =	simm.s32 $0x1;
	s17 =	simm.s32 $0x0;
	[sflag:s18] =	ssyncset.done @!p0 $0x0  }
.LBB2_2:
0x1f: {  	[sflag:s18] =	ssyncadd.s32 @!p0 $0xFFFFC000  }
0x20: {  	s17 =	sadd.s32 $0x80, s17;
	s18 =	smov.u32 s16;
	s16 =	sadd.s32 $0x1, s16  }
0x21: {  	p1 =	sne.s32 s16, $0x51  }
0x22: {  	[spmem:s2] =	stream.indirect.scatter.add.f32 [tilespmem:s12], [sflag:$0x1], $0x80, s17, s13, $0xb8;
	[tilespmem:$0x1AC00] =	vst v63  }
.Ltmp0:
0x23: {  	_ = 	snop;
	(pc) =	sbr.rel @p1 .LBB2_2-.Ltmp0, $4  }
0x24: {  	p0 =	slt.u32 s18, $0x8  }
0x25: {  	s18 =	simm.s32 @!p0 $0x1  }
0x26: {  	_ =	swait.ge @!p0 [sflag:s18], $0x4000  }
0x27: {  	[sflag:s18] =	ssyncset.done @!p0 $0x0  }
0x28: {  	[sflag:s18] =	ssyncadd.s32 @!p0 $0xFFFFC000  }
0x29: {  	_ =	swait.ge [sflag:s14], $0x4000  }
0x2a: {  	[sflag:s14] =	ssyncset.done $0x0  }
0x2b: {  	[sflag:s14] =	ssyncadd.s32 $0xFFFFC000  }
0x2c: {  	_ =	swait.ge [sflag:s14], $0x4000  }
0x2d: {  	[sflag:s14] =	ssyncset.done $0x0  }
0x2e: {  	[sflag:s14] =	ssyncadd.s32 $0xFFFFC000  }
0x2f: {  	_ =	swait.ge [sflag:s14], $0x4000  }
0x30: {  	[sflag:s14] =	ssyncset.done $0x0  }
0x31: {  	[sflag:s14] =	ssyncadd.s32 $0xFFFFC000  }
0x32: {  	_ =	swait.ge [sflag:s14], $0x4000  }
0x33: {  	[sflag:s14] =	ssyncset.done $0x0  }
0x34: {  	[sflag:s14] =	ssyncadd.s32 $0xFFFFC000  }
0x35: {  	_ =	swait.ge [sflag:s14], $0x4000  }
0x36: {  	[sflag:s14] =	ssyncset.done $0x0  }
0x37: {  	[sflag:s14] =	ssyncadd.s32 $0xFFFFC000  }
0x38: {  	_ =	swait.ge [sflag:s14], $0x4000  }
0x39: {  	[sflag:s14] =	ssyncset.done $0x0  }
0x3a: {  	[sflag:s14] =	ssyncadd.s32 $0xFFFFC000  }
0x3b: {  	_ =	swait.ge [sflag:s14], $0x4000  }
0x3c: {  	[sflag:s14] =	ssyncset.done $0x0  }
0x3d: {  	[sflag:s14] =	ssyncadd.s32 $0xFFFFC000  }
0x3e: {  	_ =	swait.ge [sflag:s14], $0x4000  }
0x3f: {  	s15 =	sadd.s32 $0x1, s15;
	[sflag:s14] =	ssyncset.done $0x0  }
0x40: {  	p0 =	sne.s32 s15, s9;
	[sflag:s14] =	ssyncadd.s32 $0xFFFFC000  }
.Ltmp1:
0x41: {  	[bflag:$0x0] =	sbarrier.arrive $0xFFFF;
	(pc) =	sbr.rel @p0 .LBB2_1-.Ltmp1, $4  }
0x42: {  	[hbm:s8], [sflag:s6] =	dma.local [spmem:s10], $0x2800  }
0x43: {  	_ =	swait.ge [sflag:s11], $0x2800  }
0x44: {  	[sflag:s11] =	ssyncset.done $0x0  }
0x45: {  	[sflag:s11] =	ssyncadd.s32 $0xFFFFD800  }
0x46: {  	_ =	sfence.sel $0x180000  }
0x47: {  	[bflag:$0x0] =	sbarrier.arrive $0xFFFF  }
0x48: {  	p0 =	sne.s32 s0, $0x0;
	_ =	strace $0x90000047  }
0x49: {  	s0 =	sadd.s32 @!p0 $0x100000, s1;
	[bflag:$0x2] =	sbarrier.arrive $0xFFFF  }
0x4a: {  	[sflag:s0] =	ssyncadd.tile.s32 @!p0 $0x1;
	_ =	shalt  }
.Lfunc_end2:
_tile_overlayer_lowered:
.L_overlay_start_2:
0x4b: {  	(tag) =	ssettag $0x2  }
0x4c: {  	s0 =	rddreg [dreg:$0x0];
	s2 =	stileid.u32  }
0x4d: {  	s1 =	rddreg [dreg:$0x1];
	p0 =	sne.s32 s2, $0x0  }
0x4e: {  	s3 =	rddreg [dreg:$0x2];
	[bflag:$0x3] =	sbarrier.arrive $0xFFFF;
	s2 =	simm.s32 @!p0 $0x1C02  }
0x4f: {  	[timem:s3], [sflag:s2] =	dma.local @!p0 [hbm:s0], s1  }
0x50: {  	s0 =	simm.s32 @!p0 $0x2  }
0x51: {  	_ =	swait.ge @!p0 [sflag:s0], s1  }
0x52: {  	s1 =	ssub.s32 @!p0 $0x0, s1;
	[sflag:s0] =	ssyncset.done @!p0 $0x0  }
0x53: {  	[sflag:s0] =	ssyncadd.s32 @!p0 s1  }
0x54: {  	[bflag:$0x3] =	sbarrier.arrive $0xFFFF  }
0x55: {  	_ =	shalt  }

// kernel: kernel.14.cloned.1.call-start
scs
__scs_entry_jumppad:
0x0: {  	(pc) =	sbr.rel $0x88, $3  }
0x1: {  	(tag) =	ssettag $0x0;
	lr =	simm.s32 $0x1  }
0x2: {  	[smem:$0x3F8C] =	sst lr;
	_ =	strace $0xD0000000  }
0x3: {  	_ = 	snop  }
0x4: {  	_ = 	snop  }
0x5: {  	_ = 	snop  }
0x6: {  	_ = 	snop  }
0x7: {  	_ = 	snop  }
__scs_overlays_trampoline_lowered:
0x8: {  	[smem:$0x3F9B] =	sst s0  }
0x9: {  	[smem:$0x3F9C] =	sst s1  }
0xa: {  	[smem:$0x3F9D] =	sst s2  }
0xb: {  	[smem:$0x3F9E] =	sst s3  }
0xc: {  	[smem:$0x3F9F] =	sst s4  }
0xd: {  	[smem:$0x3FA0] =	sst s5  }
0xe: {  	[smem:$0x3FA1] =	sst s6  }
0xf: {  	[smem:$0x3FA2] =	sst s7  }
0x10: {  	[smem:$0x3FA3] =	sst s8  }
0x11: {  	[smem:$0x3FA4] =	sst s9;
	s0 =	simm.s32 @!p0 $0x0  }
0x12: {  	s1 =	sld [smem:$0x3F8A];
	s0 =	simm.s32 @p0 $0x1  }
0x13: {  	[smem:$0x3FA5] =	sst s0;
	s0 =	simm.s32 @!p1 $0x0  }
0x14: {  	s2 =	sld [smem:$0x3F89];
	s0 =	simm.s32 @p1 $0x1  }
0x15: {  	[smem:$0x3FA6] =	sst s0;
	s0 =	simm.s32 @!p2 $0x0  }
0x16: {  	s3 =	sld [smem:$0x3FDB];
	s0 =	simm.s32 @p2 $0x1  }
0x17: {  	s4 =	simm.s32 $0x1BF5;
	[smem:$0x3FA8] =	sst s0  }
0x18: {  	s0 =	sld [smem:$0x3F8B];
	_ =	swait.ge [sflag:s4], $0x0  }
0x19: {  	s7 =	sld [smem:$0x3F8C]  }
0x1a: {  	s8 =	sadd.s32 $0xFFFFE003, lr  }
0x1b: {  	s9 =	sadd.s32 $0xFFFFFEF7, lr;
	s5 =	simm.s32 $0xFFFFFFFF;
	p2 =	slt.u32 s8, $0xFFFFF086  }
0x1c: {  	p1 =	slt.u32 s9, $0xF7A;
	s5 =	simm.s32 @!p2 $0x0  }
0x1d: {  	s5 =	simm.s32 @p1 $0x1;
	p0 =	seq.s32 s7, s2  }
0x1e: {  	s7 =	smul.u32 @!p0 $0xF7A, s2;
	p2 =	seq.s32 @!p0 s5, $0x0  }
0x1f: {  	s9 =	smul.u32 $0xF7A, s1;
	s8 =	simm.s32 @!p0 $0x1BF5;
	p2 =	por !p2, p0  }
0x20: {  	[sflag:s8] =	ssyncset.s32 @!p0 $0xFFFFF086;
	s6 =	sadd.s32 @!p0 s3, s7;
	s7 =	simm.s32 @!p0 $0x108  }
0x21: {  	s3 =	sadd.s32 s3, s9;
	s6 =	sadd.s32 @!p0 $0x88, s6;
	s7 =	simm.s32 @p2 $0x1082  }
0x22: {  	[simem:s7], [sflag:s8] =	dma.local @!p0 [hbm:s6], $0xF7A  }
0x23: {  	s9 =	sor.u32 $0xD0000000, s2;
	s6 =	simm.s32 $0x108;
	_ =	swait.ge @!p0 [sflag:s8], $0x0  }
0x24: {  	s3 =	sadd.s32 $0x88, s3;
	s6 =	simm.s32 @!p1 $0x1082;
	[sflag:s4] =	ssyncset.s32 $0xFFFFF086  }
0x25: {  	[simem:s6], [sflag:s4] =	dma.local [hbm:s3], $0xF7A  }
0x26: {  	[smem:$0x3F8C] =	sst s1;
	(tag) =	ssettag s2;
	_ =	strace s9  }
0x27: {  	s1 =	sld [smem:$0x3F9C]  }
0x28: {  	s2 =	sld [smem:$0x3F9D]  }
0x29: {  	s4 =	sld [smem:$0x3F9F]  }
0x2a: {  	p0 =	seq.s32 s5, $0x0;
	s5 =	sld [smem:$0x3FA0]  }
0x2b: {  	s6 =	sld [smem:$0x3FA1]  }
0x2c: {  	s7 =	sld [smem:$0x3FA2]  }
0x2d: {  	s3 =	simm.s32 $0x108;
	s8 =	sld [smem:$0x3FA3]  }
0x2e: {  	s3 =	simm.s32 @!p0 $0x1082;
	s9 =	sld [smem:$0x3FA4]  }
0x2f: {  	lr =	sadd.s32 s0, s3;
	s0 =	sld [smem:$0x3F9B]  }
0x30: {  	s3 =	sld [smem:$0x3F9E]  }
0x31: {  	[smem:$0x3FA7] =	sst s10  }
0x32: {  	s10 =	sld [smem:$0x3FA5];
	_ =	sdelay $0x3  }
0x33: {  	p0 =	seq.s32 s10, $0x1;
	s10 =	sld [smem:$0x3FA7];
	_ =	sdelay $0x3  }
0x34: {  	[smem:$0x3FA7] =	sst s10  }
0x35: {  	s10 =	sld [smem:$0x3FA6];
	_ =	sdelay $0x3  }
0x36: {  	p1 =	seq.s32 s10, $0x1;
	s10 =	sld [smem:$0x3FA7];
	_ =	sdelay $0x3  }
0x37: {  	[smem:$0x3FA7] =	sst s10  }
0x38: {  	s10 =	sld [smem:$0x3FA8]  }
0x39: {  	_ = 	snop;
	(pc) =	sbr.ind lr, $3  }
0x3a: {  	_ = 	snop  }
0x3b: {  	_ = 	snop  }
0x3c: {  	p2 =	seq.s32 s10, $0x1;
	s10 =	sld [smem:$0x3FA7]  }
0x3d: {  	_ =	shalt  }
0x3e: {  	_ =	shalt  }
0x3f: {  	_ =	shalt  }
0x40: {  	_ =	shalt  }
0x41: {  	_ =	shalt  }
0x42: {  	_ =	shalt  }
0x43: {  	_ =	shalt  }
0x44: {  	_ =	shalt  }
0x45: {  	_ =	shalt  }
0x46: {  	_ =	shalt  }
0x47: {  	_ =	shalt  }
0x48: {  	_ =	shalt  }
0x49: {  	_ =	shalt  }
0x4a: {  	_ =	shalt  }
0x4b: {  	_ =	shalt  }
0x4c: {  	_ =	shalt  }
0x4d: {  	_ =	shalt  }
0x4e: {  	_ =	shalt  }
0x4f: {  	_ =	shalt  }
0x50: {  	_ =	shalt  }
0x51: {  	_ =	shalt  }
0x52: {  	_ =	shalt  }
0x53: {  	_ =	shalt  }
0x54: {  	_ =	shalt  }
0x55: {  	_ =	shalt  }
0x56: {  	_ =	shalt  }
0x57: {  	_ =	shalt  }
0x58: {  	_ =	shalt  }
0x59: {  	_ =	shalt  }
0x5a: {  	_ =	shalt  }
0x5b: {  	_ =	shalt  }
0x5c: {  	_ =	shalt  }
0x5d: {  	_ =	shalt  }
0x5e: {  	_ =	shalt  }
0x5f: {  	_ =	shalt  }
0x60: {  	_ =	shalt  }
0x61: {  	_ =	shalt  }
0x62: {  	_ =	shalt  }
0x63: {  	_ =	shalt  }
0x64: {  	_ =	shalt  }
0x65: {  	_ =	shalt  }
0x66: {  	_ =	shalt  }
0x67: {  	_ =	shalt  }
0x68: {  	_ =	shalt  }
0x69: {  	_ =	shalt  }
0x6a: {  	_ =	shalt  }
0x6b: {  	_ =	shalt  }
0x6c: {  	_ =	shalt  }
0x6d: {  	_ =	shalt  }
0x6e: {  	_ =	shalt  }
0x6f: {  	_ =	shalt  }
0x70: {  	_ =	shalt  }
0x71: {  	_ =	shalt  }
0x72: {  	_ =	shalt  }
0x73: {  	_ =	shalt  }
0x74: {  	_ =	shalt  }
0x75: {  	_ =	shalt  }
0x76: {  	_ =	shalt  }
0x77: {  	_ =	shalt  }
0x78: {  	_ =	shalt  }
0x79: {  	_ =	shalt  }
0x7a: {  	_ =	shalt  }
0x7b: {  	_ =	shalt  }
0x7c: {  	_ =	shalt  }
0x7d: {  	_ =	shalt  }
0x7e: {  	_ =	shalt  }
0x7f: {  	_ =	shalt  }
0x80: {  	_ =	shalt  }
0x81: {  	_ =	shalt  }
0x82: {  	_ =	shalt  }
0x83: {  	_ =	shalt  }
0x84: {  	_ =	shalt  }
0x85: {  	_ =	shalt  }
0x86: {  	_ =	shalt  }
0x87: {  	_ =	shalt  }
.Lfunc_end0:
.L_simem_size_0:
called_computation.1_lowered:
.L_overlay_start_0:
0x88: {  	s2 =	sld [smem:$0x3FD9]  }
0x89: {  	s3 =	sld [smem:$0x3FFE];
	_ =	sdelay $0x1  }
0x8a: {  	s1 =	srdreg.scid  }
0x8b: {  	s0 =	sand.u32 $0x1, s1  }
0x8c: {  	s16 =	sshll.u32 s0, $0xA;
	s2 =	sadd.s32 s3, s2  }
0x8d: {  	s2 =	sadd.s32 s2, s16  }
0x8e: {  	[smem:$0x3FB3] =	sst s2  }
0x8f: {  	_ = 	snop  }
0x90: {  	(tm) =	ssettm $0x1  }
0x91: {  	s17 =	sld [smem:$0x3FFB];
	_ =	sdelay $0x3  }
0x92: {  	_ =	strace s17  }
0x93: {  	s2 =	sld [smem:$0x3FFC];
	_ =	sdelay $0x3  }
0x94: {  	_ =	strace s2  }
0x95: {  	s2 =	sld [smem:$0x3FFD];
	_ =	sdelay $0x3  }
0x96: {  	_ =	strace s2  }
0x97: {  	_ =	strace $0x8FFFFFFF  }
0x98: {  	s18 =	sld [smem:$0x3FDB];
	_ =	sdelay $0x1  }
0x99: {  	s19 =	simm.s32 $_scs_section_size  }
0x9a: {  	s4 =	simm.s32 $_size__tile_overlayer_lowered;
	s5 =	simm.s32 $_tile_overlayer_lowered  }
0x9b: {  	s22 =	simm.s32 $0x1BFF;
	s21 =	sshll.u32 s5, $0x1;
	s2 =	sadd.s32 s19, s18  }
0x9c: {  	s6 =	simm.s32 $0x0;
	s20 =	sshll.u32 s4, $0x1;
	s4 =	sadd.s32 s21, s2  }
0x9d: {  	[timem:s6], [sflag:s22] =	dma.local [hbm:s4], s20  }
0x9e: {  	_ =	swait.ge [sflag:s22], s20  }
0x9f: {  	s3 =	ssub.s32 $0x0, s20;
	[sflag:s22] =	ssyncset.done $0x0  }
0xa0: {  	[sflag:s22] =	ssyncadd.s32 s3;
	_ =	sdelay $0x1  }
0xa1: {  	s23 =	simm.s32 $0x1B8B  }
0xa2: {  	_ =	swait.ge [sflag:s23], $0x1  }
0xa3: {  	[sflag:s23] =	ssyncset.done $0x0  }
0xa4: {  	s25 =	simm.s32 $0x1B8E;
	s24 =	sld [smem:$0x3FFE];
	[sflag:s23] =	ssyncadd.s32 $0xFFFFFFFF  }
0xa5: {  	s26 =	simm.s32 $execute0_lowered;
	[smem:$0x3FD2] =	sst s25  }
0xa6: {  	s4 =	sshll.u32 s26, $0x1;
	_ =	strace $0x80000049;
	[dreg:$0x1] =	wrdreg $0xFFFFFFFF  }
0xa7: {  	s28 =	simm.s32 $_size_execute0_lowered;
	s2 =	sadd.s32 s2, s4;
	[dreg:$0x0] =	wrdreg $0x0  }
0xa8: {  	s4 =	sshll.u32 s28, $0x1;
	[dreg:$0x2] =	wrdreg s2  }
0xa9: {  	[dreg:$0x3] =	wrdreg s4  }
0xaa: {  	[dreg:$0x4] =	wrdreg $0xC0  }
0xab: {  	_ =	task [dreg:s6], $0x5FFFF  }
0xac: {  	[dreg:$0x1] =	wrdreg $0xFFFFFFFF  }
0xad: {  	[dreg:$0x0] =	wrdreg $0x60  }
0xae: {  	[dreg:$0x2] =	wrdreg s24  }
0xaf: {  	[dreg:$0x3] =	wrdreg $0xB8000  }
0xb0: {  	[dreg:$0x4] =	wrdreg $0x9  }
0xb1: {  	_ =	task.clear_ibuf [dreg:s6], $0x5FFFF;
	_ =	strace $0x90000049  }
0xb2: {  	s29 =	simm.s32 $0x9;
	_ =	strace $0x8000004B  }
0xb3: {  	_ =	swait.ge [sflag:s29], $0x1  }
0xb4: {  	[sflag:s29] =	ssyncadd.s32 $0xFFFFFFFF  }
0xb5: {  	_ =	strace $0x9000004B  }
0xb6: {  	_ =	sfence  }
0xb7: {  	s30 =	sld [smem:$0x0];
	_ =	sdelay $0x2  }
0xb8: {  	s31 =	sshll.u32 s1, $0xD;
	s1 =	sshrl.u32 s1, $0x2  }
0xb9: {  	s3 =	sand.u32 $0x4000, s31;
	s1 =	sadd.s32 s1, s30  }
0xba: {  	s0 =	sor.u32 s3, s0;
	s1 =	sshll.u32 s1, $0x11  }
0xbb: {  	s0 =	sor.u32 s1, s0  }
0xbc: {  	s0 =	sadd.s32 $0x8F2B, s0  }
0xbd: {  	[sflag:s0] =	ssyncadd.remote.s32 $0x1  }
0xbe: {  	_ =	sfence.sel $0xFFFF  }
0xbf: {  	[dreg:$0x0] =	wrdreg $0xFFFFFFFF;
	(pc) =	sbr.abs _section_cstart, $3  }
0xc0: {  	[dreg:$0x1] =	wrdreg $0xFFFFFFFF  }
0xc1: {  	_ =	task.clear_ibuf [dreg:s6], $0x2FFFF;
	_ =	strace $0x9FFFFFFF  }
0xc2: {  	(tm) =	ssettm $0x7FFFFFFF  }
0xc3: {  	_ =	shalt  }
tec
execute0_lowered:
.L_overlay_start_1:
0x0: {  	(tag) =	ssettag $0x1  }
0x1: {  	s0 =	srdreg.scid;
	s5 =	rddreg [dreg:$0x0]  }
0x2: {  	s21 =	stileid.u32;
	s2 =	rddreg [dreg:$0x1];
	s16 =	simm.s32 $0x3  }
0x3: {  	s17 =	simm.s32 $0x800;
	s18 =	simm.s32 $0x80;
	s7 =	smul.u32 $0x14000, s21  }
0x4: {  	s19 =	simm.s32 $0x3800;
	s1 =	sand.u32 $0x1, s0;
	s25 =	smul.u32 $0x50000, s21  }
0x5: {  	s14 =	sadd.s32 $0x9D600, s5;
	s26 =	smul.u32 $0x3000, s21;
	s28 =	sshll.u32 s21, $0x6  }
0x6: {  	s3 =	sshll.u32 s1, $0x4;
	s8 =	smul.u32 $0x140000, s1;
	s23 =	ssub.s32 $0x2, s1  }
0x7: {  	p0 =	seq.s32 s1, $0x0;
	s1 =	smul.u32 $0x30000, s1;
	s4 =	sor.u32 s21, s3  }
0x8: {  	s3 =	simm.s32 $0x0;
	s22 =	sshrl.u32 s7, $0x3;
	s24 =	sshrl.u32 s23, $0x1  }
0x9: {  	s21 =	simm.s32 $0x1;
	s6 =	smul.u32 $0x3000, s4;
	[smem:$0x7FF] =	sst s3  }
0xa: {  	s4 =	sadd.s32 $0x40E00, s5;
	s7 =	sadd.s32 s7, s8;
	s12 =	ssub.s32 s23, s24  }
0xb: {  	s1 =	sadd.s32 s26, s1;
	s23 =	simm.s32 $0x0;
	_ =	strace $0x8000004A  }
0xc: {  	s7 =	sshrl.u32 s7, $0x3;
	s13 =	sor.u32 $0x180, s1;
	s1 =	sor.u32 $0x100, s1  }
0xd: {  	s9 =	sshrl.u32 s6, $0x3;
	s6 =	sadd.s32 s22, s5;
	s11 =	sadd.s32 s7, s5  }
0xe: {  	s7 =	sshrl.u32 s25, $0x2;
	s13 =	sshrl.u32 s13, $0x3;
	s1 =	sshrl.u32 s1, $0x3  }
0xf: {  	s22 =	simm.s32 $0x2;
	s10 =	sadd.s32 s9, s5;
	s5 =	simm.s32 $0x5F  }
0x10: {  	s15 =	sadd.s32 s7, s2;
	s29 =	sadd.s32 $0x18E00, s6;
	s7 =	sor.u32 $0x1C03, s28  }
0x11: {  	s9 =	sadd.s32 s14, s9;
	s31 =	sadd.s32 s13, s14;
	s14 =	sadd.s32 s1, s14  }
0x12: {  	s5 =	simm.s32 @!p0 $0x43;
	[dreg:$0x3] =	wrdreg s29;
	s30 =	sadd.s32 $0x91600, s10  }
0x13: {  	s10 =	sadd.s32 $0xA9600, s11;
	s11 =	smax.u32 s12, $0x1;
	s12 =	ssub.s32 $0x10, s31  }
0x14: {  	s15 =	sshrl.u32 s15, $0x3;
	[dreg:$0x4] =	wrdreg s30;
	s13 =	sshll.u32 s5, $0x9  }
.LBB2_1:
0x15: {  	s0 =	rddreg [dreg:$0x3]  }
0x16: {  	[spmem:s15], [sflag:s7] =	dma.local [hbm:s0], $0x2800  }
0x17: {  	_ =	swait.ge [sflag:s16], $0x2800  }
0x18: {  	[sflag:s16] =	ssyncset.done $0x0  }
0x19: {  	s6 =	rddreg [dreg:$0x4];
	[sflag:s16] =	ssyncadd.s32 $0xFFFFD800  }
0x1a: {  	[tilespmem:s17], [sflag:$0x3] =	stream.linear.gather [hbm4b:s6+s3], $0x2F80, $0x38;
	[tilespmem:$0x1F800] =	vst v63  }
0x1b: {  	_ =	swait.ge [sflag:s16], $0x2F80  }
0x1c: {  	[sflag:s16] =	ssyncset.done $0x0  }
0x1d: {  	[sflag:s16] =	ssyncadd.s32 $0xFFFFD080  }
0x1e: {  	[tilespmem:s3], [sflag:$0x3] =	stream.linear.gather [hbm4b:s9+s3], $0x400, $0x38;
	[tilespmem:$0x1F800] =	vst v63  }
0x1f: {  	_ =	swait.ge [sflag:s16], $0x400  }
0x20: {  	[sflag:s16] =	ssyncset.done $0x0  }
0x21: {  	[sflag:s16] =	ssyncadd.s32 $0xFFFFFC00  }
0x22: {  	[bflag:$0x0] =	sbarrier.arrive $0xFFFF  }
0x23: {  	[tilespmem:s19], [sflag:$0x1] =	stream.indirect.gather [hbm4b:s4+s18], $0x80, s3, s18, $0xb8;
	[tilespmem:$0x1F800] =	vst v63  }
0x24: {  	s8 =	simm.s32 $0x7800  }
0x25: {  	[tilespmem:s8], [sflag:$0x1] =	stream.indirect.gather [hbm4b:s4+s18], $0x80, s18, s18, $0xb8;
	[tilespmem:$0x1F800] =	vst v63  }
0x26: {  	s1 =	simm.s32 $0x400;
	s28 =	simm.s32 $0x20000;
	_ =	swait.ge [sflag:s21], $0x4000  }
0x27: {  	s24 =	simm.s32 $0x600;
	p0 =	sne.s32 s13, $0x600;
	[sflag:s21] =	ssyncset.done $0x0  }
0x28: {  	s29 =	sand.u32 $0x7, s22;
	s25 =	simm.s32 $0x3;
	[sflag:s21] =	ssyncadd.s32 $0xFFFFC000  }
0x29: {  	[spmem:s2] =	stream.indirect.scatter.add.f32 [tilespmem:s19], [sflag:$0x2], $0x80, s17, s18, $0xb8;
	[tilespmem:$0x1F800] =	vst v63  }
0x2a: {  	s26 =	sadd.s32 $0x10, s14;
	p1 =	sne.s32 s29, $0x0;
	_ =	swait.ge [sflag:s22], $0x4000  }
0x2b: {  	s29 =	sshll.u32 s29, $0x7;
	s30 =	sand.u32 @!p1 $0x1000, s1;
	[sflag:s22] =	ssyncset.done $0x0  }
0x2c: {  	s31 =	simm.s32 @!p1 $0x0;
	s30 =	sshrl.u32 @!p1 s30, $0x2;
	[sflag:s22] =	ssyncadd.s32 $0xFFFFC000  }
0x2d: {  	[tilespmem:s30], [sflag:$0x3] =	stream.linear.gather @!p1 [hbm4b:s14+s31], $0x400, $0x38;
	[tilespmem:$0x1F800] =	vst v63  }
0x2e: {  	s28 =	sand.u32 $0x10000, s28;
	s1 =	sand.u32 $0x1000, s1;
	s30 =	simm.s32 @!p1 $0x3  }
0x2f: {  	s28 =	sshrl.u32 s28, $0x2;
	s1 =	sshrl.u32 s1, $0x2;
	_ =	swait.ge @!p1 [sflag:s30], $0x400  }
0x30: {  	s1 =	sor.u32 s29, s1;
	s31 =	simm.s32 $0x10000;
	[sflag:s30] =	ssyncset.done @!p1 $0x0  }
.Ltmp0:
0x31: {  	[sflag:s30] =	ssyncadd.s32 @!p1 $0xFFFFFC00;
	s30 =	sor.u32 $0x3800, s28;
	(pc) =	sbr.rel @!p0 .LBB2_3-.Ltmp0, $4  }
0x32: {  	[tilespmem:s30], [sflag:$0x1] =	stream.indirect.gather [hbm4b:s4+s18], $0x80, s1, s18, $0xb8;
	[tilespmem:$0x1F800] =	vst v63  }
0x33: {  	s29 =	sadd.s32 $0xFFFFFFF0, s12;
	s20 =	sand.u32 $0x10000, s31;
	_ =	swait.ge [sflag:s21], $0x4000  }
0x34: {  	s28 =	simm.s32 $0x30000;
	s1 =	sshrl.u32 s20, $0x2;
	[sflag:s21] =	ssyncset.done $0x0  }
0x35: {  	s31 =	sor.u32 $0x3800, s1;
	s1 =	simm.s32 $0x880;
	[sflag:s21] =	ssyncadd.s32 $0xFFFFC000  }
.LBB2_2:
0x36: {  	[spmem:s2] =	stream.indirect.scatter.add.f32 [tilespmem:s31], [sflag:$0x2], $0x80, s1, s18, $0xb8;
	[tilespmem:$0x1F800] =	vst v63  }
0x37: {  	s1 =	smov.u32 s24;
	s24 =	sadd.s32 $0x200, s24;
	s30 =	smov.u32 s25  }
0x38: {  	s31 =	smov.u32 s26;
	p0 =	sne.s32 s13, s24  }
0x39: {  	s25 =	sadd.s32 $0x1, s25;
	s26 =	sadd.s32 $0x10, s26  }
0x3a: {  	s0 =	sadd.s32 $0xFFFF0000, s28;
	s29 =	sadd.s32 $0xFFFFFFF0, s29;
	s30 =	sand.u32 $0x7, s30  }
0x3b: {  	p1 =	sne.s32 s30, $0x0;
	s20 =	sshll.u32 s30, $0x7;
	_ =	swait.ge [sflag:s22], $0x4000  }
0x3c: {  	s30 =	sand.u32 @!p1 $0x1000, s1;
	s6 =	simm.s32 @!p1 $0x0;
	[sflag:s22] =	ssyncset.done $0x0  }
0x3d: {  	s8 =	simm.s32 @!p1 $0x3;
	s30 =	sshrl.u32 @!p1 s30, $0x2;
	[sflag:s22] =	ssyncadd.s32 $0xFFFFC000  }
0x3e: {  	[tilespmem:s30], [sflag:$0x3] =	stream.linear.gather @!p1 [hbm4b:s31+s6], $0x400, $0x38;
	[tilespmem:$0x1F800] =	vst v63  }
0x3f: {  	s6 =	sand.u32 $0x10000, s28  }
0x40: {  	s30 =	sand.u32 $0x1000, s1;
	_ =	swait.ge @!p1 [sflag:s8], $0x400;
	s6 =	sshrl.u32 s6, $0x2  }
0x41: {  	s31 =	sshrl.u32 s30, $0x2;
	[sflag:s8] =	ssyncset.done @!p1 $0x0;
	s30 =	sor.u32 $0x3800, s6  }
.Ltmp1:
0x42: {  	s6 =	sor.u32 s20, s31;
	[sflag:s8] =	ssyncadd.s32 @!p1 $0xFFFFFC00;
	(pc) =	sbr.rel @p0 .LBB2_2-.Ltmp1, $4  }
0x43: {  	[tilespmem:s30], [sflag:$0x1] =	stream.indirect.gather [hbm4b:s4+s18], $0x80, s6, s18, $0xb8;
	[tilespmem:$0x1F800] =	vst v63  }
0x44: {  	s0 =	sand.u32 $0x10000, s0;
	s28 =	sadd.s32 $0x10000, s28;
	_ =	swait.ge [sflag:s21], $0x4000  }
0x45: {  	s0 =	sshrl.u32 s0, $0x2;
	s1 =	sshra.s32 s1, $0x2;
	[sflag:s21] =	ssyncset.done $0x0  }
0x46: {  	s1 =	sadd.s32 $0x780, s1;
	s31 =	sor.u32 $0x3800, s0;
	[sflag:s21] =	ssyncadd.s32 $0xFFFFC000  }
.LBB2_3:
0x47: {  	[spmem:s2] =	stream.indirect.scatter.add.f32 [tilespmem:s31], [sflag:$0x2], $0x80, s1, s18, $0xb8;
	[tilespmem:$0x1F800] =	vst v63  }
0x48: {  	p0 =	sge.u32 s25, s5  }
0x49: {  	s0 =	simm.s32 @!p0 $0x2;
	s1 =	sand.u32 @!p0 $0x7, s25  }
0x4a: {  	_ =	swait.ge @!p0 [sflag:s0], $0x4000;
	p1 =	sne.s32 @!p0 s1, $0x0  }
0x4b: {  	[sflag:s0] =	ssyncset.done @!p0 $0x0;
	p1 =	por p1, p0  }
0x4c: {  	[sflag:s0] =	ssyncadd.s32 @!p0 $0xFFFFC000;
	s0 =	sand.u32 @!p1 $0x1000, s24  }
0x4d: {  	s6 =	ssub.s32 @!p1 $0x0, s29;
	s8 =	simm.s32 @!p1 $0x0;
	s0 =	sshrl.u32 @!p1 s0, $0x2  }
0x4e: {  	[tilespmem:s0], [sflag:$0x3] =	stream.linear.gather @!p1 [hbm4b:s6+s8], $0x400, $0x38;
	[tilespmem:$0x1F800] =	vst v63  }
0x4f: {  	s0 =	simm.s32 @!p1 $0x3  }
0x50: {  	_ =	swait.ge @!p1 [sflag:s0], $0x400  }
0x51: {  	[sflag:s0] =	ssyncset.done @!p1 $0x0  }
0x52: {  	s6 =	sand.u32 @!p0 $0x1000, s24;
	[sflag:s0] =	ssyncadd.s32 @!p1 $0xFFFFFC00;
	s0 =	sand.u32 @!p0 $0x10000, s28  }
0x53: {  	s1 =	sshll.u32 @!p0 s1, $0x7;
	s6 =	sshrl.u32 @!p0 s6, $0x2;
	s0 =	sshrl.u32 @!p0 s0, $0x2  }
0x54: {  	s1 =	sor.u32 @!p0 s1, s6;
	s6 =	simm.s32 @!p0 $0x80;
	s0 =	sor.u32 @!p0 $0x3800, s0  }
0x55: {  	[tilespmem:s0], [sflag:$0x1] =	stream.indirect.gather @!p0 [hbm4b:s4+s6], $0x80, s1, s6, $0xb8;
	[tilespmem:$0x1F800] =	vst v63  }
0x56: {  	_ =	swait.ge [sflag:s21], $0x4000  }
0x57: {  	s31 =	sshra.s32 s24, $0x2;
	[sflag:s21] =	ssyncset.done $0x0  }
0x58: {  	s0 =	sadd.s32 $0x780, s31;
	[sflag:s21] =	ssyncadd.s32 $0xFFFFC000  }
0x59: {  	[spmem:s2] =	stream.indirect.scatter.add.f32 [tilespmem:s30], [sflag:$0x2], $0x80, s0, s18, $0xb8;
	[tilespmem:$0x1F800] =	vst v63  }
0x5a: {  	_ =	swait.ge [sflag:s22], $0x4000  }
0x5b: {  	[sflag:s22] =	ssyncset.done $0x0  }
0x5c: {  	[sflag:s22] =	ssyncadd.s32 $0xFFFFC000  }
0x5d: {  	_ =	swait.ge [sflag:s22], $0x4000  }
0x5e: {  	s23 =	sadd.s32 $0x1, s23;
	[sflag:s22] =	ssyncset.done $0x0  }
0x5f: {  	p0 =	sne.s32 s23, s11;
	[sflag:s22] =	ssyncadd.s32 $0xFFFFC000  }
.Ltmp2:
0x60: {  	[bflag:$0x0] =	sbarrier.arrive $0xFFFF;
	(pc) =	sbr.rel @p0 .LBB2_1-.Ltmp2, $4  }
0x61: {  	[hbm:s10], [sflag:s7] =	dma.local [spmem:s15], $0x2800  }
0x62: {  	_ =	swait.ge [sflag:s16], $0x2800  }
0x63: {  	[sflag:s16] =	ssyncset.done $0x0  }
0x64: {  	[sflag:s16] =	ssyncadd.s32 $0xFFFFD800  }
0x65: {  	_ =	sfence.sel $0x180000  }
0x66: {  	[bflag:$0x0] =	sbarrier.arrive $0xFFFF  }
0x67: {  	_ =	strace $0x9000004A  }
0x68: {  	s0 =	stileid.u32;
	[bflag:$0x2] =	sbarrier.arrive $0xFFFF  }
0x69: {  	p0 =	sne.s32 s0, $0x0;
	s0 =	rddreg [dreg:$0x2]  }
0x6a: {  	s0 =	sadd.s32 @!p0 $0x100000, s0  }
0x6b: {  	[sflag:s0] =	ssyncadd.tile.s32 @!p0 $0x1;
	_ =	shalt  }
.Lfunc_end2:
_tile_overlayer_lowered:
.L_overlay_start_2:
0x6c: {  	(tag) =	ssettag $0x2  }
0x6d: {  	s0 =	rddreg [dreg:$0x0];
	s2 =	stileid.u32  }
0x6e: {  	s1 =	rddreg [dreg:$0x1];
	p0 =	sne.s32 s2, $0x0  }
0x6f: {  	s3 =	rddreg [dreg:$0x2];
	[bflag:$0x3] =	sbarrier.arrive $0xFFFF;
	s2 =	simm.s32 @!p0 $0x1C03  }
0x70: {  	[timem:s3], [sflag:s2] =	dma.local @!p0 [hbm:s0], s1  }
0x71: {  	s0 =	simm.s32 @!p0 $0x3  }
0x72: {  	_ =	swait.ge @!p0 [sflag:s0], s1  }
0x73: {  	s1 =	ssub.s32 @!p0 $0x0, s1;
	[sflag:s0] =	ssyncset.done @!p0 $0x0  }
0x74: {  	[sflag:s0] =	ssyncadd.s32 @!p0 s1  }
0x75: {  	[bflag:$0x3] =	sbarrier.arrive $0xFFFF  }
0x76: {  	_ =	shalt  }

// kernel: kernel.17.cloned.1.call-start
scs
__scs_entry_jumppad:
0x0: {  	(pc) =	sbr.rel $0x88, $3  }
0x1: {  	(tag) =	ssettag $0x0;
	lr =	simm.s32 $0x1  }
0x2: {  	[smem:$0x3F8C] =	sst lr;
	_ =	strace $0xD0000000  }
0x3: {  	_ = 	snop  }
0x4: {  	_ = 	snop  }
0x5: {  	_ = 	snop  }
0x6: {  	_ = 	snop  }
0x7: {  	_ = 	snop  }
__scs_overlays_trampoline_lowered:
0x8: {  	[smem:$0x3F9B] =	sst s0  }
0x9: {  	[smem:$0x3F9C] =	sst s1  }
0xa: {  	[smem:$0x3F9D] =	sst s2  }
0xb: {  	[smem:$0x3F9E] =	sst s3  }
0xc: {  	[smem:$0x3F9F] =	sst s4  }
0xd: {  	[smem:$0x3FA0] =	sst s5  }
0xe: {  	[smem:$0x3FA1] =	sst s6  }
0xf: {  	[smem:$0x3FA2] =	sst s7  }
0x10: {  	[smem:$0x3FA3] =	sst s8  }
0x11: {  	[smem:$0x3FA4] =	sst s9;
	s0 =	simm.s32 @!p0 $0x0  }
0x12: {  	s1 =	sld [smem:$0x3F8A];
	s0 =	simm.s32 @p0 $0x1  }
0x13: {  	[smem:$0x3FA5] =	sst s0;
	s0 =	simm.s32 @!p1 $0x0  }
0x14: {  	s2 =	sld [smem:$0x3F89];
	s0 =	simm.s32 @p1 $0x1  }
0x15: {  	[smem:$0x3FA6] =	sst s0;
	s0 =	simm.s32 @!p2 $0x0  }
0x16: {  	s3 =	sld [smem:$0x3FDB];
	s0 =	simm.s32 @p2 $0x1  }
0x17: {  	s4 =	simm.s32 $0x1BF5;
	[smem:$0x3FA8] =	sst s0  }
0x18: {  	s0 =	sld [smem:$0x3F8B];
	_ =	swait.ge [sflag:s4], $0x0  }
0x19: {  	s7 =	sld [smem:$0x3F8C]  }
0x1a: {  	s8 =	sadd.s32 $0xFFFFE003, lr  }
0x1b: {  	s9 =	sadd.s32 $0xFFFFFEF7, lr;
	s5 =	simm.s32 $0xFFFFFFFF;
	p2 =	slt.u32 s8, $0xFFFFF086  }
0x1c: {  	p1 =	slt.u32 s9, $0xF7A;
	s5 =	simm.s32 @!p2 $0x0  }
0x1d: {  	s5 =	simm.s32 @p1 $0x1;
	p0 =	seq.s32 s7, s2  }
0x1e: {  	s7 =	smul.u32 @!p0 $0xF7A, s2;
	p2 =	seq.s32 @!p0 s5, $0x0  }
0x1f: {  	s9 =	smul.u32 $0xF7A, s1;
	s8 =	simm.s32 @!p0 $0x1BF5;
	p2 =	por !p2, p0  }
0x20: {  	[sflag:s8] =	ssyncset.s32 @!p0 $0xFFFFF086;
	s6 =	sadd.s32 @!p0 s3, s7;
	s7 =	simm.s32 @!p0 $0x108  }
0x21: {  	s3 =	sadd.s32 s3, s9;
	s6 =	sadd.s32 @!p0 $0x88, s6;
	s7 =	simm.s32 @p2 $0x1082  }
0x22: {  	[simem:s7], [sflag:s8] =	dma.local @!p0 [hbm:s6], $0xF7A  }
0x23: {  	s9 =	sor.u32 $0xD0000000, s2;
	s6 =	simm.s32 $0x108;
	_ =	swait.ge @!p0 [sflag:s8], $0x0  }
0x24: {  	s3 =	sadd.s32 $0x88, s3;
	s6 =	simm.s32 @!p1 $0x1082;
	[sflag:s4] =	ssyncset.s32 $0xFFFFF086  }
0x25: {  	[simem:s6], [sflag:s4] =	dma.local [hbm:s3], $0xF7A  }
0x26: {  	[smem:$0x3F8C] =	sst s1;
	(tag) =	ssettag s2;
	_ =	strace s9  }
0x27: {  	s1 =	sld [smem:$0x3F9C]  }
0x28: {  	s2 =	sld [smem:$0x3F9D]  }
0x29: {  	s4 =	sld [smem:$0x3F9F]  }
0x2a: {  	p0 =	seq.s32 s5, $0x0;
	s5 =	sld [smem:$0x3FA0]  }
0x2b: {  	s6 =	sld [smem:$0x3FA1]  }
0x2c: {  	s7 =	sld [smem:$0x3FA2]  }
0x2d: {  	s3 =	simm.s32 $0x108;
	s8 =	sld [smem:$0x3FA3]  }
0x2e: {  	s3 =	simm.s32 @!p0 $0x1082;
	s9 =	sld [smem:$0x3FA4]  }
0x2f: {  	lr =	sadd.s32 s0, s3;
	s0 =	sld [smem:$0x3F9B]  }
0x30: {  	s3 =	sld [smem:$0x3F9E]  }
0x31: {  	[smem:$0x3FA7] =	sst s10  }
0x32: {  	s10 =	sld [smem:$0x3FA5];
	_ =	sdelay $0x3  }
0x33: {  	p0 =	seq.s32 s10, $0x1;
	s10 =	sld [smem:$0x3FA7];
	_ =	sdelay $0x3  }
0x34: {  	[smem:$0x3FA7] =	sst s10  }
0x35: {  	s10 =	sld [smem:$0x3FA6];
	_ =	sdelay $0x3  }
0x36: {  	p1 =	seq.s32 s10, $0x1;
	s10 =	sld [smem:$0x3FA7];
	_ =	sdelay $0x3  }
0x37: {  	[smem:$0x3FA7] =	sst s10  }
0x38: {  	s10 =	sld [smem:$0x3FA8]  }
0x39: {  	_ = 	snop;
	(pc) =	sbr.ind lr, $3  }
0x3a: {  	_ = 	snop  }
0x3b: {  	_ = 	snop  }
0x3c: {  	p2 =	seq.s32 s10, $0x1;
	s10 =	sld [smem:$0x3FA7]  }
0x3d: {  	_ =	shalt  }
0x3e: {  	_ =	shalt  }
0x3f: {  	_ =	shalt  }
0x40: {  	_ =	shalt  }
0x41: {  	_ =	shalt  }
0x42: {  	_ =	shalt  }
0x43: {  	_ =	shalt  }
0x44: {  	_ =	shalt  }
0x45: {  	_ =	shalt  }
0x46: {  	_ =	shalt  }
0x47: {  	_ =	shalt  }
0x48: {  	_ =	shalt  }
0x49: {  	_ =	shalt  }
0x4a: {  	_ =	shalt  }
0x4b: {  	_ =	shalt  }
0x4c: {  	_ =	shalt  }
0x4d: {  	_ =	shalt  }
0x4e: {  	_ =	shalt  }
0x4f: {  	_ =	shalt  }
0x50: {  	_ =	shalt  }
0x51: {  	_ =	shalt  }
0x52: {  	_ =	shalt  }
0x53: {  	_ =	shalt  }
0x54: {  	_ =	shalt  }
0x55: {  	_ =	shalt  }
0x56: {  	_ =	shalt  }
0x57: {  	_ =	shalt  }
0x58: {  	_ =	shalt  }
0x59: {  	_ =	shalt  }
0x5a: {  	_ =	shalt  }
0x5b: {  	_ =	shalt  }
0x5c: {  	_ =	shalt  }
0x5d: {  	_ =	shalt  }
0x5e: {  	_ =	shalt  }
0x5f: {  	_ =	shalt  }
0x60: {  	_ =	shalt  }
0x61: {  	_ =	shalt  }
0x62: {  	_ =	shalt  }
0x63: {  	_ =	shalt  }
0x64: {  	_ =	shalt  }
0x65: {  	_ =	shalt  }
0x66: {  	_ =	shalt  }
0x67: {  	_ =	shalt  }
0x68: {  	_ =	shalt  }
0x69: {  	_ =	shalt  }
0x6a: {  	_ =	shalt  }
0x6b: {  	_ =	shalt  }
0x6c: {  	_ =	shalt  }
0x6d: {  	_ =	shalt  }
0x6e: {  	_ =	shalt  }
0x6f: {  	_ =	shalt  }
0x70: {  	_ =	shalt  }
0x71: {  	_ =	shalt  }
0x72: {  	_ =	shalt  }
0x73: {  	_ =	shalt  }
0x74: {  	_ =	shalt  }
0x75: {  	_ =	shalt  }
0x76: {  	_ =	shalt  }
0x77: {  	_ =	shalt  }
0x78: {  	_ =	shalt  }
0x79: {  	_ =	shalt  }
0x7a: {  	_ =	shalt  }
0x7b: {  	_ =	shalt  }
0x7c: {  	_ =	shalt  }
0x7d: {  	_ =	shalt  }
0x7e: {  	_ =	shalt  }
0x7f: {  	_ =	shalt  }
0x80: {  	_ =	shalt  }
0x81: {  	_ =	shalt  }
0x82: {  	_ =	shalt  }
0x83: {  	_ =	shalt  }
0x84: {  	_ =	shalt  }
0x85: {  	_ =	shalt  }
0x86: {  	_ =	shalt  }
0x87: {  	_ =	shalt  }
.Lfunc_end0:
.L_simem_size_0:
called_computation.2_lowered:
.L_overlay_start_0:
0x88: {  	s2 =	sld [smem:$0x3FD9]  }
0x89: {  	s3 =	sld [smem:$0x3FFE];
	_ =	sdelay $0x1  }
0x8a: {  	s1 =	srdreg.scid  }
0x8b: {  	s0 =	sand.u32 $0x1, s1  }
0x8c: {  	s16 =	sshll.u32 s0, $0xA;
	s2 =	sadd.s32 s3, s2  }
0x8d: {  	s2 =	sadd.s32 s2, s16  }
0x8e: {  	[smem:$0x3FB3] =	sst s2  }
0x8f: {  	_ = 	snop  }
0x90: {  	(tm) =	ssettm $0x1  }
0x91: {  	s17 =	sld [smem:$0x3FFB];
	_ =	sdelay $0x3  }
0x92: {  	_ =	strace s17  }
0x93: {  	s2 =	sld [smem:$0x3FFC];
	_ =	sdelay $0x3  }
0x94: {  	_ =	strace s2  }
0x95: {  	s2 =	sld [smem:$0x3FFD];
	_ =	sdelay $0x3  }
0x96: {  	_ =	strace s2  }
0x97: {  	_ =	strace $0x8FFFFFFF  }
0x98: {  	s18 =	sld [smem:$0x3FDB];
	_ =	sdelay $0x1  }
0x99: {  	s19 =	simm.s32 $_scs_section_size  }
0x9a: {  	s4 =	simm.s32 $_size__tile_overlayer_lowered;
	s5 =	simm.s32 $_tile_overlayer_lowered  }
0x9b: {  	s22 =	simm.s32 $0x1BFF;
	s21 =	sshll.u32 s5, $0x1;
	s2 =	sadd.s32 s19, s18  }
0x9c: {  	s6 =	simm.s32 $0x0;
	s20 =	sshll.u32 s4, $0x1;
	s4 =	sadd.s32 s21, s2  }
0x9d: {  	[timem:s6], [sflag:s22] =	dma.local [hbm:s4], s20  }
0x9e: {  	_ =	swait.ge [sflag:s22], s20  }
0x9f: {  	s3 =	ssub.s32 $0x0, s20;
	[sflag:s22] =	ssyncset.done $0x0  }
0xa0: {  	[sflag:s22] =	ssyncadd.s32 s3;
	_ =	sdelay $0x1  }
0xa1: {  	s23 =	simm.s32 $0x1B8B  }
0xa2: {  	_ =	swait.ge [sflag:s23], $0x1  }
0xa3: {  	[sflag:s23] =	ssyncset.done $0x0  }
0xa4: {  	s25 =	simm.s32 $0x1B8E;
	s24 =	sld [smem:$0x3FFE];
	[sflag:s23] =	ssyncadd.s32 $0xFFFFFFFF  }
0xa5: {  	s26 =	simm.s32 $execute0_lowered;
	[smem:$0x3FD2] =	sst s25  }
0xa6: {  	s4 =	sshll.u32 s26, $0x1;
	_ =	strace $0x8000004C;
	[dreg:$0x1] =	wrdreg $0xFFFFFFFF  }
0xa7: {  	s28 =	simm.s32 $_size_execute0_lowered;
	s2 =	sadd.s32 s2, s4;
	[dreg:$0x0] =	wrdreg $0x0  }
0xa8: {  	s4 =	sshll.u32 s28, $0x1;
	[dreg:$0x2] =	wrdreg s2  }
0xa9: {  	[dreg:$0x3] =	wrdreg s4  }
0xaa: {  	[dreg:$0x4] =	wrdreg $0xC0  }
0xab: {  	_ =	task [dreg:s6], $0x5FFFF  }
0xac: {  	[dreg:$0x1] =	wrdreg $0xFFFFFFFF  }
0xad: {  	[dreg:$0x0] =	wrdreg $0x60  }
0xae: {  	[dreg:$0x2] =	wrdreg s24  }
0xaf: {  	[dreg:$0x3] =	wrdreg $0xB8000  }
0xb0: {  	[dreg:$0x4] =	wrdreg $0x9  }
0xb1: {  	_ =	task.clear_ibuf [dreg:s6], $0x5FFFF;
	_ =	strace $0x9000004C  }
0xb2: {  	s29 =	simm.s32 $0x9;
	_ =	strace $0x8000004E  }
0xb3: {  	_ =	swait.ge [sflag:s29], $0x1  }
0xb4: {  	[sflag:s29] =	ssyncadd.s32 $0xFFFFFFFF  }
0xb5: {  	_ =	strace $0x9000004E  }
0xb6: {  	_ =	sfence  }
0xb7: {  	s30 =	sld [smem:$0x0];
	_ =	sdelay $0x2  }
0xb8: {  	s31 =	sshll.u32 s1, $0xD;
	s1 =	sshrl.u32 s1, $0x2  }
0xb9: {  	s3 =	sand.u32 $0x4000, s31;
	s1 =	sadd.s32 s1, s30  }
0xba: {  	s0 =	sor.u32 s3, s0;
	s1 =	sshll.u32 s1, $0x11  }
0xbb: {  	s0 =	sor.u32 s1, s0  }
0xbc: {  	s0 =	sadd.s32 $0x8F2B, s0  }
0xbd: {  	[sflag:s0] =	ssyncadd.remote.s32 $0x1  }
0xbe: {  	_ =	sfence.sel $0xFFFF  }
0xbf: {  	[dreg:$0x0] =	wrdreg $0xFFFFFFFF;
	(pc) =	sbr.abs _section_cstart, $3  }
0xc0: {  	[dreg:$0x1] =	wrdreg $0xFFFFFFFF  }
0xc1: {  	_ =	task.clear_ibuf [dreg:s6], $0x2FFFF;
	_ =	strace $0x9FFFFFFF  }
0xc2: {  	(tm) =	ssettm $0x7FFFFFFF  }
0xc3: {  	_ =	shalt  }
tec
execute0_lowered:
.L_overlay_start_1:
0x0: {  	(tag) =	ssettag $0x1  }
0x1: {  	s0 =	srdreg.scid;
	s5 =	rddreg [dreg:$0x0]  }
0x2: {  	s21 =	stileid.u32;
	s2 =	rddreg [dreg:$0x1];
	s16 =	simm.s32 $0x3  }
0x3: {  	s17 =	simm.s32 $0x800;
	s18 =	simm.s32 $0x80;
	s7 =	smul.u32 $0x14000, s21  }
0x4: {  	s19 =	simm.s32 $0x3800;
	s1 =	sand.u32 $0x1, s0;
	s25 =	smul.u32 $0x50000, s21  }
0x5: {  	s14 =	sadd.s32 $0x9D600, s5;
	s26 =	smul.u32 $0x3000, s21;
	s28 =	sshll.u32 s21, $0x6  }
0x6: {  	s3 =	sshll.u32 s1, $0x4;
	s8 =	smul.u32 $0x140000, s1;
	s23 =	ssub.s32 $0x2, s1  }
0x7: {  	p0 =	seq.s32 s1, $0x0;
	s1 =	smul.u32 $0x30000, s1;
	s4 =	sor.u32 s21, s3  }
0x8: {  	s3 =	simm.s32 $0x0;
	s22 =	sshrl.u32 s7, $0x3;
	s24 =	sshrl.u32 s23, $0x1  }
0x9: {  	s21 =	simm.s32 $0x1;
	s6 =	smul.u32 $0x3000, s4;
	[smem:$0x7FF] =	sst s3  }
0xa: {  	s4 =	sadd.s32 $0x40E00, s5;
	s7 =	sadd.s32 s7, s8;
	s12 =	ssub.s32 s23, s24  }
0xb: {  	s1 =	sadd.s32 s26, s1;
	s23 =	simm.s32 $0x0;
	_ =	strace $0x8000004D  }
0xc: {  	s7 =	sshrl.u32 s7, $0x3;
	s13 =	sor.u32 $0x180, s1;
	s1 =	sor.u32 $0x100, s1  }
0xd: {  	s9 =	sshrl.u32 s6, $0x3;
	s6 =	sadd.s32 s22, s5;
	s11 =	sadd.s32 s7, s5  }
0xe: {  	s7 =	sshrl.u32 s25, $0x2;
	s13 =	sshrl.u32 s13, $0x3;
	s1 =	sshrl.u32 s1, $0x3  }
0xf: {  	s22 =	simm.s32 $0x2;
	s10 =	sadd.s32 s9, s5;
	s5 =	simm.s32 $0x5F  }
0x10: {  	s15 =	sadd.s32 s7, s2;
	s29 =	sadd.s32 $0x18E00, s6;
	s7 =	sor.u32 $0x1C03, s28  }
0x11: {  	s9 =	sadd.s32 s14, s9;
	s31 =	sadd.s32 s13, s14;
	s14 =	sadd.s32 s1, s14  }
0x12: {  	s5 =	simm.s32 @!p0 $0x43;
	[dreg:$0x3] =	wrdreg s29;
	s30 =	sadd.s32 $0x91600, s10  }
0x13: {  	s10 =	sadd.s32 $0xA9600, s11;
	s11 =	smax.u32 s12, $0x1;
	s12 =	ssub.s32 $0x10, s31  }
0x14: {  	s15 =	sshrl.u32 s15, $0x3;
	[dreg:$0x4] =	wrdreg s30;
	s13 =	sshll.u32 s5, $0x9  }
.LBB2_1:
0x15: {  	s0 =	rddreg [dreg:$0x3]  }
0x16: {  	[spmem:s15], [sflag:s7] =	dma.local [hbm:s0], $0x2800  }
0x17: {  	_ =	swait.ge [sflag:s16], $0x2800  }
0x18: {  	[sflag:s16] =	ssyncset.done $0x0  }
0x19: {  	s6 =	rddreg [dreg:$0x4];
	[sflag:s16] =	ssyncadd.s32 $0xFFFFD800  }
0x1a: {  	[tilespmem:s17], [sflag:$0x3] =	stream.linear.gather [hbm4b:s6+s3], $0x2F80, $0x38;
	[tilespmem:$0x1F800] =	vst v63  }
0x1b: {  	_ =	swait.ge [sflag:s16], $0x2F80  }
0x1c: {  	[sflag:s16] =	ssyncset.done $0x0  }
0x1d: {  	[sflag:s16] =	ssyncadd.s32 $0xFFFFD080  }
0x1e: {  	[tilespmem:s3], [sflag:$0x3] =	stream.linear.gather [hbm4b:s9+s3], $0x400, $0x38;
	[tilespmem:$0x1F800] =	vst v63  }
0x1f: {  	_ =	swait.ge [sflag:s16], $0x400  }
0x20: {  	[sflag:s16] =	ssyncset.done $0x0  }
0x21: {  	[sflag:s16] =	ssyncadd.s32 $0xFFFFFC00  }
0x22: {  	[bflag:$0x0] =	sbarrier.arrive $0xFFFF  }
0x23: {  	[tilespmem:s19], [sflag:$0x1] =	stream.indirect.gather [hbm4b:s4+s18], $0x80, s3, s18, $0xb8;
	[tilespmem:$0x1F800] =	vst v63  }
0x24: {  	s8 =	simm.s32 $0x7800  }
0x25: {  	[tilespmem:s8], [sflag:$0x1] =	stream.indirect.gather [hbm4b:s4+s18], $0x80, s18, s18, $0xb8;
	[tilespmem:$0x1F800] =	vst v63  }
0x26: {  	s1 =	simm.s32 $0x400;
	s28 =	simm.s32 $0x20000;
	_ =	swait.ge [sflag:s21], $0x4000  }
0x27: {  	s24 =	simm.s32 $0x600;
	p0 =	sne.s32 s13, $0x600;
	[sflag:s21] =	ssyncset.done $0x0  }
0x28: {  	s29 =	sand.u32 $0x7, s22;
	s25 =	simm.s32 $0x3;
	[sflag:s21] =	ssyncadd.s32 $0xFFFFC000  }
0x29: {  	[spmem:s2] =	stream.indirect.scatter.add.f32 [tilespmem:s19], [sflag:$0x2], $0x80, s17, s18, $0xb8;
	[tilespmem:$0x1F800] =	vst v63  }
0x2a: {  	s26 =	sadd.s32 $0x10, s14;
	p1 =	sne.s32 s29, $0x0;
	_ =	swait.ge [sflag:s22], $0x4000  }
0x2b: {  	s29 =	sshll.u32 s29, $0x7;
	s30 =	sand.u32 @!p1 $0x1000, s1;
	[sflag:s22] =	ssyncset.done $0x0  }
0x2c: {  	s31 =	simm.s32 @!p1 $0x0;
	s30 =	sshrl.u32 @!p1 s30, $0x2;
	[sflag:s22] =	ssyncadd.s32 $0xFFFFC000  }
0x2d: {  	[tilespmem:s30], [sflag:$0x3] =	stream.linear.gather @!p1 [hbm4b:s14+s31], $0x400, $0x38;
	[tilespmem:$0x1F800] =	vst v63  }
0x2e: {  	s28 =	sand.u32 $0x10000, s28;
	s1 =	sand.u32 $0x1000, s1;
	s30 =	simm.s32 @!p1 $0x3  }
0x2f: {  	s28 =	sshrl.u32 s28, $0x2;
	s1 =	sshrl.u32 s1, $0x2;
	_ =	swait.ge @!p1 [sflag:s30], $0x400  }
0x30: {  	s1 =	sor.u32 s29, s1;
	s31 =	simm.s32 $0x10000;
	[sflag:s30] =	ssyncset.done @!p1 $0x0  }
.Ltmp0:
0x31: {  	[sflag:s30] =	ssyncadd.s32 @!p1 $0xFFFFFC00;
	s30 =	sor.u32 $0x3800, s28;
	(pc) =	sbr.rel @!p0 .LBB2_3-.Ltmp0, $4  }
0x32: {  	[tilespmem:s30], [sflag:$0x1] =	stream.indirect.gather [hbm4b:s4+s18], $0x80, s1, s18, $0xb8;
	[tilespmem:$0x1F800] =	vst v63  }
0x33: {  	s29 =	sadd.s32 $0xFFFFFFF0, s12;
	s20 =	sand.u32 $0x10000, s31;
	_ =	swait.ge [sflag:s21], $0x4000  }
0x34: {  	s28 =	simm.s32 $0x30000;
	s1 =	sshrl.u32 s20, $0x2;
	[sflag:s21] =	ssyncset.done $0x0  }
0x35: {  	s31 =	sor.u32 $0x3800, s1;
	s1 =	simm.s32 $0x880;
	[sflag:s21] =	ssyncadd.s32 $0xFFFFC000  }
.LBB2_2:
0x36: {  	[spmem:s2] =	stream.indirect.scatter.add.f32 [tilespmem:s31], [sflag:$0x2], $0x80, s1, s18, $0xb8;
	[tilespmem:$0x1F800] =	vst v63  }
0x37: {  	s1 =	smov.u32 s24;
	s24 =	sadd.s32 $0x200, s24;
	s30 =	smov.u32 s25  }
0x38: {  	s31 =	smov.u32 s26;
	p0 =	sne.s32 s13, s24  }
0x39: {  	s25 =	sadd.s32 $0x1, s25;
	s26 =	sadd.s32 $0x10, s26  }
0x3a: {  	s0 =	sadd.s32 $0xFFFF0000, s28;
	s29 =	sadd.s32 $0xFFFFFFF0, s29;
	s30 =	sand.u32 $0x7, s30  }
0x3b: {  	p1 =	sne.s32 s30, $0x0;
	s20 =	sshll.u32 s30, $0x7;
	_ =	swait.ge [sflag:s22], $0x4000  }
0x3c: {  	s30 =	sand.u32 @!p1 $0x1000, s1;
	s6 =	simm.s32 @!p1 $0x0;
	[sflag:s22] =	ssyncset.done $0x0  }
0x3d: {  	s8 =	simm.s32 @!p1 $0x3;
	s30 =	sshrl.u32 @!p1 s30, $0x2;
	[sflag:s22] =	ssyncadd.s32 $0xFFFFC000  }
0x3e: {  	[tilespmem:s30], [sflag:$0x3] =	stream.linear.gather @!p1 [hbm4b:s31+s6], $0x400, $0x38;
	[tilespmem:$0x1F800] =	vst v63  }
0x3f: {  	s6 =	sand.u32 $0x10000, s28  }
0x40: {  	s30 =	sand.u32 $0x1000, s1;
	_ =	swait.ge @!p1 [sflag:s8], $0x400;
	s6 =	sshrl.u32 s6, $0x2  }
0x41: {  	s31 =	sshrl.u32 s30, $0x2;
	[sflag:s8] =	ssyncset.done @!p1 $0x0;
	s30 =	sor.u32 $0x3800, s6  }
.Ltmp1:
0x42: {  	s6 =	sor.u32 s20, s31;
	[sflag:s8] =	ssyncadd.s32 @!p1 $0xFFFFFC00;
	(pc) =	sbr.rel @p0 .LBB2_2-.Ltmp1, $4  }
0x43: {  	[tilespmem:s30], [sflag:$0x1] =	stream.indirect.gather [hbm4b:s4+s18], $0x80, s6, s18, $0xb8;
	[tilespmem:$0x1F800] =	vst v63  }
0x44: {  	s0 =	sand.u32 $0x10000, s0;
	s28 =	sadd.s32 $0x10000, s28;
	_ =	swait.ge [sflag:s21], $0x4000  }
0x45: {  	s0 =	sshrl.u32 s0, $0x2;
	s1 =	sshra.s32 s1, $0x2;
	[sflag:s21] =	ssyncset.done $0x0  }
0x46: {  	s1 =	sadd.s32 $0x780, s1;
	s31 =	sor.u32 $0x3800, s0;
	[sflag:s21] =	ssyncadd.s32 $0xFFFFC000  }
.LBB2_3:
0x47: {  	[spmem:s2] =	stream.indirect.scatter.add.f32 [tilespmem:s31], [sflag:$0x2], $0x80, s1, s18, $0xb8;
	[tilespmem:$0x1F800] =	vst v63  }
0x48: {  	p0 =	sge.u32 s25, s5  }
0x49: {  	s0 =	simm.s32 @!p0 $0x2;
	s1 =	sand.u32 @!p0 $0x7, s25  }
0x4a: {  	_ =	swait.ge @!p0 [sflag:s0], $0x4000;
	p1 =	sne.s32 @!p0 s1, $0x0  }
0x4b: {  	[sflag:s0] =	ssyncset.done @!p0 $0x0;
	p1 =	por p1, p0  }
0x4c: {  	[sflag:s0] =	ssyncadd.s32 @!p0 $0xFFFFC000;
	s0 =	sand.u32 @!p1 $0x1000, s24  }
0x4d: {  	s6 =	ssub.s32 @!p1 $0x0, s29;
	s8 =	simm.s32 @!p1 $0x0;
	s0 =	sshrl.u32 @!p1 s0, $0x2  }
0x4e: {  	[tilespmem:s0], [sflag:$0x3] =	stream.linear.gather @!p1 [hbm4b:s6+s8], $0x400, $0x38;
	[tilespmem:$0x1F800] =	vst v63  }
0x4f: {  	s0 =	simm.s32 @!p1 $0x3  }
0x50: {  	_ =	swait.ge @!p1 [sflag:s0], $0x400  }
0x51: {  	[sflag:s0] =	ssyncset.done @!p1 $0x0  }
0x52: {  	s6 =	sand.u32 @!p0 $0x1000, s24;
	[sflag:s0] =	ssyncadd.s32 @!p1 $0xFFFFFC00;
	s0 =	sand.u32 @!p0 $0x10000, s28  }
0x53: {  	s1 =	sshll.u32 @!p0 s1, $0x7;
	s6 =	sshrl.u32 @!p0 s6, $0x2;
	s0 =	sshrl.u32 @!p0 s0, $0x2  }
0x54: {  	s1 =	sor.u32 @!p0 s1, s6;
	s6 =	simm.s32 @!p0 $0x80;
	s0 =	sor.u32 @!p0 $0x3800, s0  }
0x55: {  	[tilespmem:s0], [sflag:$0x1] =	stream.indirect.gather @!p0 [hbm4b:s4+s6], $0x80, s1, s6, $0xb8;
	[tilespmem:$0x1F800] =	vst v63  }
0x56: {  	_ =	swait.ge [sflag:s21], $0x4000  }
0x57: {  	s31 =	sshra.s32 s24, $0x2;
	[sflag:s21] =	ssyncset.done $0x0  }
0x58: {  	s0 =	sadd.s32 $0x780, s31;
	[sflag:s21] =	ssyncadd.s32 $0xFFFFC000  }
0x59: {  	[spmem:s2] =	stream.indirect.scatter.add.f32 [tilespmem:s30], [sflag:$0x2], $0x80, s0, s18, $0xb8;
	[tilespmem:$0x1F800] =	vst v63  }
0x5a: {  	_ =	swait.ge [sflag:s22], $0x4000  }
0x5b: {  	[sflag:s22] =	ssyncset.done $0x0  }
0x5c: {  	[sflag:s22] =	ssyncadd.s32 $0xFFFFC000  }
0x5d: {  	_ =	swait.ge [sflag:s22], $0x4000  }
0x5e: {  	s23 =	sadd.s32 $0x1, s23;
	[sflag:s22] =	ssyncset.done $0x0  }
0x5f: {  	p0 =	sne.s32 s23, s11;
	[sflag:s22] =	ssyncadd.s32 $0xFFFFC000  }
.Ltmp2:
0x60: {  	[bflag:$0x0] =	sbarrier.arrive $0xFFFF;
	(pc) =	sbr.rel @p0 .LBB2_1-.Ltmp2, $4  }
0x61: {  	[hbm:s10], [sflag:s7] =	dma.local [spmem:s15], $0x2800  }
0x62: {  	_ =	swait.ge [sflag:s16], $0x2800  }
0x63: {  	[sflag:s16] =	ssyncset.done $0x0  }
0x64: {  	[sflag:s16] =	ssyncadd.s32 $0xFFFFD800  }
0x65: {  	_ =	sfence.sel $0x180000  }
0x66: {  	[bflag:$0x0] =	sbarrier.arrive $0xFFFF  }
0x67: {  	_ =	strace $0x9000004D  }
0x68: {  	s0 =	stileid.u32;
	[bflag:$0x2] =	sbarrier.arrive $0xFFFF  }
0x69: {  	p0 =	sne.s32 s0, $0x0;
	s0 =	rddreg [dreg:$0x2]  }
0x6a: {  	s0 =	sadd.s32 @!p0 $0x100000, s0  }
0x6b: {  	[sflag:s0] =	ssyncadd.tile.s32 @!p0 $0x1;
	_ =	shalt  }
.Lfunc_end2:
_tile_overlayer_lowered:
.L_overlay_start_2:
0x6c: {  	(tag) =	ssettag $0x2  }
0x6d: {  	s0 =	rddreg [dreg:$0x0];
	s2 =	stileid.u32  }
0x6e: {  	s1 =	rddreg [dreg:$0x1];
	p0 =	sne.s32 s2, $0x0  }
0x6f: {  	s3 =	rddreg [dreg:$0x2];
	[bflag:$0x3] =	sbarrier.arrive $0xFFFF;
	s2 =	simm.s32 @!p0 $0x1C03  }
0x70: {  	[timem:s3], [sflag:s2] =	dma.local @!p0 [hbm:s0], s1  }
0x71: {  	s0 =	simm.s32 @!p0 $0x3  }
0x72: {  	_ =	swait.ge @!p0 [sflag:s0], s1  }
0x73: {  	s1 =	ssub.s32 @!p0 $0x0, s1;
	[sflag:s0] =	ssyncset.done @!p0 $0x0  }
0x74: {  	[sflag:s0] =	ssyncadd.s32 @!p0 s1  }
0x75: {  	[bflag:$0x3] =	sbarrier.arrive $0xFFFF  }
0x76: {  	_ =	shalt  }

// kernel: kernel.20.cloned.1.call-start
scs
__scs_entry_jumppad:
0x0: {  	(pc) =	sbr.rel $0x88, $3  }
0x1: {  	(tag) =	ssettag $0x0;
	lr =	simm.s32 $0x1  }
0x2: {  	[smem:$0x3F8C] =	sst lr;
	_ =	strace $0xD0000000  }
0x3: {  	_ = 	snop  }
0x4: {  	_ = 	snop  }
0x5: {  	_ = 	snop  }
0x6: {  	_ = 	snop  }
0x7: {  	_ = 	snop  }
__scs_overlays_trampoline_lowered:
0x8: {  	[smem:$0x3F9B] =	sst s0  }
0x9: {  	[smem:$0x3F9C] =	sst s1  }
0xa: {  	[smem:$0x3F9D] =	sst s2  }
0xb: {  	[smem:$0x3F9E] =	sst s3  }
0xc: {  	[smem:$0x3F9F] =	sst s4  }
0xd: {  	[smem:$0x3FA0] =	sst s5  }
0xe: {  	[smem:$0x3FA1] =	sst s6  }
0xf: {  	[smem:$0x3FA2] =	sst s7  }
0x10: {  	[smem:$0x3FA3] =	sst s8  }
0x11: {  	[smem:$0x3FA4] =	sst s9;
	s0 =	simm.s32 @!p0 $0x0  }
0x12: {  	s1 =	sld [smem:$0x3F8A];
	s0 =	simm.s32 @p0 $0x1  }
0x13: {  	[smem:$0x3FA5] =	sst s0;
	s0 =	simm.s32 @!p1 $0x0  }
0x14: {  	s2 =	sld [smem:$0x3F89];
	s0 =	simm.s32 @p1 $0x1  }
0x15: {  	[smem:$0x3FA6] =	sst s0;
	s0 =	simm.s32 @!p2 $0x0  }
0x16: {  	s3 =	sld [smem:$0x3FDB];
	s0 =	simm.s32 @p2 $0x1  }
0x17: {  	s4 =	simm.s32 $0x1BF5;
	[smem:$0x3FA8] =	sst s0  }
0x18: {  	s0 =	sld [smem:$0x3F8B];
	_ =	swait.ge [sflag:s4], $0x0  }
0x19: {  	s7 =	sld [smem:$0x3F8C]  }
0x1a: {  	s8 =	sadd.s32 $0xFFFFE003, lr  }
0x1b: {  	s9 =	sadd.s32 $0xFFFFFEF7, lr;
	s5 =	simm.s32 $0xFFFFFFFF;
	p2 =	slt.u32 s8, $0xFFFFF086  }
0x1c: {  	p1 =	slt.u32 s9, $0xF7A;
	s5 =	simm.s32 @!p2 $0x0  }
0x1d: {  	s5 =	simm.s32 @p1 $0x1;
	p0 =	seq.s32 s7, s2  }
0x1e: {  	s7 =	smul.u32 @!p0 $0xF7A, s2;
	p2 =	seq.s32 @!p0 s5, $0x0  }
0x1f: {  	s9 =	smul.u32 $0xF7A, s1;
	s8 =	simm.s32 @!p0 $0x1BF5;
	p2 =	por !p2, p0  }
0x20: {  	[sflag:s8] =	ssyncset.s32 @!p0 $0xFFFFF086;
	s6 =	sadd.s32 @!p0 s3, s7;
	s7 =	simm.s32 @!p0 $0x108  }
0x21: {  	s3 =	sadd.s32 s3, s9;
	s6 =	sadd.s32 @!p0 $0x88, s6;
	s7 =	simm.s32 @p2 $0x1082  }
0x22: {  	[simem:s7], [sflag:s8] =	dma.local @!p0 [hbm:s6], $0xF7A  }
0x23: {  	s9 =	sor.u32 $0xD0000000, s2;
	s6 =	simm.s32 $0x108;
	_ =	swait.ge @!p0 [sflag:s8], $0x0  }
0x24: {  	s3 =	sadd.s32 $0x88, s3;
	s6 =	simm.s32 @!p1 $0x1082;
	[sflag:s4] =	ssyncset.s32 $0xFFFFF086  }
0x25: {  	[simem:s6], [sflag:s4] =	dma.local [hbm:s3], $0xF7A  }
0x26: {  	[smem:$0x3F8C] =	sst s1;
	(tag) =	ssettag s2;
	_ =	strace s9  }
0x27: {  	s1 =	sld [smem:$0x3F9C]  }
0x28: {  	s2 =	sld [smem:$0x3F9D]  }
0x29: {  	s4 =	sld [smem:$0x3F9F]  }
0x2a: {  	p0 =	seq.s32 s5, $0x0;
	s5 =	sld [smem:$0x3FA0]  }
0x2b: {  	s6 =	sld [smem:$0x3FA1]  }
0x2c: {  	s7 =	sld [smem:$0x3FA2]  }
0x2d: {  	s3 =	simm.s32 $0x108;
	s8 =	sld [smem:$0x3FA3]  }
0x2e: {  	s3 =	simm.s32 @!p0 $0x1082;
	s9 =	sld [smem:$0x3FA4]  }
0x2f: {  	lr =	sadd.s32 s0, s3;
	s0 =	sld [smem:$0x3F9B]  }
0x30: {  	s3 =	sld [smem:$0x3F9E]  }
0x31: {  	[smem:$0x3FA7] =	sst s10  }
0x32: {  	s10 =	sld [smem:$0x3FA5];
	_ =	sdelay $0x3  }
0x33: {  	p0 =	seq.s32 s10, $0x1;
	s10 =	sld [smem:$0x3FA7];
	_ =	sdelay $0x3  }
0x34: {  	[smem:$0x3FA7] =	sst s10  }
0x35: {  	s10 =	sld [smem:$0x3FA6];
	_ =	sdelay $0x3  }
0x36: {  	p1 =	seq.s32 s10, $0x1;
	s10 =	sld [smem:$0x3FA7];
	_ =	sdelay $0x3  }
0x37: {  	[smem:$0x3FA7] =	sst s10  }
0x38: {  	s10 =	sld [smem:$0x3FA8]  }
0x39: {  	_ = 	snop;
	(pc) =	sbr.ind lr, $3  }
0x3a: {  	_ = 	snop  }
0x3b: {  	_ = 	snop  }
0x3c: {  	p2 =	seq.s32 s10, $0x1;
	s10 =	sld [smem:$0x3FA7]  }
0x3d: {  	_ =	shalt  }
0x3e: {  	_ =	shalt  }
0x3f: {  	_ =	shalt  }
0x40: {  	_ =	shalt  }
0x41: {  	_ =	shalt  }
0x42: {  	_ =	shalt  }
0x43: {  	_ =	shalt  }
0x44: {  	_ =	shalt  }
0x45: {  	_ =	shalt  }
0x46: {  	_ =	shalt  }
0x47: {  	_ =	shalt  }
0x48: {  	_ =	shalt  }
0x49: {  	_ =	shalt  }
0x4a: {  	_ =	shalt  }
0x4b: {  	_ =	shalt  }
0x4c: {  	_ =	shalt  }
0x4d: {  	_ =	shalt  }
0x4e: {  	_ =	shalt  }
0x4f: {  	_ =	shalt  }
0x50: {  	_ =	shalt  }
0x51: {  	_ =	shalt  }
0x52: {  	_ =	shalt  }
0x53: {  	_ =	shalt  }
0x54: {  	_ =	shalt  }
0x55: {  	_ =	shalt  }
0x56: {  	_ =	shalt  }
0x57: {  	_ =	shalt  }
0x58: {  	_ =	shalt  }
0x59: {  	_ =	shalt  }
0x5a: {  	_ =	shalt  }
0x5b: {  	_ =	shalt  }
0x5c: {  	_ =	shalt  }
0x5d: {  	_ =	shalt  }
0x5e: {  	_ =	shalt  }
0x5f: {  	_ =	shalt  }
0x60: {  	_ =	shalt  }
0x61: {  	_ =	shalt  }
0x62: {  	_ =	shalt  }
0x63: {  	_ =	shalt  }
0x64: {  	_ =	shalt  }
0x65: {  	_ =	shalt  }
0x66: {  	_ =	shalt  }
0x67: {  	_ =	shalt  }
0x68: {  	_ =	shalt  }
0x69: {  	_ =	shalt  }
0x6a: {  	_ =	shalt  }
0x6b: {  	_ =	shalt  }
0x6c: {  	_ =	shalt  }
0x6d: {  	_ =	shalt  }
0x6e: {  	_ =	shalt  }
0x6f: {  	_ =	shalt  }
0x70: {  	_ =	shalt  }
0x71: {  	_ =	shalt  }
0x72: {  	_ =	shalt  }
0x73: {  	_ =	shalt  }
0x74: {  	_ =	shalt  }
0x75: {  	_ =	shalt  }
0x76: {  	_ =	shalt  }
0x77: {  	_ =	shalt  }
0x78: {  	_ =	shalt  }
0x79: {  	_ =	shalt  }
0x7a: {  	_ =	shalt  }
0x7b: {  	_ =	shalt  }
0x7c: {  	_ =	shalt  }
0x7d: {  	_ =	shalt  }
0x7e: {  	_ =	shalt  }
0x7f: {  	_ =	shalt  }
0x80: {  	_ =	shalt  }
0x81: {  	_ =	shalt  }
0x82: {  	_ =	shalt  }
0x83: {  	_ =	shalt  }
0x84: {  	_ =	shalt  }
0x85: {  	_ =	shalt  }
0x86: {  	_ =	shalt  }
0x87: {  	_ =	shalt  }
.Lfunc_end0:
.L_simem_size_0:
called_computation.3_lowered:
.L_overlay_start_0:
0x88: {  	s2 =	sld [smem:$0x3FD9]  }
0x89: {  	s3 =	sld [smem:$0x3FFE];
	_ =	sdelay $0x1  }
0x8a: {  	s1 =	srdreg.scid  }
0x8b: {  	s0 =	sand.u32 $0x1, s1  }
0x8c: {  	s16 =	sshll.u32 s0, $0xA;
	s2 =	sadd.s32 s3, s2  }
0x8d: {  	s2 =	sadd.s32 s2, s16  }
0x8e: {  	[smem:$0x3FB3] =	sst s2  }
0x8f: {  	_ = 	snop  }
0x90: {  	(tm) =	ssettm $0x1  }
0x91: {  	s17 =	sld [smem:$0x3FFB];
	_ =	sdelay $0x3  }
0x92: {  	_ =	strace s17  }
0x93: {  	s2 =	sld [smem:$0x3FFC];
	_ =	sdelay $0x3  }
0x94: {  	_ =	strace s2  }
0x95: {  	s2 =	sld [smem:$0x3FFD];
	_ =	sdelay $0x3  }
0x96: {  	_ =	strace s2  }
0x97: {  	_ =	strace $0x8FFFFFFF  }
0x98: {  	s18 =	sld [smem:$0x3FDB];
	_ =	sdelay $0x1  }
0x99: {  	s19 =	simm.s32 $_scs_section_size  }
0x9a: {  	s4 =	simm.s32 $_size__tile_overlayer_lowered;
	s5 =	simm.s32 $_tile_overlayer_lowered  }
0x9b: {  	s22 =	simm.s32 $0x1BFF;
	s21 =	sshll.u32 s5, $0x1;
	s2 =	sadd.s32 s19, s18  }
0x9c: {  	s6 =	simm.s32 $0x0;
	s20 =	sshll.u32 s4, $0x1;
	s4 =	sadd.s32 s21, s2  }
0x9d: {  	[timem:s6], [sflag:s22] =	dma.local [hbm:s4], s20  }
0x9e: {  	_ =	swait.ge [sflag:s22], s20  }
0x9f: {  	s3 =	ssub.s32 $0x0, s20;
	[sflag:s22] =	ssyncset.done $0x0  }
0xa0: {  	[sflag:s22] =	ssyncadd.s32 s3;
	_ =	sdelay $0x1  }
0xa1: {  	s23 =	simm.s32 $0x1B8B  }
0xa2: {  	_ =	swait.ge [sflag:s23], $0x1  }
0xa3: {  	[sflag:s23] =	ssyncset.done $0x0  }
0xa4: {  	s25 =	simm.s32 $0x1B8E;
	s24 =	sld [smem:$0x3FFE];
	[sflag:s23] =	ssyncadd.s32 $0xFFFFFFFF  }
0xa5: {  	s26 =	simm.s32 $execute0_lowered;
	[smem:$0x3FD2] =	sst s25  }
0xa6: {  	s4 =	sshll.u32 s26, $0x1;
	_ =	strace $0x8000004F;
	[dreg:$0x1] =	wrdreg $0xFFFFFFFF  }
0xa7: {  	s28 =	simm.s32 $_size_execute0_lowered;
	s2 =	sadd.s32 s2, s4;
	[dreg:$0x0] =	wrdreg $0x0  }
0xa8: {  	s4 =	sshll.u32 s28, $0x1;
	[dreg:$0x2] =	wrdreg s2  }
0xa9: {  	[dreg:$0x3] =	wrdreg s4  }
0xaa: {  	[dreg:$0x4] =	wrdreg $0xC0  }
0xab: {  	_ =	task [dreg:s6], $0x5FFFF  }
0xac: {  	[dreg:$0x1] =	wrdreg $0xFFFFFFFF  }
0xad: {  	[dreg:$0x0] =	wrdreg $0x60  }
0xae: {  	[dreg:$0x2] =	wrdreg s24  }
0xaf: {  	[dreg:$0x3] =	wrdreg $0xB8000  }
0xb0: {  	[dreg:$0x4] =	wrdreg $0x9  }
0xb1: {  	_ =	task.clear_ibuf [dreg:s6], $0x5FFFF;
	_ =	strace $0x9000004F  }
0xb2: {  	s29 =	simm.s32 $0x9;
	_ =	strace $0x80000051  }
0xb3: {  	_ =	swait.ge [sflag:s29], $0x1  }
0xb4: {  	[sflag:s29] =	ssyncadd.s32 $0xFFFFFFFF  }
0xb5: {  	_ =	strace $0x90000051  }
0xb6: {  	_ =	sfence  }
0xb7: {  	s30 =	sld [smem:$0x0];
	_ =	sdelay $0x2  }
0xb8: {  	s31 =	sshll.u32 s1, $0xD;
	s1 =	sshrl.u32 s1, $0x2  }
0xb9: {  	s3 =	sand.u32 $0x4000, s31;
	s1 =	sadd.s32 s1, s30  }
0xba: {  	s0 =	sor.u32 s3, s0;
	s1 =	sshll.u32 s1, $0x11  }
0xbb: {  	s0 =	sor.u32 s1, s0  }
0xbc: {  	s0 =	sadd.s32 $0x8F2B, s0  }
0xbd: {  	[sflag:s0] =	ssyncadd.remote.s32 $0x1  }
0xbe: {  	_ =	sfence.sel $0xFFFF  }
0xbf: {  	[dreg:$0x0] =	wrdreg $0xFFFFFFFF;
	(pc) =	sbr.abs _section_cstart, $3  }
0xc0: {  	[dreg:$0x1] =	wrdreg $0xFFFFFFFF  }
0xc1: {  	_ =	task.clear_ibuf [dreg:s6], $0x2FFFF;
	_ =	strace $0x9FFFFFFF  }
0xc2: {  	(tm) =	ssettm $0x7FFFFFFF  }
0xc3: {  	_ =	shalt  }
tec
execute0_lowered:
.L_overlay_start_1:
0x0: {  	(tag) =	ssettag $0x1  }
0x1: {  	s0 =	srdreg.scid;
	s5 =	rddreg [dreg:$0x0]  }
0x2: {  	s21 =	stileid.u32;
	s2 =	rddreg [dreg:$0x1];
	s16 =	simm.s32 $0x3  }
0x3: {  	s17 =	simm.s32 $0x800;
	s18 =	simm.s32 $0x80;
	s7 =	smul.u32 $0x14000, s21  }
0x4: {  	s19 =	simm.s32 $0x3800;
	s1 =	sand.u32 $0x1, s0;
	s25 =	smul.u32 $0x50000, s21  }
0x5: {  	s14 =	sadd.s32 $0x9D600, s5;
	s26 =	smul.u32 $0x3000, s21;
	s28 =	sshll.u32 s21, $0x6  }
0x6: {  	s3 =	sshll.u32 s1, $0x4;
	s8 =	smul.u32 $0x140000, s1;
	s23 =	ssub.s32 $0x2, s1  }
0x7: {  	p0 =	seq.s32 s1, $0x0;
	s1 =	smul.u32 $0x30000, s1;
	s4 =	sor.u32 s21, s3  }
0x8: {  	s3 =	simm.s32 $0x0;
	s22 =	sshrl.u32 s7, $0x3;
	s24 =	sshrl.u32 s23, $0x1  }
0x9: {  	s21 =	simm.s32 $0x1;
	s6 =	smul.u32 $0x3000, s4;
	[smem:$0x7FF] =	sst s3  }
0xa: {  	s4 =	sadd.s32 $0x40E00, s5;
	s7 =	sadd.s32 s7, s8;
	s12 =	ssub.s32 s23, s24  }
0xb: {  	s1 =	sadd.s32 s26, s1;
	s23 =	simm.s32 $0x0;
	_ =	strace $0x80000050  }
0xc: {  	s7 =	sshrl.u32 s7, $0x3;
	s13 =	sor.u32 $0x180, s1;
	s1 =	sor.u32 $0x100, s1  }
0xd: {  	s9 =	sshrl.u32 s6, $0x3;
	s6 =	sadd.s32 s22, s5;
	s11 =	sadd.s32 s7, s5  }
0xe: {  	s7 =	sshrl.u32 s25, $0x2;
	s13 =	sshrl.u32 s13, $0x3;
	s1 =	sshrl.u32 s1, $0x3  }
0xf: {  	s22 =	simm.s32 $0x2;
	s10 =	sadd.s32 s9, s5;
	s5 =	simm.s32 $0x5F  }
0x10: {  	s15 =	sadd.s32 s7, s2;
	s29 =	sadd.s32 $0x18E00, s6;
	s7 =	sor.u32 $0x1C03, s28  }
0x11: {  	s9 =	sadd.s32 s14, s9;
	s31 =	sadd.s32 s13, s14;
	s14 =	sadd.s32 s1, s14  }
0x12: {  	s5 =	simm.s32 @!p0 $0x43;
	[dreg:$0x3] =	wrdreg s29;
	s30 =	sadd.s32 $0x91600, s10  }
0x13: {  	s10 =	sadd.s32 $0xA9600, s11;
	s11 =	smax.u32 s12, $0x1;
	s12 =	ssub.s32 $0x10, s31  }
0x14: {  	s15 =	sshrl.u32 s15, $0x3;
	[dreg:$0x4] =	wrdreg s30;
	s13 =	sshll.u32 s5, $0x9  }
.LBB2_1:
0x15: {  	s0 =	rddreg [dreg:$0x3]  }
0x16: {  	[spmem:s15], [sflag:s7] =	dma.local [hbm:s0], $0x2800  }
0x17: {  	_ =	swait.ge [sflag:s16], $0x2800  }
0x18: {  	[sflag:s16] =	ssyncset.done $0x0  }
0x19: {  	s6 =	rddreg [dreg:$0x4];
	[sflag:s16] =	ssyncadd.s32 $0xFFFFD800  }
0x1a: {  	[tilespmem:s17], [sflag:$0x3] =	stream.linear.gather [hbm4b:s6+s3], $0x2F80, $0x38;
	[tilespmem:$0x1F800] =	vst v63  }
0x1b: {  	_ =	swait.ge [sflag:s16], $0x2F80  }
0x1c: {  	[sflag:s16] =	ssyncset.done $0x0  }
0x1d: {  	[sflag:s16] =	ssyncadd.s32 $0xFFFFD080  }
0x1e: {  	[tilespmem:s3], [sflag:$0x3] =	stream.linear.gather [hbm4b:s9+s3], $0x400, $0x38;
	[tilespmem:$0x1F800] =	vst v63  }
0x1f: {  	_ =	swait.ge [sflag:s16], $0x400  }
0x20: {  	[sflag:s16] =	ssyncset.done $0x0  }
0x21: {  	[sflag:s16] =	ssyncadd.s32 $0xFFFFFC00  }
0x22: {  	[bflag:$0x0] =	sbarrier.arrive $0xFFFF  }
0x23: {  	[tilespmem:s19], [sflag:$0x1] =	stream.indirect.gather [hbm4b:s4+s18], $0x80, s3, s18, $0xb8;
	[tilespmem:$0x1F800] =	vst v63  }
0x24: {  	s8 =	simm.s32 $0x7800  }
0x25: {  	[tilespmem:s8], [sflag:$0x1] =	stream.indirect.gather [hbm4b:s4+s18], $0x80, s18, s18, $0xb8;
	[tilespmem:$0x1F800] =	vst v63  }
0x26: {  	s1 =	simm.s32 $0x400;
	s28 =	simm.s32 $0x20000;
	_ =	swait.ge [sflag:s21], $0x4000  }
0x27: {  	s24 =	simm.s32 $0x600;
	p0 =	sne.s32 s13, $0x600;
	[sflag:s21] =	ssyncset.done $0x0  }
0x28: {  	s29 =	sand.u32 $0x7, s22;
	s25 =	simm.s32 $0x3;
	[sflag:s21] =	ssyncadd.s32 $0xFFFFC000  }
0x29: {  	[spmem:s2] =	stream.indirect.scatter.add.f32 [tilespmem:s19], [sflag:$0x2], $0x80, s17, s18, $0xb8;
	[tilespmem:$0x1F800] =	vst v63  }
0x2a: {  	s26 =	sadd.s32 $0x10, s14;
	p1 =	sne.s32 s29, $0x0;
	_ =	swait.ge [sflag:s22], $0x4000  }
0x2b: {  	s29 =	sshll.u32 s29, $0x7;
	s30 =	sand.u32 @!p1 $0x1000, s1;
	[sflag:s22] =	ssyncset.done $0x0  }
0x2c: {  	s31 =	simm.s32 @!p1 $0x0;
	s30 =	sshrl.u32 @!p1 s30, $0x2;
	[sflag:s22] =	ssyncadd.s32 $0xFFFFC000  }
0x2d: {  	[tilespmem:s30], [sflag:$0x3] =	stream.linear.gather @!p1 [hbm4b:s14+s31], $0x400, $0x38;
	[tilespmem:$0x1F800] =	vst v63  }
0x2e: {  	s28 =	sand.u32 $0x10000, s28;
	s1 =	sand.u32 $0x1000, s1;
	s30 =	simm.s32 @!p1 $0x3  }
0x2f: {  	s28 =	sshrl.u32 s28, $0x2;
	s1 =	sshrl.u32 s1, $0x2;
	_ =	swait.ge @!p1 [sflag:s30], $0x400  }
0x30: {  	s1 =	sor.u32 s29, s1;
	s31 =	simm.s32 $0x10000;
	[sflag:s30] =	ssyncset.done @!p1 $0x0  }
.Ltmp0:
0x31: {  	[sflag:s30] =	ssyncadd.s32 @!p1 $0xFFFFFC00;
	s30 =	sor.u32 $0x3800, s28;
	(pc) =	sbr.rel @!p0 .LBB2_3-.Ltmp0, $4  }
0x32: {  	[tilespmem:s30], [sflag:$0x1] =	stream.indirect.gather [hbm4b:s4+s18], $0x80, s1, s18, $0xb8;
	[tilespmem:$0x1F800] =	vst v63  }
0x33: {  	s29 =	sadd.s32 $0xFFFFFFF0, s12;
	s20 =	sand.u32 $0x10000, s31;
	_ =	swait.ge [sflag:s21], $0x4000  }
0x34: {  	s28 =	simm.s32 $0x30000;
	s1 =	sshrl.u32 s20, $0x2;
	[sflag:s21] =	ssyncset.done $0x0  }
0x35: {  	s31 =	sor.u32 $0x3800, s1;
	s1 =	simm.s32 $0x880;
	[sflag:s21] =	ssyncadd.s32 $0xFFFFC000  }
.LBB2_2:
0x36: {  	[spmem:s2] =	stream.indirect.scatter.add.f32 [tilespmem:s31], [sflag:$0x2], $0x80, s1, s18, $0xb8;
	[tilespmem:$0x1F800] =	vst v63  }
0x37: {  	s1 =	smov.u32 s24;
	s24 =	sadd.s32 $0x200, s24;
	s30 =	smov.u32 s25  }
0x38: {  	s31 =	smov.u32 s26;
	p0 =	sne.s32 s13, s24  }
0x39: {  	s25 =	sadd.s32 $0x1, s25;
	s26 =	sadd.s32 $0x10, s26  }
0x3a: {  	s0 =	sadd.s32 $0xFFFF0000, s28;
	s29 =	sadd.s32 $0xFFFFFFF0, s29;
	s30 =	sand.u32 $0x7, s30  }
0x3b: {  	p1 =	sne.s32 s30, $0x0;
	s20 =	sshll.u32 s30, $0x7;
	_ =	swait.ge [sflag:s22], $0x4000  }
0x3c: {  	s30 =	sand.u32 @!p1 $0x1000, s1;
	s6 =	simm.s32 @!p1 $0x0;
	[sflag:s22] =	ssyncset.done $0x0  }
0x3d: {  	s8 =	simm.s32 @!p1 $0x3;
	s30 =	sshrl.u32 @!p1 s30, $0x2;
	[sflag:s22] =	ssyncadd.s32 $0xFFFFC000  }
0x3e: {  	[tilespmem:s30], [sflag:$0x3] =	stream.linear.gather @!p1 [hbm4b:s31+s6], $0x400, $0x38;
	[tilespmem:$0x1F800] =	vst v63  }
0x3f: {  	s6 =	sand.u32 $0x10000, s28  }
0x40: {  	s30 =	sand.u32 $0x1000, s1;
	_ =	swait.ge @!p1 [sflag:s8], $0x400;
	s6 =	sshrl.u32 s6, $0x2  }
0x41: {  	s31 =	sshrl.u32 s30, $0x2;
	[sflag:s8] =	ssyncset.done @!p1 $0x0;
	s30 =	sor.u32 $0x3800, s6  }
.Ltmp1:
0x42: {  	s6 =	sor.u32 s20, s31;
	[sflag:s8] =	ssyncadd.s32 @!p1 $0xFFFFFC00;
	(pc) =	sbr.rel @p0 .LBB2_2-.Ltmp1, $4  }
0x43: {  	[tilespmem:s30], [sflag:$0x1] =	stream.indirect.gather [hbm4b:s4+s18], $0x80, s6, s18, $0xb8;
	[tilespmem:$0x1F800] =	vst v63  }
0x44: {  	s0 =	sand.u32 $0x10000, s0;
	s28 =	sadd.s32 $0x10000, s28;
	_ =	swait.ge [sflag:s21], $0x4000  }
0x45: {  	s0 =	sshrl.u32 s0, $0x2;
	s1 =	sshra.s32 s1, $0x2;
	[sflag:s21] =	ssyncset.done $0x0  }
0x46: {  	s1 =	sadd.s32 $0x780, s1;
	s31 =	sor.u32 $0x3800, s0;
	[sflag:s21] =	ssyncadd.s32 $0xFFFFC000  }
.LBB2_3:
0x47: {  	[spmem:s2] =	stream.indirect.scatter.add.f32 [tilespmem:s31], [sflag:$0x2], $0x80, s1, s18, $0xb8;
	[tilespmem:$0x1F800] =	vst v63  }
0x48: {  	p0 =	sge.u32 s25, s5  }
0x49: {  	s0 =	simm.s32 @!p0 $0x2;
	s1 =	sand.u32 @!p0 $0x7, s25  }
0x4a: {  	_ =	swait.ge @!p0 [sflag:s0], $0x4000;
	p1 =	sne.s32 @!p0 s1, $0x0  }
0x4b: {  	[sflag:s0] =	ssyncset.done @!p0 $0x0;
	p1 =	por p1, p0  }
0x4c: {  	[sflag:s0] =	ssyncadd.s32 @!p0 $0xFFFFC000;
	s0 =	sand.u32 @!p1 $0x1000, s24  }
0x4d: {  	s6 =	ssub.s32 @!p1 $0x0, s29;
	s8 =	simm.s32 @!p1 $0x0;
	s0 =	sshrl.u32 @!p1 s0, $0x2  }
0x4e: {  	[tilespmem:s0], [sflag:$0x3] =	stream.linear.gather @!p1 [hbm4b:s6+s8], $0x400, $0x38;
	[tilespmem:$0x1F800] =	vst v63  }
0x4f: {  	s0 =	simm.s32 @!p1 $0x3  }
0x50: {  	_ =	swait.ge @!p1 [sflag:s0], $0x400  }
0x51: {  	[sflag:s0] =	ssyncset.done @!p1 $0x0  }
0x52: {  	s6 =	sand.u32 @!p0 $0x1000, s24;
	[sflag:s0] =	ssyncadd.s32 @!p1 $0xFFFFFC00;
	s0 =	sand.u32 @!p0 $0x10000, s28  }
0x53: {  	s1 =	sshll.u32 @!p0 s1, $0x7;
	s6 =	sshrl.u32 @!p0 s6, $0x2;
	s0 =	sshrl.u32 @!p0 s0, $0x2  }
0x54: {  	s1 =	sor.u32 @!p0 s1, s6;
	s6 =	simm.s32 @!p0 $0x80;
	s0 =	sor.u32 @!p0 $0x3800, s0  }
0x55: {  	[tilespmem:s0], [sflag:$0x1] =	stream.indirect.gather @!p0 [hbm4b:s4+s6], $0x80, s1, s6, $0xb8;
	[tilespmem:$0x1F800] =	vst v63  }
0x56: {  	_ =	swait.ge [sflag:s21], $0x4000  }
0x57: {  	s31 =	sshra.s32 s24, $0x2;
	[sflag:s21] =	ssyncset.done $0x0  }
0x58: {  	s0 =	sadd.s32 $0x780, s31;
	[sflag:s21] =	ssyncadd.s32 $0xFFFFC000  }
0x59: {  	[spmem:s2] =	stream.indirect.scatter.add.f32 [tilespmem:s30], [sflag:$0x2], $0x80, s0, s18, $0xb8;
	[tilespmem:$0x1F800] =	vst v63  }
0x5a: {  	_ =	swait.ge [sflag:s22], $0x4000  }
0x5b: {  	[sflag:s22] =	ssyncset.done $0x0  }
0x5c: {  	[sflag:s22] =	ssyncadd.s32 $0xFFFFC000  }
0x5d: {  	_ =	swait.ge [sflag:s22], $0x4000  }
0x5e: {  	s23 =	sadd.s32 $0x1, s23;
	[sflag:s22] =	ssyncset.done $0x0  }
0x5f: {  	p0 =	sne.s32 s23, s11;
	[sflag:s22] =	ssyncadd.s32 $0xFFFFC000  }
.Ltmp2:
0x60: {  	[bflag:$0x0] =	sbarrier.arrive $0xFFFF;
	(pc) =	sbr.rel @p0 .LBB2_1-.Ltmp2, $4  }
0x61: {  	[hbm:s10], [sflag:s7] =	dma.local [spmem:s15], $0x2800  }
0x62: {  	_ =	swait.ge [sflag:s16], $0x2800  }
0x63: {  	[sflag:s16] =	ssyncset.done $0x0  }
0x64: {  	[sflag:s16] =	ssyncadd.s32 $0xFFFFD800  }
0x65: {  	_ =	sfence.sel $0x180000  }
0x66: {  	[bflag:$0x0] =	sbarrier.arrive $0xFFFF  }
0x67: {  	_ =	strace $0x90000050  }
0x68: {  	s0 =	stileid.u32;
	[bflag:$0x2] =	sbarrier.arrive $0xFFFF  }
0x69: {  	p0 =	sne.s32 s0, $0x0;
	s0 =	rddreg [dreg:$0x2]  }
0x6a: {  	s0 =	sadd.s32 @!p0 $0x100000, s0  }
0x6b: {  	[sflag:s0] =	ssyncadd.tile.s32 @!p0 $0x1;
	_ =	shalt  }
.Lfunc_end2:
_tile_overlayer_lowered:
.L_overlay_start_2:
0x6c: {  	(tag) =	ssettag $0x2  }
0x6d: {  	s0 =	rddreg [dreg:$0x0];
	s2 =	stileid.u32  }
0x6e: {  	s1 =	rddreg [dreg:$0x1];
	p0 =	sne.s32 s2, $0x0  }
0x6f: {  	s3 =	rddreg [dreg:$0x2];
	[bflag:$0x3] =	sbarrier.arrive $0xFFFF;
	s2 =	simm.s32 @!p0 $0x1C03  }
0x70: {  	[timem:s3], [sflag:s2] =	dma.local @!p0 [hbm:s0], s1  }
0x71: {  	s0 =	simm.s32 @!p0 $0x3  }
0x72: {  	_ =	swait.ge @!p0 [sflag:s0], s1  }
0x73: {  	s1 =	ssub.s32 @!p0 $0x0, s1;
	[sflag:s0] =	ssyncset.done @!p0 $0x0  }
0x74: {  	[sflag:s0] =	ssyncadd.s32 @!p0 s1  }
0x75: {  	[bflag:$0x3] =	sbarrier.arrive $0xFFFF  }
0x76: {  	_ =	shalt  }

</sc_bundles>
